<compile_context>
chip_gen: v7x
topology: tpu7x:2x2x1
jax: 0.10.2.dev20260603
libtpu: 0.0.44.dev20260713+nightly
codegen_flags: <defaults>
</compile_context>

<pallas_src>
import functools

import jax
import jax.numpy as jnp
from jax import lax
from jax.experimental import pallas as pl
from jax.experimental.pallas import tpu as pltpu
from jax.experimental.pallas import tpu_sc as plsc

B, T, D, LT, NQ = 32, 1024, 1024, 32, 32
TR = 512


def _dot(a, b):
    bf = jnp.bfloat16
    K = a.shape[-1]
    acc = None
    for k0 in range(0, K, 256):
        d = jnp.dot(a[:, k0:k0 + 256].astype(bf), b[k0:k0 + 256, :].astype(bf),
                    preferred_element_type=jnp.float32)
        acc = d if acc is None else acc + d
    return acc


def _txt_pool_body(txt_ref, w_ref, b_ref, tm_ref, out_ref):
    w = w_ref[...]
    bias = b_ref[...]
    for bb_ in range(B):
        x = txt_ref[bb_]
        h = jnp.tanh(_dot(x, w) + bias) * tm_ref[bb_]
        s = jnp.sum(h, axis=0, keepdims=True)
        cnt = jnp.sum(tm_ref[bb_])
        out_ref[bb_] = s / jnp.maximum(cnt, 1.0)


def _txt_pool(txt_feat, W_txt, b_txt, tm3):
    return pl.pallas_call(
        _txt_pool_body,
        out_shape=jax.ShapeDtypeStruct((B, 1, D), jnp.float32),
    )(txt_feat, W_txt, b_txt, tm3)


def _logit_body(a_ref, wb_ref, bb_ref, out_ref):
    lg = _dot(a_ref[0], wb_ref[...])
    out_ref[0, 0, :] = lg[:, 0] + bb_ref[0, 0]


def _logit_proj(amid, wb_pad, bb2):
    return pl.pallas_call(
        _logit_body,
        grid=(B, T // TR),
        in_specs=[
            pl.BlockSpec((1, TR, D), lambda b, t: (b, t, 0)),
            pl.BlockSpec((D, 128), lambda b, t: (0, 0)),
            pl.BlockSpec((1, 1), lambda b, t: (0, 0)),
        ],
        out_specs=pl.BlockSpec((1, 1, TR), lambda b, t: (b, 0, t)),
        out_shape=jax.ShapeDtypeStruct((B, 1, T), jnp.float32),
    )(amid, wb_pad, bb2)


def _sc_topk_gather(lg2, vid2):
    info = plsc.get_sparse_core_info()
    NC = info.num_cores
    mesh = plsc.VectorSubcoreMesh(core_axis_name="c", subcore_axis_name="s")

    @functools.partial(
        pl.kernel,
        mesh=mesh,
        out_type=[jax.ShapeDtypeStruct((B, NQ), jnp.float32),
                  jax.ShapeDtypeStruct((B * NQ, D), jnp.float32)],
        scratch_types=[pltpu.VMEM((T,), jnp.float32),
                       pltpu.VMEM((NQ,), jnp.float32),
                       pltpu.VMEM((NQ,), jnp.int32),
                       pltpu.VMEM((NQ, D), jnp.float32),
                       pltpu.SemaphoreType.DMA],
    )
    def sc_k(lg_hbm, vid_hbm, rc_hbm, g_hbm, lg_v, rc_v, ig_v, rows_v, sem):
        b = lax.axis_index("s") * NC + lax.axis_index("c")
        pltpu.sync_copy(lg_hbm.at[b], lg_v)
        lanes = lax.iota(jnp.int32, 16)
        neg = jnp.full((16,), -3.0e38, jnp.float32)
        zero_i = jnp.zeros((16,), jnp.int32)

        big = jnp.full((16,), 2 ** 30, jnp.int32)
        zerof = jnp.zeros((16,), jnp.float32)
        lane0 = lanes == jnp.zeros((16,), jnp.int32)

        def _butterfly(x, op):
            for s in (8, 4, 2, 1):
                idx = jnp.bitwise_xor(lanes, jnp.full((16,), s, jnp.int32))
                x = op(x, x.at[idx].get(mode="promise_in_bounds"))
            return x

        def extract(j, carry):
            rc_lo, rc_hi, ig_lo, ig_hi, gi_prev = carry

            def scan_chunk(c, mc):
                m, mi = mc
                v = lg_v[pl.ds(c * 16, 16)]
                idxv = lanes + jnp.full((16,), c * 16, jnp.int32)
                v = jnp.where(idxv == gi_prev, neg, v)
                lg_v[pl.ds(c * 16, 16)] = v
                gt = v > m
                return (jnp.where(gt, v, m), jnp.where(gt, idxv, mi))

            m, mi = lax.fori_loop(0, T // 16, scan_chunk, (neg, zero_i))
            gm_vec = _butterfly(m, jnp.maximum)
            sel = jnp.where(m == gm_vec, mi, big)
            gi_vec = _butterfly(sel, jnp.minimum)
            rc_vec = gi_vec.astype(jnp.float32) * jnp.full(
                (16,), 1.0 / T, jnp.float32)
            ij_vec = (rc_vec * jnp.full((16,), float(T - 1), jnp.float32)
                      + jnp.full((16,), 0.5, jnp.float32)).astype(jnp.int32)
            grow = jnp.full((16,), b * T, jnp.int32) + ij_vec
            lane_lo = jnp.where(j < 16, j, 999)
            lane_hi = jnp.where(j >= 16, j - 16, 999)
            m_lo = lanes == jnp.full((16,), lane_lo, jnp.int32)
            m_hi = lanes == jnp.full((16,), lane_hi, jnp.int32)
            rc_lo = jnp.where(m_lo, rc_vec, rc_lo)
            rc_hi = jnp.where(m_hi, rc_vec, rc_hi)
            ig_lo = jnp.where(m_lo, grow, ig_lo)
            ig_hi = jnp.where(m_hi, grow, ig_hi)
            return rc_lo, rc_hi, ig_lo, ig_hi, gi_vec

        rc_lo, rc_hi, ig_lo, ig_hi, _ = lax.fori_loop(
            0, NQ, extract,
            (zerof, zerof, zero_i, zero_i, jnp.full((16,), -1, jnp.int32)))
        rc_v[pl.ds(0, 16)] = rc_lo
        rc_v[pl.ds(16, 16)] = rc_hi
        ig_v[pl.ds(0, 16)] = ig_lo
        ig_v[pl.ds(16, 16)] = ig_hi
        pltpu.sync_copy(rc_v, rc_hbm.at[b])
        pltpu.async_copy(vid_hbm.at[ig_v], rows_v, sem).wait()
        pltpu.sync_copy(rows_v, g_hbm.at[pl.ds(b * NQ, NQ)])

    return sc_k(lg2, vid2)


def _head_body(g_ref, rc_ref, wh_ref, bh_ref, st_ref, en_ref, sc_ref):
    fq = g_ref[...]
    hh = _dot(fq, wh_ref[...]) + bh_ref[...]
    offs = jnp.tanh(hh[:, 0:2]) * 0.5
    rc0 = rc_ref[...]
    st_ref[...] = jnp.clip(rc0 - 0.05 + offs[:, 0:1], 0.0, 1.0)
    en_ref[...] = jnp.clip(rc0 + 0.05 + offs[:, 1:2], 0.0, 1.0)
    sc_ref[...] = hh[:, 2:3]


def _head(g2, rc2, w_head, b_head):
    M = B * NQ
    return pl.pallas_call(
        _head_body,
        out_shape=[
            jax.ShapeDtypeStruct((M, 1), jnp.float32),
            jax.ShapeDtypeStruct((M, 1), jnp.float32),
            jax.ShapeDtypeStruct((M, 1), jnp.float32),
        ],
    )(g2, rc2, w_head, b_head)


def kernel(vid_feat, txt_feat, W_vid, b_vid, W_txt, b_txt, W_stage1, b_stage1,
           Wa, ba, Wb, bb, W_prop, b_prop, W_score, b_score, txt_mask):
    f32 = jnp.float32
    tm3 = txt_mask.astype(f32).reshape(B, LT, 1)
    tp = _txt_pool(txt_feat, W_txt, b_txt.reshape(1, D), tm3)

    vid = jax.nn.relu(jnp.dot(vid_feat, W_vid) + b_vid) + tp
    h = jnp.dot(vid, W_stage1) + b_stage1
    amid = jax.nn.relu(jnp.dot(h[..., 2 * D:], Wa[2]) + ba[2])

    logits = (jnp.dot(amid, Wb[2]) + bb[2])[..., 0]
    rc, g = _sc_topk_gather(logits, vid.reshape(B * T, D))

    w_head = jnp.zeros((D, 128), f32)
    w_head = w_head.at[:, 0:2].set(W_prop[2])
    w_head = w_head.at[:, 2:3].set(W_score[2])
    b_head = jnp.zeros((1, 128), f32)
    b_head = b_head.at[0, 0:2].set(b_prop[2])
    b_head = b_head.at[0, 2:3].set(b_score[2])

    st, en, sc = _head(g, rc.reshape(B * NQ, 1), w_head, b_head)
    out = jnp.concatenate([st, en, sc], axis=-1)
    return out.reshape(B, NQ, 3)

# --- scband reference (transcript-rebuilt; emitter-appended) ---
"""Pipeline reference for scband-multi-scale-temporal-detr-19069654794262 (READ-ONLY COPY).

The authoritative reference and input builder live on the scoring server;
editing this copy changes nothing except your own understanding.
"""

import jax, jax.numpy as jnp
import numpy as np

B, T, D, LT, NQ = 32, 1024, 1024, 32, 32

def setup_inputs(seed: int = 0):
    key = jax.random.key(seed)
    ks = jax.random.split(key, 14)
    s = 0.02
    return {
        "vid_feat": jax.random.normal(ks[0], (B, T, D), dtype=jnp.float32),
        "txt_feat": jax.random.normal(ks[1], (B, LT, D), dtype=jnp.float32),
        "W_vid": jax.random.normal(ks[2], (D, D), dtype=jnp.float32) * s,
        "b_vid": jnp.zeros((D,), jnp.float32),
        "W_txt": jax.random.normal(ks[3], (D, D), dtype=jnp.float32) * s,
        "b_txt": jnp.zeros((D,), jnp.float32),
        "W_stage1": jax.random.normal(ks[4], (D, 3 * D), dtype=jnp.float32) * s,
        "b_stage1": jnp.zeros((3 * D,), jnp.float32),
        "Wa": jax.random.normal(ks[5], (3, D, D), dtype=jnp.float32) * s,
        "ba": jnp.zeros((3, D), jnp.float32),
        "Wb": jax.random.normal(ks[6], (3, D, 1), dtype=jnp.float32) * s,
        "bb": jnp.zeros((3, 1), jnp.float32),
        "W_prop": jax.random.normal(ks[7], (3, D, 2), dtype=jnp.float32) * s,
        "b_prop": jnp.zeros((3, 2), jnp.float32),
        "W_score": jax.random.normal(ks[8], (3, D, 1), dtype=jnp.float32) * s,
        "b_score": jnp.zeros((3, 1), jnp.float32),
        "txt_mask": jnp.ones((B, LT), jnp.bool_),
    }

def _pool(x, s):
    b, t, d = x.shape
    return x.reshape(b, t // s, s, d).mean(axis=2)

def _forward(vid_feat, txt_feat, W_vid, b_vid, W_txt, b_txt, W_stage1, b_stage1, Wa, ba, Wb, bb, W_prop, b_prop, W_score, b_score, txt_mask):
    # backbone: project txt (masked) and vid, fuse via pooled text, build 3-level temporal pyramid
    word_mask = jnp.zeros(txt_mask.shape, dtype=jnp.bool_)
    tm = jnp.logical_and(txt_mask, jnp.logical_not(word_mask)).astype(jnp.float32)
    txt = jnp.tanh(txt_feat @ W_txt + b_txt) * tm[..., None]
    txt_pool = txt.sum(axis=1, keepdims=True) / jnp.maximum(tm.sum(axis=1)[:, None, None], 1.0)
    vid = jax.nn.relu(vid_feat @ W_vid + b_vid) + txt_pool
    vid_lvls = [_pool(vid, 4), _pool(vid, 2), vid]
    # stage_mlp1: Linear(d_model, 3*d_model), split into st/ed/md heads
    h = vid_lvls[-1] @ W_stage1 + b_stage1
    hs = jnp.split(h, 3, axis=-1)
    logits = [jax.nn.relu(hs[i] @ Wa[i] + ba[i]) @ Wb[i] + bb[i] for i in range(3)]
    stage_logits = jnp.concatenate(logits, axis=-1)  # [B, T, 3]
    num_clips = vid.shape[1]
    _, topk_idx = jax.lax.top_k(stage_logits[..., -1], NQ)
    ref_centers = jax.lax.stop_gradient(topk_idx.astype(jnp.float32) / num_clips)  # .detach()
    # head: gather per-level features at reference centers, regress proposals + scores
    proposals = []
    scores = []
    for li, v in enumerate(vid_lvls):
        Tl = v.shape[1]
        idx = jnp.clip(jnp.round(ref_centers * (Tl - 1)).astype(jnp.int32), 0, Tl - 1)
        feat_q = jnp.take_along_axis(v, idx[..., None], axis=1)  # [B, NQ, D]
        offs = jnp.tanh(feat_q @ W_prop[li] + b_prop[li]) * 0.5
        ctr = ref_centers[..., None]
        prop = jnp.clip(jnp.concatenate([ctr - 0.05 + offs[..., :1], ctr + 0.05 + offs[..., 1:]], axis=-1), 0.0, 1.0)
        sc = (feat_q @ W_score[li] + b_score[li])[..., 0]
        proposals.append(prop)
        scores.append(sc)
    # inference-mode output: last-level boxes + scores, packed [B, NQ, 3]
    return jnp.concatenate([proposals[-1], scores[-1][..., None]], axis=-1)

def reference(vid_feat, txt_feat, W_vid, b_vid, W_txt, b_txt, W_stage1, b_stage1, Wa, ba, Wb, bb, W_prop, b_prop, W_score, b_score, txt_mask):
    return _forward(vid_feat, txt_feat, W_vid, b_vid, W_txt, b_txt, W_stage1, b_stage1, Wa, ba, Wb, bb, W_prop, b_prop, W_score, b_score, txt_mask)

if __name__ == "__main__":
    import jax
    _d = setup_inputs()
    print(jax.jit(kernel)(*tuple(_d.values())))

</pallas_src>

<mosaic_0001>
#map = affine_map<(d0, d1) -> (0, 0)>
module attributes {stable_mosaic.version = 14 : i64} {
  func.func @sc_k(%arg0: i32, %arg1: i32, %arg2: memref<32x1024xf32, #tpu.memory_space<hbm>>, %arg3: memref<32768x1024xf32, #tpu.memory_space<hbm>>, %arg4: memref<32x32xf32, #tpu.memory_space<hbm>>, %arg5: memref<1024x1024xf32, #tpu.memory_space<hbm>>, %arg6: memref<1024xf32, #tpu.memory_space<vmem>>, %arg7: memref<32xf32, #tpu.memory_space<vmem>>, %arg8: memref<32xi32, #tpu.memory_space<vmem>>, %arg9: memref<32x1024xf32, #tpu.memory_space<vmem>>, %arg10: memref<!tpu.dma_semaphore, #tpu.memory_space<semaphore_mem>>) attributes {dimension_semantics = [#tpu.dimension_semantics<core_parallel>, #tpu.dimension_semantics<subcore_parallel>], iteration_bounds = array<i64: 2, 16>, scalar_prefetch = 0 : i64, scratch_operands = 5 : i64, tpu.core_type = #tpu.core_type<sc_vector_subcore>, window_params = [{transform_indices = #map}, {transform_indices = #map}, {transform_indices = #map}, {transform_indices = #map}]} {
    %mul3A = arith.constant 2 : i32
    %mul3A_0 = arith.muli %arg1, %mul3A : i32
    %add3A = arith.addi %mul3A_0, %arg0 : i32
    "tpu.region"() ({
      %run_scoped3A = tpu.sem_alloc : memref<!tpu.dma_semaphore, #tpu.memory_space<semaphore_mem>>
      %dma_start3A_38 = arith.constant 0 : i32
      %dma_start3A_39 = tpu.memref_slice %arg2[%add3A, %dma_start3A_38] : memref<32x1024xf32, #tpu.memory_space<hbm>> -> memref<1x1024xf32, #tpu.memory_space<hbm>>
      %dma_start3A_40 = tpu.memref_squeeze %dma_start3A_39 : memref<1x1024xf32, #tpu.memory_space<hbm>> -> memref<1024xf32, #tpu.memory_space<hbm>>
      %dma_start3A_41 = arith.constant 0 : i32
      %dma_start3A_42 = tpu.memref_slice %arg2[%add3A, %dma_start3A_41] : memref<32x1024xf32, #tpu.memory_space<hbm>> -> memref<1x1024xf32, #tpu.memory_space<hbm>>
      %dma_start3A_43 = tpu.memref_squeeze %dma_start3A_42 : memref<1x1024xf32, #tpu.memory_space<hbm>> -> memref<1024xf32, #tpu.memory_space<hbm>>
      tpu.enqueue_dma source(%dma_start3A_43 : memref<1024xf32, #tpu.memory_space<hbm>>) target(%arg6 : memref<1024xf32, #tpu.memory_space<vmem>>) target_semaphore(%run_scoped3A : memref<!tpu.dma_semaphore, #tpu.memory_space<semaphore_mem>>)
      %dma_wait3A_44 = arith.constant 0 : i32
      %dma_wait3A_45 = tpu.memref_slice %arg2[%add3A, %dma_wait3A_44] : memref<32x1024xf32, #tpu.memory_space<hbm>> -> memref<1x1024xf32, #tpu.memory_space<hbm>>
      %dma_wait3A_46 = tpu.memref_squeeze %dma_wait3A_45 : memref<1x1024xf32, #tpu.memory_space<hbm>> -> memref<1024xf32, #tpu.memory_space<hbm>>
      %dma_wait3A_47 = arith.constant 0 : i32
      %dma_wait3A_48 = tpu.memref_slice %arg2[%add3A, %dma_wait3A_47] : memref<32x1024xf32, #tpu.memory_space<hbm>> -> memref<1x1024xf32, #tpu.memory_space<hbm>>
      %dma_wait3A_49 = tpu.memref_squeeze %dma_wait3A_48 : memref<1x1024xf32, #tpu.memory_space<hbm>> -> memref<1024xf32, #tpu.memory_space<hbm>>
      tpu.wait_dma2 semaphore(%run_scoped3A : memref<!tpu.dma_semaphore, #tpu.memory_space<semaphore_mem>>) src(%dma_wait3A_49 : memref<1024xf32, #tpu.memory_space<hbm>>) dst(%arg6 : memref<1024xf32, #tpu.memory_space<vmem>>)
      tpu.yield
    }) : () -> ()
    %iota3A = tpu.iota {dimensions = array<i32: 0>} : vector<16xi32>
    %broadcast_in_dim3A = arith.constant -3.000000e+38 : f32
    %broadcast_in_dim3A_1 = vector.broadcast %broadcast_in_dim3A : f32 to vector<16xf32>
    %broadcast_in_dim3A_2 = arith.constant 0 : i32
    %broadcast_in_dim3A_3 = vector.broadcast %broadcast_in_dim3A_2 : i32 to vector<16xi32>
    %broadcast_in_dim3A_4 = arith.constant 1073741824 : i32
    %broadcast_in_dim3A_5 = vector.broadcast %broadcast_in_dim3A_4 : i32 to vector<16xi32>
    %broadcast_in_dim3A_6 = arith.constant 0.000000e+00 : f32
    %broadcast_in_dim3A_7 = vector.broadcast %broadcast_in_dim3A_6 : f32 to vector<16xf32>
    %broadcast_in_dim3A_8 = arith.constant 0 : i32
    %broadcast_in_dim3A_9 = vector.broadcast %broadcast_in_dim3A_8 : i32 to vector<16xi32>
    %eq3A = arith.cmpi eq, %iota3A, %broadcast_in_dim3A_9 : vector<16xi32>
    %broadcast_in_dim3A_10 = arith.constant -1 : i32
    %broadcast_in_dim3A_11 = vector.broadcast %broadcast_in_dim3A_10 : i32 to vector<16xi32>
    %scan3A = arith.constant 0 : i32
    %scan3A_12 = arith.constant 32 : i32
    %scan3A_13 = arith.addi %scan3A, %scan3A_12 : i32
    %scan3A_14 = arith.constant 1 : i32
    %scan3A_15:5 = scf.for %scan3A_38 = %scan3A to %scan3A_13 step %scan3A_14 iter_args(%scan3A_39 = %broadcast_in_dim3A_7, %scan3A_40 = %broadcast_in_dim3A_7, %scan3A_41 = %broadcast_in_dim3A_3, %scan3A_42 = %broadcast_in_dim3A_3, %scan3A_43 = %broadcast_in_dim3A_11) -> (vector<16xf32>, vector<16xf32>, vector<16xi32>, vector<16xi32>, vector<16xi32>)  : i32 {
      %scan3A_44 = arith.constant 0 : i32
      %scan3A_45 = arith.constant 64 : i32
      %scan3A_46 = arith.addi %scan3A_44, %scan3A_45 : i32
      %scan3A_47 = arith.constant 1 : i32
      %scan3A_48:2 = scf.for %scan3A_187 = %scan3A_44 to %scan3A_46 step %scan3A_47 iter_args(%scan3A_188 = %broadcast_in_dim3A_1, %scan3A_189 = %broadcast_in_dim3A_3) -> (vector<16xf32>, vector<16xi32>)  : i32 {
        %mul3A_190 = arith.constant 16 : i32
        %mul3A_191 = arith.muli %scan3A_187, %mul3A_190 : i32
        %get3A = arith.index_cast %mul3A_191 : i32 to index
        %get3A_192 = tpu.vector_load %arg6[%get3A] {strides = array<i32>} : memref<1024xf32, #tpu.memory_space<vmem>>, vector<16xf32>,
        %get3A_193 = vector.shape_cast %get3A_192 : vector<16xf32> to vector<16xf32>
        %mul3A_194 = arith.constant 16 : i32
        %mul3A_195 = arith.muli %scan3A_187, %mul3A_194 : i32
        %broadcast_in_dim3A_196 = vector.broadcast %mul3A_195 : i32 to vector<16xi32>
        %add3A_197 = arith.addi %iota3A, %broadcast_in_dim3A_196 : vector<16xi32>
        %eq3A_198 = arith.cmpi eq, %add3A_197, %scan3A_43 : vector<16xi32>
        %select_n3A_199 = arith.select %eq3A_198, %broadcast_in_dim3A_1, %get3A_193 : vector<16xi1>, vector<16xf32>
        %mul3A_200 = arith.constant 16 : i32
        %mul3A_201 = arith.muli %scan3A_187, %mul3A_200 : i32
        %swap3A_202 = arith.index_cast %mul3A_201 : i32 to index
        %swap3A_203 = tpu.vector_load %arg6[%swap3A_202] {strides = array<i32>} : memref<1024xf32, #tpu.memory_space<vmem>>, vector<16xf32>,
        %swap3A_204 = vector.shape_cast %swap3A_203 : vector<16xf32> to vector<16xf32>
        %swap3A_205 = vector.shape_cast %select_n3A_199 : vector<16xf32> to vector<16xf32>
        tpu.vector_store %arg6[%swap3A_202], %swap3A_205 {strides = array<i32>} : memref<1024xf32, #tpu.memory_space<vmem>>, vector<16xf32>,
        %gt3A = arith.cmpf ogt, %select_n3A_199, %scan3A_188 : vector<16xf32>
        %select_n3A_206 = arith.select %gt3A, %select_n3A_199, %scan3A_188 : vector<16xi1>, vector<16xf32>
        %select_n3A_207 = arith.select %gt3A, %add3A_197, %scan3A_189 : vector<16xi1>, vector<16xi32>
        scf.yield %select_n3A_206, %select_n3A_207 : vector<16xf32>, vector<16xi32>
      }
      %scan3A_49 = arith.constant 64 : i32
      %broadcast_in_dim3A_50 = arith.constant 8 : i32
      %broadcast_in_dim3A_51 = vector.broadcast %broadcast_in_dim3A_50 : i32 to vector<16xi32>
      %xor3A = arith.xori %iota3A, %broadcast_in_dim3A_51 : vector<16xi32>
      %lt3A = arith.constant 0 : i32
      %lt3A_52 = vector.broadcast %lt3A : i32 to vector<16xi32>
      %lt3A_53 = arith.cmpi slt, %xor3A, %lt3A_52 : vector<16xi32>
      %add3A_54 = arith.constant 16 : i32
      %add3A_55 = vector.broadcast %add3A_54 : i32 to vector<16xi32>
      %add3A_56 = arith.addi %xor3A, %add3A_55 : vector<16xi32>
      %select_n3A = arith.select %lt3A_53, %add3A_56, %xor3A : vector<16xi1>, vector<16xi32>
      %broadcast_in_dim3A_57 = vector.shape_cast %select_n3A : vector<16xi32> to vector<16x1xi32>
      %gather3A = vector.shape_cast %broadcast_in_dim3A_57 : vector<16x1xi32> to vector<16xi32>
      %gather3A_58 = tpu.dynamic_gather %scan3A_48#0[%gather3A] in [0] : vector<16xf32>, vector<16xi32> -> vector<16xf32>
      %max3A = arith.maximumf %scan3A_48#0, %gather3A_58 : vector<16xf32>
      %broadcast_in_dim3A_59 = arith.constant 4 : i32
      %broadcast_in_dim3A_60 = vector.broadcast %broadcast_in_dim3A_59 : i32 to vector<16xi32>
      %xor3A_61 = arith.xori %iota3A, %broadcast_in_dim3A_60 : vector<16xi32>
      %lt3A_62 = arith.constant 0 : i32
      %lt3A_63 = vector.broadcast %lt3A_62 : i32 to vector<16xi32>
      %lt3A_64 = arith.cmpi slt, %xor3A_61, %lt3A_63 : vector<16xi32>
      %add3A_65 = arith.constant 16 : i32
      %add3A_66 = vector.broadcast %add3A_65 : i32 to vector<16xi32>
      %add3A_67 = arith.addi %xor3A_61, %add3A_66 : vector<16xi32>
      %select_n3A_68 = arith.select %lt3A_64, %add3A_67, %xor3A_61 : vector<16xi1>, vector<16xi32>
      %broadcast_in_dim3A_69 = vector.shape_cast %select_n3A_68 : vector<16xi32> to vector<16x1xi32>
      %gather3A_70 = vector.shape_cast %broadcast_in_dim3A_69 : vector<16x1xi32> to vector<16xi32>
      %gather3A_71 = tpu.dynamic_gather %max3A[%gather3A_70] in [0] : vector<16xf32>, vector<16xi32> -> vector<16xf32>
      %max3A_72 = arith.maximumf %max3A, %gather3A_71 : vector<16xf32>
      %broadcast_in_dim3A_73 = arith.constant 2 : i32
      %broadcast_in_dim3A_74 = vector.broadcast %broadcast_in_dim3A_73 : i32 to vector<16xi32>
      %xor3A_75 = arith.xori %iota3A, %broadcast_in_dim3A_74 : vector<16xi32>
      %lt3A_76 = arith.constant 0 : i32
      %lt3A_77 = vector.broadcast %lt3A_76 : i32 to vector<16xi32>
      %lt3A_78 = arith.cmpi slt, %xor3A_75, %lt3A_77 : vector<16xi32>
      %add3A_79 = arith.constant 16 : i32
      %add3A_80 = vector.broadcast %add3A_79 : i32 to vector<16xi32>
      %add3A_81 = arith.addi %xor3A_75, %add3A_80 : vector<16xi32>
      %select_n3A_82 = arith.select %lt3A_78, %add3A_81, %xor3A_75 : vector<16xi1>, vector<16xi32>
      %broadcast_in_dim3A_83 = vector.shape_cast %select_n3A_82 : vector<16xi32> to vector<16x1xi32>
      %gather3A_84 = vector.shape_cast %broadcast_in_dim3A_83 : vector<16x1xi32> to vector<16xi32>
      %gather3A_85 = tpu.dynamic_gather %max3A_72[%gather3A_84] in [0] : vector<16xf32>, vector<16xi32> -> vector<16xf32>
      %max3A_86 = arith.maximumf %max3A_72, %gather3A_85 : vector<16xf32>
      %broadcast_in_dim3A_87 = arith.constant 1 : i32
      %broadcast_in_dim3A_88 = vector.broadcast %broadcast_in_dim3A_87 : i32 to vector<16xi32>
      %xor3A_89 = arith.xori %iota3A, %broadcast_in_dim3A_88 : vector<16xi32>
      %lt3A_90 = arith.constant 0 : i32
      %lt3A_91 = vector.broadcast %lt3A_90 : i32 to vector<16xi32>
      %lt3A_92 = arith.cmpi slt, %xor3A_89, %lt3A_91 : vector<16xi32>
      %add3A_93 = arith.constant 16 : i32
      %add3A_94 = vector.broadcast %add3A_93 : i32 to vector<16xi32>
      %add3A_95 = arith.addi %xor3A_89, %add3A_94 : vector<16xi32>
      %select_n3A_96 = arith.select %lt3A_92, %add3A_95, %xor3A_89 : vector<16xi1>, vector<16xi32>
      %broadcast_in_dim3A_97 = vector.shape_cast %select_n3A_96 : vector<16xi32> to vector<16x1xi32>
      %gather3A_98 = vector.shape_cast %broadcast_in_dim3A_97 : vector<16x1xi32> to vector<16xi32>
      %gather3A_99 = tpu.dynamic_gather %max3A_86[%gather3A_98] in [0] : vector<16xf32>, vector<16xi32> -> vector<16xf32>
      %max3A_100 = arith.maximumf %max3A_86, %gather3A_99 : vector<16xf32>
      %eq3A_101 = arith.cmpf oeq, %scan3A_48#0, %max3A_100 : vector<16xf32>
      %select_n3A_102 = arith.select %eq3A_101, %scan3A_48#1, %broadcast_in_dim3A_5 : vector<16xi1>, vector<16xi32>
      %broadcast_in_dim3A_103 = arith.constant 8 : i32
      %broadcast_in_dim3A_104 = vector.broadcast %broadcast_in_dim3A_103 : i32 to vector<16xi32>
      %xor3A_105 = arith.xori %iota3A, %broadcast_in_dim3A_104 : vector<16xi32>
      %lt3A_106 = arith.constant 0 : i32
      %lt3A_107 = vector.broadcast %lt3A_106 : i32 to vector<16xi32>
      %lt3A_108 = arith.cmpi slt, %xor3A_105, %lt3A_107 : vector<16xi32>
      %add3A_109 = arith.constant 16 : i32
      %add3A_110 = vector.broadcast %add3A_109 : i32 to vector<16xi32>
      %add3A_111 = arith.addi %xor3A_105, %add3A_110 : vector<16xi32>
      %select_n3A_112 = arith.select %lt3A_108, %add3A_111, %xor3A_105 : vector<16xi1>, vector<16xi32>
      %broadcast_in_dim3A_113 = vector.shape_cast %select_n3A_112 : vector<16xi32> to vector<16x1xi32>
      %gather3A_114 = vector.shape_cast %broadcast_in_dim3A_113 : vector<16x1xi32> to vector<16xi32>
      %gather3A_115 = tpu.dynamic_gather %select_n3A_102[%gather3A_114] in [0] : vector<16xi32>, vector<16xi32> -> vector<16xi32>
      %min3A = arith.minsi %select_n3A_102, %gather3A_115 : vector<16xi32>
      %broadcast_in_dim3A_116 = arith.constant 4 : i32
      %broadcast_in_dim3A_117 = vector.broadcast %broadcast_in_dim3A_116 : i32 to vector<16xi32>
      %xor3A_118 = arith.xori %iota3A, %broadcast_in_dim3A_117 : vector<16xi32>
      %lt3A_119 = arith.constant 0 : i32
      %lt3A_120 = vector.broadcast %lt3A_119 : i32 to vector<16xi32>
      %lt3A_121 = arith.cmpi slt, %xor3A_118, %lt3A_120 : vector<16xi32>
      %add3A_122 = arith.constant 16 : i32
      %add3A_123 = vector.broadcast %add3A_122 : i32 to vector<16xi32>
      %add3A_124 = arith.addi %xor3A_118, %add3A_123 : vector<16xi32>
      %select_n3A_125 = arith.select %lt3A_121, %add3A_124, %xor3A_118 : vector<16xi1>, vector<16xi32>
      %broadcast_in_dim3A_126 = vector.shape_cast %select_n3A_125 : vector<16xi32> to vector<16x1xi32>
      %gather3A_127 = vector.shape_cast %broadcast_in_dim3A_126 : vector<16x1xi32> to vector<16xi32>
      %gather3A_128 = tpu.dynamic_gather %min3A[%gather3A_127] in [0] : vector<16xi32>, vector<16xi32> -> vector<16xi32>
      %min3A_129 = arith.minsi %min3A, %gather3A_128 : vector<16xi32>
      %broadcast_in_dim3A_130 = arith.constant 2 : i32
      %broadcast_in_dim3A_131 = vector.broadcast %broadcast_in_dim3A_130 : i32 to vector<16xi32>
      %xor3A_132 = arith.xori %iota3A, %broadcast_in_dim3A_131 : vector<16xi32>
      %lt3A_133 = arith.constant 0 : i32
      %lt3A_134 = vector.broadcast %lt3A_133 : i32 to vector<16xi32>
      %lt3A_135 = arith.cmpi slt, %xor3A_132, %lt3A_134 : vector<16xi32>
      %add3A_136 = arith.constant 16 : i32
      %add3A_137 = vector.broadcast %add3A_136 : i32 to vector<16xi32>
      %add3A_138 = arith.addi %xor3A_132, %add3A_137 : vector<16xi32>
      %select_n3A_139 = arith.select %lt3A_135, %add3A_138, %xor3A_132 : vector<16xi1>, vector<16xi32>
      %broadcast_in_dim3A_140 = vector.shape_cast %select_n3A_139 : vector<16xi32> to vector<16x1xi32>
      %gather3A_141 = vector.shape_cast %broadcast_in_dim3A_140 : vector<16x1xi32> to vector<16xi32>
      %gather3A_142 = tpu.dynamic_gather %min3A_129[%gather3A_141] in [0] : vector<16xi32>, vector<16xi32> -> vector<16xi32>
      %min3A_143 = arith.minsi %min3A_129, %gather3A_142 : vector<16xi32>
      %broadcast_in_dim3A_144 = arith.constant 1 : i32
      %broadcast_in_dim3A_145 = vector.broadcast %broadcast_in_dim3A_144 : i32 to vector<16xi32>
      %xor3A_146 = arith.xori %iota3A, %broadcast_in_dim3A_145 : vector<16xi32>
      %lt3A_147 = arith.constant 0 : i32
      %lt3A_148 = vector.broadcast %lt3A_147 : i32 to vector<16xi32>
      %lt3A_149 = arith.cmpi slt, %xor3A_146, %lt3A_148 : vector<16xi32>
      %add3A_150 = arith.constant 16 : i32
      %add3A_151 = vector.broadcast %add3A_150 : i32 to vector<16xi32>
      %add3A_152 = arith.addi %xor3A_146, %add3A_151 : vector<16xi32>
      %select_n3A_153 = arith.select %lt3A_149, %add3A_152, %xor3A_146 : vector<16xi1>, vector<16xi32>
      %broadcast_in_dim3A_154 = vector.shape_cast %select_n3A_153 : vector<16xi32> to vector<16x1xi32>
      %gather3A_155 = vector.shape_cast %broadcast_in_dim3A_154 : vector<16x1xi32> to vector<16xi32>
      %gather3A_156 = tpu.dynamic_gather %min3A_143[%gather3A_155] in [0] : vector<16xi32>, vector<16xi32> -> vector<16xi32>
      %min3A_157 = arith.minsi %min3A_143, %gather3A_156 : vector<16xi32>
      %convert_element_type3A = arith.sitofp %min3A_157 : vector<16xi32> to vector<16xf32>
      %broadcast_in_dim3A_158 = arith.constant 9.765625E-4 : f32
      %broadcast_in_dim3A_159 = vector.broadcast %broadcast_in_dim3A_158 : f32 to vector<16xf32>
      %mul3A_160 = arith.mulf %convert_element_type3A, %broadcast_in_dim3A_159 : vector<16xf32>
      %broadcast_in_dim3A_161 = arith.constant 1.023000e+03 : f32
      %broadcast_in_dim3A_162 = vector.broadcast %broadcast_in_dim3A_161 : f32 to vector<16xf32>
      %mul3A_163 = arith.mulf %mul3A_160, %broadcast_in_dim3A_162 : vector<16xf32>
      %broadcast_in_dim3A_164 = arith.constant 5.000000e-01 : f32
      %broadcast_in_dim3A_165 = vector.broadcast %broadcast_in_dim3A_164 : f32 to vector<16xf32>
      %add3A_166 = arith.addf %mul3A_163, %broadcast_in_dim3A_165 : vector<16xf32>
      %convert_element_type3A_167 = arith.fptosi %add3A_166 : vector<16xf32> to vector<16xi32>
      %mul3A_168 = arith.constant 1024 : i32
      %mul3A_169 = arith.muli %add3A, %mul3A_168 : i32
      %broadcast_in_dim3A_170 = vector.broadcast %mul3A_169 : i32 to vector<16xi32>
      %add3A_171 = arith.addi %broadcast_in_dim3A_170, %convert_element_type3A_167 : vector<16xi32>
      %lt3A_172 = arith.constant 16 : i32
      %lt3A_173 = arith.cmpi slt, %scan3A_38, %lt3A_172 : i32
      %jit3A = arith.constant 999 : i32
      %select_n3A_174 = arith.select %lt3A_173, %scan3A_38, %jit3A : i32
      %ge3A = arith.constant 16 : i32
      %ge3A_175 = arith.cmpi sge, %scan3A_38, %ge3A : i32
      %sub3A = arith.constant 16 : i32
      %sub3A_176 = arith.subi %scan3A_38, %sub3A : i32
      %jit3A_177 = arith.constant 999 : i32
      %select_n3A_178 = arith.select %ge3A_175, %sub3A_176, %jit3A_177 : i32
      %broadcast_in_dim3A_179 = vector.broadcast %select_n3A_174 : i32 to vector<16xi32>
      %eq3A_180 = arith.cmpi eq, %iota3A, %broadcast_in_dim3A_179 : vector<16xi32>
      %broadcast_in_dim3A_181 = vector.broadcast %select_n3A_178 : i32 to vector<16xi32>
      %eq3A_182 = arith.cmpi eq, %iota3A, %broadcast_in_dim3A_181 : vector<16xi32>
      %select_n3A_183 = arith.select %eq3A_180, %mul3A_160, %scan3A_39 : vector<16xi1>, vector<16xf32>
      %select_n3A_184 = arith.select %eq3A_182, %mul3A_160, %scan3A_40 : vector<16xi1>, vector<16xf32>
      %select_n3A_185 = arith.select %eq3A_180, %add3A_171, %scan3A_41 : vector<16xi1>, vector<16xi32>
      %select_n3A_186 = arith.select %eq3A_182, %add3A_171, %scan3A_42 : vector<16xi1>, vector<16xi32>
      scf.yield %select_n3A_183, %select_n3A_184, %select_n3A_185, %select_n3A_186, %min3A_157 : vector<16xf32>, vector<16xf32>, vector<16xi32>, vector<16xi32>, vector<16xi32>
    }
    %scan3A_16 = arith.constant 32 : i32
    %swap3A = arith.constant 0 : index
    %swap3A_17 = tpu.vector_load %arg7[%swap3A] {strides = array<i32>} : memref<32xf32, #tpu.memory_space<vmem>>, vector<16xf32>,
    %swap3A_18 = vector.shape_cast %swap3A_17 : vector<16xf32> to vector<16xf32>
    %swap3A_19 = vector.shape_cast %scan3A_15#0 : vector<16xf32> to vector<16xf32>
    tpu.vector_store %arg7[%swap3A], %swap3A_19 {strides = array<i32>} : memref<32xf32, #tpu.memory_space<vmem>>, vector<16xf32>,
    %swap3A_20 = arith.constant 16 : index
    %swap3A_21 = tpu.vector_load %arg7[%swap3A_20] {strides = array<i32>} : memref<32xf32, #tpu.memory_space<vmem>>, vector<16xf32>,
    %swap3A_22 = vector.shape_cast %swap3A_21 : vector<16xf32> to vector<16xf32>
    %swap3A_23 = vector.shape_cast %scan3A_15#1 : vector<16xf32> to vector<16xf32>
    tpu.vector_store %arg7[%swap3A_20], %swap3A_23 {strides = array<i32>} : memref<32xf32, #tpu.memory_space<vmem>>, vector<16xf32>,
    %swap3A_24 = arith.constant 0 : index
    %swap3A_25 = tpu.vector_load %arg8[%swap3A_24] {strides = array<i32>} : memref<32xi32, #tpu.memory_space<vmem>>, vector<16xi32>,
    %swap3A_26 = vector.shape_cast %swap3A_25 : vector<16xi32> to vector<16xi32>
    %swap3A_27 = vector.shape_cast %scan3A_15#2 : vector<16xi32> to vector<16xi32>
    tpu.vector_store %arg8[%swap3A_24], %swap3A_27 {strides = array<i32>} : memref<32xi32, #tpu.memory_space<vmem>>, vector<16xi32>,
    %swap3A_28 = arith.constant 16 : index
    %swap3A_29 = tpu.vector_load %arg8[%swap3A_28] {strides = array<i32>} : memref<32xi32, #tpu.memory_space<vmem>>, vector<16xi32>,
    %swap3A_30 = vector.shape_cast %swap3A_29 : vector<16xi32> to vector<16xi32>
    %swap3A_31 = vector.shape_cast %scan3A_15#3 : vector<16xi32> to vector<16xi32>
    tpu.vector_store %arg8[%swap3A_28], %swap3A_31 {strides = array<i32>} : memref<32xi32, #tpu.memory_space<vmem>>, vector<16xi32>,
    "tpu.region"() ({
      %run_scoped3A = tpu.sem_alloc : memref<!tpu.dma_semaphore, #tpu.memory_space<semaphore_mem>>
      %dma_start3A_38 = arith.constant 0 : i32
      %dma_start3A_39 = tpu.memref_slice %arg4[%add3A, %dma_start3A_38] : memref<32x32xf32, #tpu.memory_space<hbm>> -> memref<1x32xf32, #tpu.memory_space<hbm>>
      %dma_start3A_40 = tpu.memref_squeeze %dma_start3A_39 : memref<1x32xf32, #tpu.memory_space<hbm>> -> memref<32xf32, #tpu.memory_space<hbm>>
      %dma_start3A_41 = arith.constant 0 : i32
      %dma_start3A_42 = tpu.memref_slice %arg4[%add3A, %dma_start3A_41] : memref<32x32xf32, #tpu.memory_space<hbm>> -> memref<1x32xf32, #tpu.memory_space<hbm>>
      %dma_start3A_43 = tpu.memref_squeeze %dma_start3A_42 : memref<1x32xf32, #tpu.memory_space<hbm>> -> memref<32xf32, #tpu.memory_space<hbm>>
      tpu.enqueue_dma source(%arg7 : memref<32xf32, #tpu.memory_space<vmem>>) target(%dma_start3A_43 : memref<32xf32, #tpu.memory_space<hbm>>) target_semaphore(%run_scoped3A : memref<!tpu.dma_semaphore, #tpu.memory_space<semaphore_mem>>)
      %dma_wait3A_44 = arith.constant 0 : i32
      %dma_wait3A_45 = tpu.memref_slice %arg4[%add3A, %dma_wait3A_44] : memref<32x32xf32, #tpu.memory_space<hbm>> -> memref<1x32xf32, #tpu.memory_space<hbm>>
      %dma_wait3A_46 = tpu.memref_squeeze %dma_wait3A_45 : memref<1x32xf32, #tpu.memory_space<hbm>> -> memref<32xf32, #tpu.memory_space<hbm>>
      %dma_wait3A_47 = arith.constant 0 : i32
      %dma_wait3A_48 = tpu.memref_slice %arg4[%add3A, %dma_wait3A_47] : memref<32x32xf32, #tpu.memory_space<hbm>> -> memref<1x32xf32, #tpu.memory_space<hbm>>
      %dma_wait3A_49 = tpu.memref_squeeze %dma_wait3A_48 : memref<1x32xf32, #tpu.memory_space<hbm>> -> memref<32xf32, #tpu.memory_space<hbm>>
      tpu.wait_dma2 semaphore(%run_scoped3A : memref<!tpu.dma_semaphore, #tpu.memory_space<semaphore_mem>>) src(%arg7 : memref<32xf32, #tpu.memory_space<vmem>>) dst(%dma_wait3A_49 : memref<32xf32, #tpu.memory_space<hbm>>)
      tpu.yield
    }) : () -> ()
    %dma_start3A = arith.constant 0 : i32
    %dma_start3A_32 = arith.constant 0 : i32
    %dma_start3A_33 = tpu.memref_slice %arg3[%dma_start3A, %dma_start3A_32] : memref<32768x1024xf32, #tpu.memory_space<hbm>> -> memref<32768x1024xf32, #tpu.memory_space<hbm>>
    tpu.enqueue_indirect_dma source(%dma_start3A_33 : memref<32768x1024xf32, #tpu.memory_space<hbm>>) target(%arg9 : memref<32x1024xf32, #tpu.memory_space<vmem>>) offsets(%arg8 : memref<32xi32, #tpu.memory_space<vmem>>) semaphore(%arg10 : memref<!tpu.dma_semaphore, #tpu.memory_space<semaphore_mem>>)
    %dma_wait3A = arith.constant 0 : i32
    %dma_wait3A_34 = arith.constant 0 : i32
    %dma_wait3A_35 = tpu.memref_slice %arg3[%dma_wait3A, %dma_wait3A_34] : memref<32768x1024xf32, #tpu.memory_space<hbm>> -> memref<32768x1024xf32, #tpu.memory_space<hbm>>
    tpu.wait_indirect_dma semaphore(%arg10 : memref<!tpu.dma_semaphore, #tpu.memory_space<semaphore_mem>>) src(%dma_wait3A_35 : memref<32768x1024xf32, #tpu.memory_space<hbm>>) dst(%arg9 : memref<32x1024xf32, #tpu.memory_space<vmem>>)
    %mul3A_36 = arith.constant 32 : i32
    %mul3A_37 = arith.muli %add3A, %mul3A_36 : i32
    "tpu.region"() ({
      %run_scoped3A = tpu.sem_alloc : memref<!tpu.dma_semaphore, #tpu.memory_space<semaphore_mem>>
      %dma_start3A_38 = arith.constant 0 : i32
      %dma_start3A_39 = tpu.memref_slice %arg5[%mul3A_37, %dma_start3A_38] : memref<1024x1024xf32, #tpu.memory_space<hbm>> -> memref<32x1024xf32, #tpu.memory_space<hbm>>
      %dma_start3A_40 = arith.constant 0 : i32
      %dma_start3A_41 = tpu.memref_slice %arg5[%mul3A_37, %dma_start3A_40] : memref<1024x1024xf32, #tpu.memory_space<hbm>> -> memref<32x1024xf32, #tpu.memory_space<hbm>>
      tpu.enqueue_dma source(%arg9 : memref<32x1024xf32, #tpu.memory_space<vmem>>) target(%dma_start3A_41 : memref<32x1024xf32, #tpu.memory_space<hbm>>) target_semaphore(%run_scoped3A : memref<!tpu.dma_semaphore, #tpu.memory_space<semaphore_mem>>)
      %dma_wait3A_42 = arith.constant 0 : i32
      %dma_wait3A_43 = tpu.memref_slice %arg5[%mul3A_37, %dma_wait3A_42] : memref<1024x1024xf32, #tpu.memory_space<hbm>> -> memref<32x1024xf32, #tpu.memory_space<hbm>>
      %dma_wait3A_44 = arith.constant 0 : i32
      %dma_wait3A_45 = tpu.memref_slice %arg5[%mul3A_37, %dma_wait3A_44] : memref<1024x1024xf32, #tpu.memory_space<hbm>> -> memref<32x1024xf32, #tpu.memory_space<hbm>>
      tpu.wait_dma2 semaphore(%run_scoped3A : memref<!tpu.dma_semaphore, #tpu.memory_space<semaphore_mem>>) src(%arg9 : memref<32x1024xf32, #tpu.memory_space<vmem>>) dst(%dma_wait3A_45 : memref<32x1024xf32, #tpu.memory_space<hbm>>)
      tpu.yield
    }) : () -> ()
    return
  }
}

module attributes {stable_mosaic.version = 14 : i64} {
  func.func @_txt_pool_body(%arg0: memref<32x32x1024xf32, #tpu.memory_space<vmem>>, %arg1: memref<1024x1024xf32, #tpu.memory_space<vmem>>, %arg2: memref<1x1024xf32, #tpu.memory_space<vmem>>, %arg3: memref<32x32x1xf32, #tpu.memory_space<vmem>>, %arg4: memref<32x1x1024xf32, #tpu.memory_space<vmem>>) attributes {dimension_semantics = [], scalar_prefetch = 0 : i64, scratch_operands = 0 : i64, tpu.core_type = #tpu.core_type<tc>} {
    %get3A = arith.constant 0 : index
    %get3A_0 = arith.constant 0 : index
    %get3A_1 = vector.load %arg1[%get3A, %get3A_0] : memref<1024x1024xf32, #tpu.memory_space<vmem>>, vector<1024x1024xf32>
    %get3A_2 = arith.constant 0 : index
    %get3A_3 = arith.constant 0 : index
    %get3A_4 = vector.load %arg2[%get3A_2, %get3A_3] : memref<1x1024xf32, #tpu.memory_space<vmem>>, vector<1x1024xf32>
    %get3A_5 = arith.constant 0 : index
    %get3A_6 = arith.constant 0 : index
    %get3A_7 = arith.constant 0 : index
    %get3A_8 = vector.load %arg0[%get3A_5, %get3A_6, %get3A_7] : memref<32x32x1024xf32, #tpu.memory_space<vmem>>, vector<1x32x1024xf32>
    %get3A_9 = vector.shape_cast %get3A_8 : vector<1x32x1024xf32> to vector<32x1024xf32>
    %slice3A = vector.extract_strided_slice %get3A_9 {offsets = [0, 0], sizes = [32, 256], strides = [1, 1]} : vector<32x1024xf32> to vector<32x256xf32>
    %convert_element_type3A = arith.truncf %slice3A : vector<32x256xf32> to vector<32x256xbf16>
    %slice3A_10 = vector.extract_strided_slice %get3A_1 {offsets = [0, 0], sizes = [256, 1024], strides = [1, 1]} : vector<1024x1024xf32> to vector<256x1024xf32>
    %convert_element_type3A_11 = arith.truncf %slice3A_10 : vector<256x1024xf32> to vector<256x1024xbf16>
    %dot_general3A = arith.constant dense<0.000000e+00> : vector<32x1024xf32>
    %dot_general3A_12 = tpu.matmul %convert_element_type3A, %convert_element_type3A_11, %dot_general3A {dimension_numbers = #tpu.dot_dimension_numbers<[1], [0], [0], [1], [0, 0, 1, 1], [], []>, transpose_lhs_hint = false} : vector<32x256xbf16>, vector<256x1024xbf16>, vector<32x1024xf32> -> vector<32x1024xf32>
    %slice3A_13 = vector.extract_strided_slice %get3A_9 {offsets = [0, 256], sizes = [32, 256], strides = [1, 1]} : vector<32x1024xf32> to vector<32x256xf32>
    %convert_element_type3A_14 = arith.truncf %slice3A_13 : vector<32x256xf32> to vector<32x256xbf16>
    %slice3A_15 = vector.extract_strided_slice %get3A_1 {offsets = [256, 0], sizes = [256, 1024], strides = [1, 1]} : vector<1024x1024xf32> to vector<256x1024xf32>
    %convert_element_type3A_16 = arith.truncf %slice3A_15 : vector<256x1024xf32> to vector<256x1024xbf16>
    %dot_general3A_17 = arith.constant dense<0.000000e+00> : vector<32x1024xf32>
    %dot_general3A_18 = tpu.matmul %convert_element_type3A_14, %convert_element_type3A_16, %dot_general3A_17 {dimension_numbers = #tpu.dot_dimension_numbers<[1], [0], [0], [1], [0, 0, 1, 1], [], []>, transpose_lhs_hint = false} : vector<32x256xbf16>, vector<256x1024xbf16>, vector<32x1024xf32> -> vector<32x1024xf32>
    %add3A = arith.addf %dot_general3A_12, %dot_general3A_18 : vector<32x1024xf32>
    %slice3A_19 = vector.extract_strided_slice %get3A_9 {offsets = [0, 512], sizes = [32, 256], strides = [1, 1]} : vector<32x1024xf32> to vector<32x256xf32>
    %convert_element_type3A_20 = arith.truncf %slice3A_19 : vector<32x256xf32> to vector<32x256xbf16>
    %slice3A_21 = vector.extract_strided_slice %get3A_1 {offsets = [512, 0], sizes = [256, 1024], strides = [1, 1]} : vector<1024x1024xf32> to vector<256x1024xf32>
    %convert_element_type3A_22 = arith.truncf %slice3A_21 : vector<256x1024xf32> to vector<256x1024xbf16>
    %dot_general3A_23 = arith.constant dense<0.000000e+00> : vector<32x1024xf32>
    %dot_general3A_24 = tpu.matmul %convert_element_type3A_20, %convert_element_type3A_22, %dot_general3A_23 {dimension_numbers = #tpu.dot_dimension_numbers<[1], [0], [0], [1], [0, 0, 1, 1], [], []>, transpose_lhs_hint = false} : vector<32x256xbf16>, vector<256x1024xbf16>, vector<32x1024xf32> -> vector<32x1024xf32>
    %add3A_25 = arith.addf %add3A, %dot_general3A_24 : vector<32x1024xf32>
    %slice3A_26 = vector.extract_strided_slice %get3A_9 {offsets = [0, 768], sizes = [32, 256], strides = [1, 1]} : vector<32x1024xf32> to vector<32x256xf32>
    %convert_element_type3A_27 = arith.truncf %slice3A_26 : vector<32x256xf32> to vector<32x256xbf16>
    %slice3A_28 = vector.extract_strided_slice %get3A_1 {offsets = [768, 0], sizes = [256, 1024], strides = [1, 1]} : vector<1024x1024xf32> to vector<256x1024xf32>
    %convert_element_type3A_29 = arith.truncf %slice3A_28 : vector<256x1024xf32> to vector<256x1024xbf16>
    %dot_general3A_30 = arith.constant dense<0.000000e+00> : vector<32x1024xf32>
    %dot_general3A_31 = tpu.matmul %convert_element_type3A_27, %convert_element_type3A_29, %dot_general3A_30 {dimension_numbers = #tpu.dot_dimension_numbers<[1], [0], [0], [1], [0, 0, 1, 1], [], []>, transpose_lhs_hint = false} : vector<32x256xbf16>, vector<256x1024xbf16>, vector<32x1024xf32> -> vector<32x1024xf32>
    %add3A_32 = arith.addf %add3A_25, %dot_general3A_31 : vector<32x1024xf32>
    %add3A_33 = vector.broadcast %get3A_4 : vector<1x1024xf32> to vector<32x1024xf32>
    %add3A_34 = arith.addf %add3A_32, %add3A_33 : vector<32x1024xf32>
    %tanh3A = math.tanh %add3A_34 : vector<32x1024xf32>
    %get3A_35 = arith.constant 0 : index
    %get3A_36 = arith.constant 0 : index
    %get3A_37 = arith.constant 0 : index
    %get3A_38 = vector.load %arg3[%get3A_35, %get3A_36, %get3A_37] : memref<32x32x1xf32, #tpu.memory_space<vmem>>, vector<1x32x1xf32>
    %get3A_39 = vector.shape_cast %get3A_38 : vector<1x32x1xf32> to vector<32x1xf32>
    %mul3A = vector.broadcast %get3A_39 : vector<32x1xf32> to vector<32x1024xf32>
    %mul3A_40 = arith.mulf %tanh3A, %mul3A : vector<32x1024xf32>
    %reduce_sum3A = arith.constant dense<0.000000e+00> : vector<1024xf32>
    %reduce_sum3A_41 = vector.multi_reduction <add>, %mul3A_40, %reduce_sum3A [0] : vector<32x1024xf32> to vector<1024xf32>
    %broadcast_in_dim3A = vector.shape_cast %reduce_sum3A_41 : vector<1024xf32> to vector<1x1024xf32>
    %get3A_42 = arith.constant 0 : index
    %get3A_43 = arith.constant 0 : index
    %get3A_44 = arith.constant 0 : index
    %get3A_45 = vector.load %arg3[%get3A_42, %get3A_43, %get3A_44] : memref<32x32x1xf32, #tpu.memory_space<vmem>>, vector<1x32x1xf32>
    %get3A_46 = vector.shape_cast %get3A_45 : vector<1x32x1xf32> to vector<32x1xf32>
    %reduce_sum3A_47 = vector.shape_cast %get3A_46 : vector<32x1xf32> to vector<1x32x1xf32>
    %reduce_sum3A_48 = arith.constant dense<0.000000e+00> : vector<1xf32>
    %reduce_sum3A_49 = vector.multi_reduction <add>, %reduce_sum3A_47, %reduce_sum3A_48 [1, 2] : vector<1x32x1xf32> to vector<1xf32>
    %reduce_sum3A_50 = vector.shape_cast %reduce_sum3A_49 : vector<1xf32> to vector<1x1x1xf32>
    %reduce_sum3A_51 = vector.extract %reduce_sum3A_50[0, 0, 0] : f32 from vector<1x1x1xf32>
    %max3A = arith.constant 1.000000e+00 : f32
    %max3A_52 = arith.maximumf %reduce_sum3A_51, %max3A : f32
    %div3A = vector.broadcast %max3A_52 : f32 to vector<1x1024xf32>
    %div3A_53 = arith.divf %broadcast_in_dim3A, %div3A : vector<1x1024xf32>
    %swap3A = arith.constant 0 : index
    %swap3A_54 = arith.constant 0 : index
    %swap3A_55 = arith.constant 0 : index
    %swap3A_56 = vector.load %arg4[%swap3A, %swap3A_54, %swap3A_55] : memref<32x1x1024xf32, #tpu.memory_space<vmem>>, vector<1x1x1024xf32>
    %swap3A_57 = vector.shape_cast %swap3A_56 : vector<1x1x1024xf32> to vector<1x1024xf32>
    %swap3A_58 = vector.shape_cast %div3A_53 : vector<1x1024xf32> to vector<1x1x1024xf32>
    tpu.vector_store %arg4[%swap3A, %swap3A_54, %swap3A_55], %swap3A_58 {strides = array<i32>} : memref<32x1x1024xf32, #tpu.memory_space<vmem>>, vector<1x1x1024xf32>,
    %get3A_59 = arith.constant 1 : index
    %get3A_60 = arith.constant 0 : index
    %get3A_61 = arith.constant 0 : index
    %get3A_62 = vector.load %arg0[%get3A_59, %get3A_60, %get3A_61] : memref<32x32x1024xf32, #tpu.memory_space<vmem>>, vector<1x32x1024xf32>
    %get3A_63 = vector.shape_cast %get3A_62 : vector<1x32x1024xf32> to vector<32x1024xf32>
    %slice3A_64 = vector.extract_strided_slice %get3A_63 {offsets = [0, 0], sizes = [32, 256], strides = [1, 1]} : vector<32x1024xf32> to vector<32x256xf32>
    %convert_element_type3A_65 = arith.truncf %slice3A_64 : vector<32x256xf32> to vector<32x256xbf16>
    %slice3A_66 = vector.extract_strided_slice %get3A_1 {offsets = [0, 0], sizes = [256, 1024], strides = [1, 1]} : vector<1024x1024xf32> to vector<256x1024xf32>
    %convert_element_type3A_67 = arith.truncf %slice3A_66 : vector<256x1024xf32> to vector<256x1024xbf16>
    %dot_general3A_68 = arith.constant dense<0.000000e+00> : vector<32x1024xf32>
    %dot_general3A_69 = tpu.matmul %convert_element_type3A_65, %convert_element_type3A_67, %dot_general3A_68 {dimension_numbers = #tpu.dot_dimension_numbers<[1], [0], [0], [1], [0, 0, 1, 1], [], []>, transpose_lhs_hint = false} : vector<32x256xbf16>, vector<256x1024xbf16>, vector<32x1024xf32> -> vector<32x1024xf32>
    %slice3A_70 = vector.extract_strided_slice %get3A_63 {offsets = [0, 256], sizes = [32, 256], strides = [1, 1]} : vector<32x1024xf32> to vector<32x256xf32>
    %convert_element_type3A_71 = arith.truncf %slice3A_70 : vector<32x256xf32> to vector<32x256xbf16>
    %slice3A_72 = vector.extract_strided_slice %get3A_1 {offsets = [256, 0], sizes = [256, 1024], strides = [1, 1]} : vector<1024x1024xf32> to vector<256x1024xf32>
    %convert_element_type3A_73 = arith.truncf %slice3A_72 : vector<256x1024xf32> to vector<256x1024xbf16>
    %dot_general3A_74 = arith.constant dense<0.000000e+00> : vector<32x1024xf32>
    %dot_general3A_75 = tpu.matmul %convert_element_type3A_71, %convert_element_type3A_73, %dot_general3A_74 {dimension_numbers = #tpu.dot_dimension_numbers<[1], [0], [0], [1], [0, 0, 1, 1], [], []>, transpose_lhs_hint = false} : vector<32x256xbf16>, vector<256x1024xbf16>, vector<32x1024xf32> -> vector<32x1024xf32>
    %add3A_76 = arith.addf %dot_general3A_69, %dot_general3A_75 : vector<32x1024xf32>
    %slice3A_77 = vector.extract_strided_slice %get3A_63 {offsets = [0, 512], sizes = [32, 256], strides = [1, 1]} : vector<32x1024xf32> to vector<32x256xf32>
    %convert_element_type3A_78 = arith.truncf %slice3A_77 : vector<32x256xf32> to vector<32x256xbf16>
    %slice3A_79 = vector.extract_strided_slice %get3A_1 {offsets = [512, 0], sizes = [256, 1024], strides = [1, 1]} : vector<1024x1024xf32> to vector<256x1024xf32>
    %convert_element_type3A_80 = arith.truncf %slice3A_79 : vector<256x1024xf32> to vector<256x1024xbf16>
    %dot_general3A_81 = arith.constant dense<0.000000e+00> : vector<32x1024xf32>
    %dot_general3A_82 = tpu.matmul %convert_element_type3A_78, %convert_element_type3A_80, %dot_general3A_81 {dimension_numbers = #tpu.dot_dimension_numbers<[1], [0], [0], [1], [0, 0, 1, 1], [], []>, transpose_lhs_hint = false} : vector<32x256xbf16>, vector<256x1024xbf16>, vector<32x1024xf32> -> vector<32x1024xf32>
    %add3A_83 = arith.addf %add3A_76, %dot_general3A_82 : vector<32x1024xf32>
    %slice3A_84 = vector.extract_strided_slice %get3A_63 {offsets = [0, 768], sizes = [32, 256], strides = [1, 1]} : vector<32x1024xf32> to vector<32x256xf32>
    %convert_element_type3A_85 = arith.truncf %slice3A_84 : vector<32x256xf32> to vector<32x256xbf16>
    %slice3A_86 = vector.extract_strided_slice %get3A_1 {offsets = [768, 0], sizes = [256, 1024], strides = [1, 1]} : vector<1024x1024xf32> to vector<256x1024xf32>
    %convert_element_type3A_87 = arith.truncf %slice3A_86 : vector<256x1024xf32> to vector<256x1024xbf16>
    %dot_general3A_88 = arith.constant dense<0.000000e+00> : vector<32x1024xf32>
    %dot_general3A_89 = tpu.matmul %convert_element_type3A_85, %convert_element_type3A_87, %dot_general3A_88 {dimension_numbers = #tpu.dot_dimension_numbers<[1], [0], [0], [1], [0, 0, 1, 1], [], []>, transpose_lhs_hint = false} : vector<32x256xbf16>, vector<256x1024xbf16>, vector<32x1024xf32> -> vector<32x1024xf32>
    %add3A_90 = arith.addf %add3A_83, %dot_general3A_89 : vector<32x1024xf32>
    %add3A_91 = vector.broadcast %get3A_4 : vector<1x1024xf32> to vector<32x1024xf32>
    %add3A_92 = arith.addf %add3A_90, %add3A_91 : vector<32x1024xf32>
    %tanh3A_93 = math.tanh %add3A_92 : vector<32x1024xf32>
    %get3A_94 = arith.constant 1 : index
    %get3A_95 = arith.constant 0 : index
    %get3A_96 = arith.constant 0 : index
    %get3A_97 = vector.load %arg3[%get3A_94, %get3A_95, %get3A_96] : memref<32x32x1xf32, #tpu.memory_space<vmem>>, vector<1x32x1xf32>
    %get3A_98 = vector.shape_cast %get3A_97 : vector<1x32x1xf32> to vector<32x1xf32>
    %mul3A_99 = vector.broadcast %get3A_98 : vector<32x1xf32> to vector<32x1024xf32>
    %mul3A_100 = arith.mulf %tanh3A_93, %mul3A_99 : vector<32x1024xf32>
    %reduce_sum3A_101 = arith.constant dense<0.000000e+00> : vector<1024xf32>
    %reduce_sum3A_102 = vector.multi_reduction <add>, %mul3A_100, %reduce_sum3A_101 [0] : vector<32x1024xf32> to vector<1024xf32>
    %broadcast_in_dim3A_103 = vector.shape_cast %reduce_sum3A_102 : vector<1024xf32> to vector<1x1024xf32>
    %get3A_104 = arith.constant 1 : index
    %get3A_105 = arith.constant 0 : index
    %get3A_106 = arith.constant 0 : index
    %get3A_107 = vector.load %arg3[%get3A_104, %get3A_105, %get3A_106] : memref<32x32x1xf32, #tpu.memory_space<vmem>>, vector<1x32x1xf32>
    %get3A_108 = vector.shape_cast %get3A_107 : vector<1x32x1xf32> to vector<32x1xf32>
    %reduce_sum3A_109 = vector.shape_cast %get3A_108 : vector<32x1xf32> to vector<1x32x1xf32>
    %reduce_sum3A_110 = arith.constant dense<0.000000e+00> : vector<1xf32>
    %reduce_sum3A_111 = vector.multi_reduction <add>, %reduce_sum3A_109, %reduce_sum3A_110 [1, 2] : vector<1x32x1xf32> to vector<1xf32>
    %reduce_sum3A_112 = vector.shape_cast %reduce_sum3A_111 : vector<1xf32> to vector<1x1x1xf32>
    %reduce_sum3A_113 = vector.extract %reduce_sum3A_112[0, 0, 0] : f32 from vector<1x1x1xf32>
    %max3A_114 = arith.constant 1.000000e+00 : f32
    %max3A_115 = arith.maximumf %reduce_sum3A_113, %max3A_114 : f32
    %div3A_116 = vector.broadcast %max3A_115 : f32 to vector<1x1024xf32>
    %div3A_117 = arith.divf %broadcast_in_dim3A_103, %div3A_116 : vector<1x1024xf32>
    %swap3A_118 = arith.constant 1 : index
    %swap3A_119 = arith.constant 0 : index
    %swap3A_120 = arith.constant 0 : index
    %swap3A_121 = vector.load %arg4[%swap3A_118, %swap3A_119, %swap3A_120] : memref<32x1x1024xf32, #tpu.memory_space<vmem>>, vector<1x1x1024xf32>
    %swap3A_122 = vector.shape_cast %swap3A_121 : vector<1x1x1024xf32> to vector<1x1024xf32>
    %swap3A_123 = vector.shape_cast %div3A_117 : vector<1x1024xf32> to vector<1x1x1024xf32>
    tpu.vector_store %arg4[%swap3A_118, %swap3A_119, %swap3A_120], %swap3A_123 {strides = array<i32>} : memref<32x1x1024xf32, #tpu.memory_space<vmem>>, vector<1x1x1024xf32>,
    %get3A_124 = arith.constant 2 : index
    %get3A_125 = arith.constant 0 : index
    %get3A_126 = arith.constant 0 : index
    %get3A_127 = vector.load %arg0[%get3A_124, %get3A_125, %get3A_126] : memref<32x32x1024xf32, #tpu.memory_space<vmem>>, vector<1x32x1024xf32>
    %get3A_128 = vector.shape_cast %get3A_127 : vector<1x32x1024xf32> to vector<32x1024xf32>
    %slice3A_129 = vector.extract_strided_slice %get3A_128 {offsets = [0, 0], sizes = [32, 256], strides = [1, 1]} : vector<32x1024xf32> to vector<32x256xf32>
    %convert_element_type3A_130 = arith.truncf %slice3A_129 : vector<32x256xf32> to vector<32x256xbf16>
    %slice3A_131 = vector.extract_strided_slice %get3A_1 {offsets = [0, 0], sizes = [256, 1024], strides = [1, 1]} : vector<1024x1024xf32> to vector<256x1024xf32>
    %convert_element_type3A_132 = arith.truncf %slice3A_131 : vector<256x1024xf32> to vector<256x1024xbf16>
    %dot_general3A_133 = arith.constant dense<0.000000e+00> : vector<32x1024xf32>
    %dot_general3A_134 = tpu.matmul %convert_element_type3A_130, %convert_element_type3A_132, %dot_general3A_133 {dimension_numbers = #tpu.dot_dimension_numbers<[1], [0], [0], [1], [0, 0, 1, 1], [], []>, transpose_lhs_hint = false} : vector<32x256xbf16>, vector<256x1024xbf16>, vector<32x1024xf32> -> vector<32x1024xf32>
    %slice3A_135 = vector.extract_strided_slice %get3A_128 {offsets = [0, 256], sizes = [32, 256], strides = [1, 1]} : vector<32x1024xf32> to vector<32x256xf32>
    %convert_element_type3A_136 = arith.truncf %slice3A_135 : vector<32x256xf32> to vector<32x256xbf16>
    %slice3A_137 = vector.extract_strided_slice %get3A_1 {offsets = [256, 0], sizes = [256, 1024], strides = [1, 1]} : vector<1024x1024xf32> to vector<256x1024xf32>
    %convert_element_type3A_138 = arith.truncf %slice3A_137 : vector<256x1024xf32> to vector<256x1024xbf16>
    %dot_general3A_139 = arith.constant dense<0.000000e+00> : vector<32x1024xf32>
    %dot_general3A_140 = tpu.matmul %convert_element_type3A_136, %convert_element_type3A_138, %dot_general3A_139 {dimension_numbers = #tpu.dot_dimension_numbers<[1], [0], [0], [1], [0, 0, 1, 1], [], []>, transpose_lhs_hint = false} : vector<32x256xbf16>, vector<256x1024xbf16>, vector<32x1024xf32> -> vector<32x1024xf32>
    %add3A_141 = arith.addf %dot_general3A_134, %dot_general3A_140 : vector<32x1024xf32>
    %slice3A_142 = vector.extract_strided_slice %get3A_128 {offsets = [0, 512], sizes = [32, 256], strides = [1, 1]} : vector<32x1024xf32> to vector<32x256xf32>
    %convert_element_type3A_143 = arith.truncf %slice3A_142 : vector<32x256xf32> to vector<32x256xbf16>
    %slice3A_144 = vector.extract_strided_slice %get3A_1 {offsets = [512, 0], sizes = [256, 1024], strides = [1, 1]} : vector<1024x1024xf32> to vector<256x1024xf32>
    %convert_element_type3A_145 = arith.truncf %slice3A_144 : vector<256x1024xf32> to vector<256x1024xbf16>
    %dot_general3A_146 = arith.constant dense<0.000000e+00> : vector<32x1024xf32>
    %dot_general3A_147 = tpu.matmul %convert_element_type3A_143, %convert_element_type3A_145, %dot_general3A_146 {dimension_numbers = #tpu.dot_dimension_numbers<[1], [0], [0], [1], [0, 0, 1, 1], [], []>, transpose_lhs_hint = false} : vector<32x256xbf16>, vector<256x1024xbf16>, vector<32x1024xf32> -> vector<32x1024xf32>
    %add3A_148 = arith.addf %add3A_141, %dot_general3A_147 : vector<32x1024xf32>
    %slice3A_149 = vector.extract_strided_slice %get3A_128 {offsets = [0, 768], sizes = [32, 256], strides = [1, 1]} : vector<32x1024xf32> to vector<32x256xf32>
    %convert_element_type3A_150 = arith.truncf %slice3A_149 : vector<32x256xf32> to vector<32x256xbf16>
    %slice3A_151 = vector.extract_strided_slice %get3A_1 {offsets = [768, 0], sizes = [256, 1024], strides = [1, 1]} : vector<1024x1024xf32> to vector<256x1024xf32>
    %convert_element_type3A_152 = arith.truncf %slice3A_151 : vector<256x1024xf32> to vector<256x1024xbf16>
    %dot_general3A_153 = arith.constant dense<0.000000e+00> : vector<32x1024xf32>
    %dot_general3A_154 = tpu.matmul %convert_element_type3A_150, %convert_element_type3A_152, %dot_general3A_153 {dimension_numbers = #tpu.dot_dimension_numbers<[1], [0], [0], [1], [0, 0, 1, 1], [], []>, transpose_lhs_hint = false} : vector<32x256xbf16>, vector<256x1024xbf16>, vector<32x1024xf32> -> vector<32x1024xf32>
    %add3A_155 = arith.addf %add3A_148, %dot_general3A_154 : vector<32x1024xf32>
    %add3A_156 = vector.broadcast %get3A_4 : vector<1x1024xf32> to vector<32x1024xf32>
    %add3A_157 = arith.addf %add3A_155, %add3A_156 : vector<32x1024xf32>
    %tanh3A_158 = math.tanh %add3A_157 : vector<32x1024xf32>
    %get3A_159 = arith.constant 2 : index
    %get3A_160 = arith.constant 0 : index
    %get3A_161 = arith.constant 0 : index
    %get3A_162 = vector.load %arg3[%get3A_159, %get3A_160, %get3A_161] : memref<32x32x1xf32, #tpu.memory_space<vmem>>, vector<1x32x1xf32>
    %get3A_163 = vector.shape_cast %get3A_162 : vector<1x32x1xf32> to vector<32x1xf32>
    %mul3A_164 = vector.broadcast %get3A_163 : vector<32x1xf32> to vector<32x1024xf32>
    %mul3A_165 = arith.mulf %tanh3A_158, %mul3A_164 : vector<32x1024xf32>
    %reduce_sum3A_166 = arith.constant dense<0.000000e+00> : vector<1024xf32>
    %reduce_sum3A_167 = vector.multi_reduction <add>, %mul3A_165, %reduce_sum3A_166 [0] : vector<32x1024xf32> to vector<1024xf32>
    %broadcast_in_dim3A_168 = vector.shape_cast %reduce_sum3A_167 : vector<1024xf32> to vector<1x1024xf32>
    %get3A_169 = arith.constant 2 : index
    %get3A_170 = arith.constant 0 : index
    %get3A_171 = arith.constant 0 : index
    %get3A_172 = vector.load %arg3[%get3A_169, %get3A_170, %get3A_171] : memref<32x32x1xf32, #tpu.memory_space<vmem>>, vector<1x32x1xf32>
    %get3A_173 = vector.shape_cast %get3A_172 : vector<1x32x1xf32> to vector<32x1xf32>
    %reduce_sum3A_174 = vector.shape_cast %get3A_173 : vector<32x1xf32> to vector<1x32x1xf32>
    %reduce_sum3A_175 = arith.constant dense<0.000000e+00> : vector<1xf32>
    %reduce_sum3A_176 = vector.multi_reduction <add>, %reduce_sum3A_174, %reduce_sum3A_175 [1, 2] : vector<1x32x1xf32> to vector<1xf32>
    %reduce_sum3A_177 = vector.shape_cast %reduce_sum3A_176 : vector<1xf32> to vector<1x1x1xf32>
    %reduce_sum3A_178 = vector.extract %reduce_sum3A_177[0, 0, 0] : f32 from vector<1x1x1xf32>
    %max3A_179 = arith.constant 1.000000e+00 : f32
    %max3A_180 = arith.maximumf %reduce_sum3A_178, %max3A_179 : f32
    %div3A_181 = vector.broadcast %max3A_180 : f32 to vector<1x1024xf32>
    %div3A_182 = arith.divf %broadcast_in_dim3A_168, %div3A_181 : vector<1x1024xf32>
    %swap3A_183 = arith.constant 2 : index
    %swap3A_184 = arith.constant 0 : index
    %swap3A_185 = arith.constant 0 : index
    %swap3A_186 = vector.load %arg4[%swap3A_183, %swap3A_184, %swap3A_185] : memref<32x1x1024xf32, #tpu.memory_space<vmem>>, vector<1x1x1024xf32>
    %swap3A_187 = vector.shape_cast %swap3A_186 : vector<1x1x1024xf32> to vector<1x1024xf32>
    %swap3A_188 = vector.shape_cast %div3A_182 : vector<1x1024xf32> to vector<1x1x1024xf32>
    tpu.vector_store %arg4[%swap3A_183, %swap3A_184, %swap3A_185], %swap3A_188 {strides = array<i32>} : memref<32x1x1024xf32, #tpu.memory_space<vmem>>, vector<1x1x1024xf32>,
    %get3A_189 = arith.constant 3 : index
    %get3A_190 = arith.constant 0 : index
    %get3A_191 = arith.constant 0 : index
    %get3A_192 = vector.load %arg0[%get3A_189, %get3A_190, %get3A_191] : memref<32x32x1024xf32, #tpu.memory_space<vmem>>, vector<1x32x1024xf32>
    %get3A_193 = vector.shape_cast %get3A_192 : vector<1x32x1024xf32> to vector<32x1024xf32>
    %slice3A_194 = vector.extract_strided_slice %get3A_193 {offsets = [0, 0], sizes = [32, 256], strides = [1, 1]} : vector<32x1024xf32> to vector<32x256xf32>
    %convert_element_type3A_195 = arith.truncf %slice3A_194 : vector<32x256xf32> to vector<32x256xbf16>
    %slice3A_196 = vector.extract_strided_slice %get3A_1 {offsets = [0, 0], sizes = [256, 1024], strides = [1, 1]} : vector<1024x1024xf32> to vector<256x1024xf32>
    %convert_element_type3A_197 = arith.truncf %slice3A_196 : vector<256x1024xf32> to vector<256x1024xbf16>
    %dot_general3A_198 = arith.constant dense<0.000000e+00> : vector<32x1024xf32>
    %dot_general3A_199 = tpu.matmul %convert_element_type3A_195, %convert_element_type3A_197, %dot_general3A_198 {dimension_numbers = #tpu.dot_dimension_numbers<[1], [0], [0], [1], [0, 0, 1, 1], [], []>, transpose_lhs_hint = false} : vector<32x256xbf16>, vector<256x1024xbf16>, vector<32x1024xf32> -> vector<32x1024xf32>
    %slice3A_200 = vector.extract_strided_slice %get3A_193 {offsets = [0, 256], sizes = [32, 256], strides = [1, 1]} : vector<32x1024xf32> to vector<32x256xf32>
    %convert_element_type3A_201 = arith.truncf %slice3A_200 : vector<32x256xf32> to vector<32x256xbf16>
    %slice3A_202 = vector.extract_strided_slice %get3A_1 {offsets = [256, 0], sizes = [256, 1024], strides = [1, 1]} : vector<1024x1024xf32> to vector<256x1024xf32>
    %convert_element_type3A_203 = arith.truncf %slice3A_202 : vector<256x1024xf32> to vector<256x1024xbf16>
    %dot_general3A_204 = arith.constant dense<0.000000e+00> : vector<32x1024xf32>
    %dot_general3A_205 = tpu.matmul %convert_element_type3A_201, %convert_element_type3A_203, %dot_general3A_204 {dimension_numbers = #tpu.dot_dimension_numbers<[1], [0], [0], [1], [0, 0, 1, 1], [], []>, transpose_lhs_hint = false} : vector<32x256xbf16>, vector<256x1024xbf16>, vector<32x1024xf32> -> vector<32x1024xf32>
    %add3A_206 = arith.addf %dot_general3A_199, %dot_general3A_205 : vector<32x1024xf32>
    %slice3A_207 = vector.extract_strided_slice %get3A_193 {offsets = [0, 512], sizes = [32, 256], strides = [1, 1]} : vector<32x1024xf32> to vector<32x256xf32>
    %convert_element_type3A_208 = arith.truncf %slice3A_207 : vector<32x256xf32> to vector<32x256xbf16>
    %slice3A_209 = vector.extract_strided_slice %get3A_1 {offsets = [512, 0], sizes = [256, 1024], strides = [1, 1]} : vector<1024x1024xf32> to vector<256x1024xf32>
    %convert_element_type3A_210 = arith.truncf %slice3A_209 : vector<256x1024xf32> to vector<256x1024xbf16>
    %dot_general3A_211 = arith.constant dense<0.000000e+00> : vector<32x1024xf32>
    %dot_general3A_212 = tpu.matmul %convert_element_type3A_208, %convert_element_type3A_210, %dot_general3A_211 {dimension_numbers = #tpu.dot_dimension_numbers<[1], [0], [0], [1], [0, 0, 1, 1], [], []>, transpose_lhs_hint = false} : vector<32x256xbf16>, vector<256x1024xbf16>, vector<32x1024xf32> -> vector<32x1024xf32>
    %add3A_213 = arith.addf %add3A_206, %dot_general3A_212 : vector<32x1024xf32>
    %slice3A_214 = vector.extract_strided_slice %get3A_193 {offsets = [0, 768], sizes = [32, 256], strides = [1, 1]} : vector<32x1024xf32> to vector<32x256xf32>
    %convert_element_type3A_215 = arith.truncf %slice3A_214 : vector<32x256xf32> to vector<32x256xbf16>
    %slice3A_216 = vector.extract_strided_slice %get3A_1 {offsets = [768, 0], sizes = [256, 1024], strides = [1, 1]} : vector<1024x1024xf32> to vector<256x1024xf32>
    %convert_element_type3A_217 = arith.truncf %slice3A_216 : vector<256x1024xf32> to vector<256x1024xbf16>
    %dot_general3A_218 = arith.constant dense<0.000000e+00> : vector<32x1024xf32>
    %dot_general3A_219 = tpu.matmul %convert_element_type3A_215, %convert_element_type3A_217, %dot_general3A_218 {dimension_numbers = #tpu.dot_dimension_numbers<[1], [0], [0], [1], [0, 0, 1, 1], [], []>, transpose_lhs_hint = false} : vector<32x256xbf16>, vector<256x1024xbf16>, vector<32x1024xf32> -> vector<32x1024xf32>
    %add3A_220 = arith.addf %add3A_213, %dot_general3A_219 : vector<32x1024xf32>
    %add3A_221 = vector.broadcast %get3A_4 : vector<1x1024xf32> to vector<32x1024xf32>
    %add3A_222 = arith.addf %add3A_220, %add3A_221 : vector<32x1024xf32>
    %tanh3A_223 = math.tanh %add3A_222 : vector<32x1024xf32>
    %get3A_224 = arith.constant 3 : index
    %get3A_225 = arith.constant 0 : index
    %get3A_226 = arith.constant 0 : index
    %get3A_227 = vector.load %arg3[%get3A_224, %get3A_225, %get3A_226] : memref<32x32x1xf32, #tpu.memory_space<vmem>>, vector<1x32x1xf32>
    %get3A_228 = vector.shape_cast %get3A_227 : vector<1x32x1xf32> to vector<32x1xf32>
    %mul3A_229 = vector.broadcast %get3A_228 : vector<32x1xf32> to vector<32x1024xf32>
    %mul3A_230 = arith.mulf %tanh3A_223, %mul3A_229 : vector<32x1024xf32>
    %reduce_sum3A_231 = arith.constant dense<0.000000e+00> : vector<1024xf32>
    %reduce_sum3A_232 = vector.multi_reduction <add>, %mul3A_230, %reduce_sum3A_231 [0] : vector<32x1024xf32> to vector<1024xf32>
    %broadcast_in_dim3A_233 = vector.shape_cast %reduce_sum3A_232 : vector<1024xf32> to vector<1x1024xf32>
    %get3A_234 = arith.constant 3 : index
    %get3A_235 = arith.constant 0 : index
    %get3A_236 = arith.constant 0 : index
    %get3A_237 = vector.load %arg3[%get3A_234, %get3A_235, %get3A_236] : memref<32x32x1xf32, #tpu.memory_space<vmem>>, vector<1x32x1xf32>
    %get3A_238 = vector.shape_cast %get3A_237 : vector<1x32x1xf32> to vector<32x1xf32>
    %reduce_sum3A_239 = vector.shape_cast %get3A_238 : vector<32x1xf32> to vector<1x32x1xf32>
    %reduce_sum3A_240 = arith.constant dense<0.000000e+00> : vector<1xf32>
    %reduce_sum3A_241 = vector.multi_reduction <add>, %reduce_sum3A_239, %reduce_sum3A_240 [1, 2] : vector<1x32x1xf32> to vector<1xf32>
    %reduce_sum3A_242 = vector.shape_cast %reduce_sum3A_241 : vector<1xf32> to vector<1x1x1xf32>
    %reduce_sum3A_243 = vector.extract %reduce_sum3A_242[0, 0, 0] : f32 from vector<1x1x1xf32>
    %max3A_244 = arith.constant 1.000000e+00 : f32
    %max3A_245 = arith.maximumf %reduce_sum3A_243, %max3A_244 : f32
    %div3A_246 = vector.broadcast %max3A_245 : f32 to vector<1x1024xf32>
    %div3A_247 = arith.divf %broadcast_in_dim3A_233, %div3A_246 : vector<1x1024xf32>
    %swap3A_248 = arith.constant 3 : index
    %swap3A_249 = arith.constant 0 : index
    %swap3A_250 = arith.constant 0 : index
    %swap3A_251 = vector.load %arg4[%swap3A_248, %swap3A_249, %swap3A_250] : memref<32x1x1024xf32, #tpu.memory_space<vmem>>, vector<1x1x1024xf32>
    %swap3A_252 = vector.shape_cast %swap3A_251 : vector<1x1x1024xf32> to vector<1x1024xf32>
    %swap3A_253 = vector.shape_cast %div3A_247 : vector<1x1024xf32> to vector<1x1x1024xf32>
    tpu.vector_store %arg4[%swap3A_248, %swap3A_249, %swap3A_250], %swap3A_253 {strides = array<i32>} : memref<32x1x1024xf32, #tpu.memory_space<vmem>>, vector<1x1x1024xf32>,
    %get3A_254 = arith.constant 4 : index
    %get3A_255 = arith.constant 0 : index
    %get3A_256 = arith.constant 0 : index
    %get3A_257 = vector.load %arg0[%get3A_254, %get3A_255, %get3A_256] : memref<32x32x1024xf32, #tpu.memory_space<vmem>>, vector<1x32x1024xf32>
    %get3A_258 = vector.shape_cast %get3A_257 : vector<1x32x1024xf32> to vector<32x1024xf32>
    %slice3A_259 = vector.extract_strided_slice %get3A_258 {offsets = [0, 0], sizes = [32, 256], strides = [1, 1]} : vector<32x1024xf32> to vector<32x256xf32>
    %convert_element_type3A_260 = arith.truncf %slice3A_259 : vector<32x256xf32> to vector<32x256xbf16>
    %slice3A_261 = vector.extract_strided_slice %get3A_1 {offsets = [0, 0], sizes = [256, 1024], strides = [1, 1]} : vector<1024x1024xf32> to vector<256x1024xf32>
    %convert_element_type3A_262 = arith.truncf %slice3A_261 : vector<256x1024xf32> to vector<256x1024xbf16>
    %dot_general3A_263 = arith.constant dense<0.000000e+00> : vector<32x1024xf32>
    %dot_general3A_264 = tpu.matmul %convert_element_type3A_260, %convert_element_type3A_262, %dot_general3A_263 {dimension_numbers = #tpu.dot_dimension_numbers<[1], [0], [0], [1], [0, 0, 1, 1], [], []>, transpose_lhs_hint = false} : vector<32x256xbf16>, vector<256x1024xbf16>, vector<32x1024xf32> -> vector<32x1024xf32>
    %slice3A_265 = vector.extract_strided_slice %get3A_258 {offsets = [0, 256], sizes = [32, 256], strides = [1, 1]} : vector<32x1024xf32> to vector<32x256xf32>
    %convert_element_type3A_266 = arith.truncf %slice3A_265 : vector<32x256xf32> to vector<32x256xbf16>
    %slice3A_267 = vector.extract_strided_slice %get3A_1 {offsets = [256, 0], sizes = [256, 1024], strides = [1, 1]} : vector<1024x1024xf32> to vector<256x1024xf32>
    %convert_element_type3A_268 = arith.truncf %slice3A_267 : vector<256x1024xf32> to vector<256x1024xbf16>
    %dot_general3A_269 = arith.constant dense<0.000000e+00> : vector<32x1024xf32>
    %dot_general3A_270 = tpu.matmul %convert_element_type3A_266, %convert_element_type3A_268, %dot_general3A_269 {dimension_numbers = #tpu.dot_dimension_numbers<[1], [0], [0], [1], [0, 0, 1, 1], [], []>, transpose_lhs_hint = false} : vector<32x256xbf16>, vector<256x1024xbf16>, vector<32x1024xf32> -> vector<32x1024xf32>
    %add3A_271 = arith.addf %dot_general3A_264, %dot_general3A_270 : vector<32x1024xf32>
    %slice3A_272 = vector.extract_strided_slice %get3A_258 {offsets = [0, 512], sizes = [32, 256], strides = [1, 1]} : vector<32x1024xf32> to vector<32x256xf32>
    %convert_element_type3A_273 = arith.truncf %slice3A_272 : vector<32x256xf32> to vector<32x256xbf16>
    %slice3A_274 = vector.extract_strided_slice %get3A_1 {offsets = [512, 0], sizes = [256, 1024], strides = [1, 1]} : vector<1024x1024xf32> to vector<256x1024xf32>
    %convert_element_type3A_275 = arith.truncf %slice3A_274 : vector<256x1024xf32> to vector<256x1024xbf16>
    %dot_general3A_276 = arith.constant dense<0.000000e+00> : vector<32x1024xf32>
    %dot_general3A_277 = tpu.matmul %convert_element_type3A_273, %convert_element_type3A_275, %dot_general3A_276 {dimension_numbers = #tpu.dot_dimension_numbers<[1], [0], [0], [1], [0, 0, 1, 1], [], []>, transpose_lhs_hint = false} : vector<32x256xbf16>, vector<256x1024xbf16>, vector<32x1024xf32> -> vector<32x1024xf32>
    %add3A_278 = arith.addf %add3A_271, %dot_general3A_277 : vector<32x1024xf32>
    %slice3A_279 = vector.extract_strided_slice %get3A_258 {offsets = [0, 768], sizes = [32, 256], strides = [1, 1]} : vector<32x1024xf32> to vector<32x256xf32>
    %convert_element_type3A_280 = arith.truncf %slice3A_279 : vector<32x256xf32> to vector<32x256xbf16>
    %slice3A_281 = vector.extract_strided_slice %get3A_1 {offsets = [768, 0], sizes = [256, 1024], strides = [1, 1]} : vector<1024x1024xf32> to vector<256x1024xf32>
    %convert_element_type3A_282 = arith.truncf %slice3A_281 : vector<256x1024xf32> to vector<256x1024xbf16>
    %dot_general3A_283 = arith.constant dense<0.000000e+00> : vector<32x1024xf32>
    %dot_general3A_284 = tpu.matmul %convert_element_type3A_280, %convert_element_type3A_282, %dot_general3A_283 {dimension_numbers = #tpu.dot_dimension_numbers<[1], [0], [0], [1], [0, 0, 1, 1], [], []>, transpose_lhs_hint = false} : vector<32x256xbf16>, vector<256x1024xbf16>, vector<32x1024xf32> -> vector<32x1024xf32>
    %add3A_285 = arith.addf %add3A_278, %dot_general3A_284 : vector<32x1024xf32>
    %add3A_286 = vector.broadcast %get3A_4 : vector<1x1024xf32> to vector<32x1024xf32>
    %add3A_287 = arith.addf %add3A_285, %add3A_286 : vector<32x1024xf32>
    %tanh3A_288 = math.tanh %add3A_287 : vector<32x1024xf32>
    %get3A_289 = arith.constant 4 : index
    %get3A_290 = arith.constant 0 : index
    %get3A_291 = arith.constant 0 : index
    %get3A_292 = vector.load %arg3[%get3A_289, %get3A_290, %get3A_291] : memref<32x32x1xf32, #tpu.memory_space<vmem>>, vector<1x32x1xf32>
    %get3A_293 = vector.shape_cast %get3A_292 : vector<1x32x1xf32> to vector<32x1xf32>
    %mul3A_294 = vector.broadcast %get3A_293 : vector<32x1xf32> to vector<32x1024xf32>
    %mul3A_295 = arith.mulf %tanh3A_288, %mul3A_294 : vector<32x1024xf32>
    %reduce_sum3A_296 = arith.constant dense<0.000000e+00> : vector<1024xf32>
    %reduce_sum3A_297 = vector.multi_reduction <add>, %mul3A_295, %reduce_sum3A_296 [0] : vector<32x1024xf32> to vector<1024xf32>
    %broadcast_in_dim3A_298 = vector.shape_cast %reduce_sum3A_297 : vector<1024xf32> to vector<1x1024xf32>
    %get3A_299 = arith.constant 4 : index
    %get3A_300 = arith.constant 0 : index
    %get3A_301 = arith.constant 0 : index
    %get3A_302 = vector.load %arg3[%get3A_299, %get3A_300, %get3A_301] : memref<32x32x1xf32, #tpu.memory_space<vmem>>, vector<1x32x1xf32>
    %get3A_303 = vector.shape_cast %get3A_302 : vector<1x32x1xf32> to vector<32x1xf32>
    %reduce_sum3A_304 = vector.shape_cast %get3A_303 : vector<32x1xf32> to vector<1x32x1xf32>
    %reduce_sum3A_305 = arith.constant dense<0.000000e+00> : vector<1xf32>
    %reduce_sum3A_306 = vector.multi_reduction <add>, %reduce_sum3A_304, %reduce_sum3A_305 [1, 2] : vector<1x32x1xf32> to vector<1xf32>
    %reduce_sum3A_307 = vector.shape_cast %reduce_sum3A_306 : vector<1xf32> to vector<1x1x1xf32>
    %reduce_sum3A_308 = vector.extract %reduce_sum3A_307[0, 0, 0] : f32 from vector<1x1x1xf32>
    %max3A_309 = arith.constant 1.000000e+00 : f32
    %max3A_310 = arith.maximumf %reduce_sum3A_308, %max3A_309 : f32
    %div3A_311 = vector.broadcast %max3A_310 : f32 to vector<1x1024xf32>
    %div3A_312 = arith.divf %broadcast_in_dim3A_298, %div3A_311 : vector<1x1024xf32>
    %swap3A_313 = arith.constant 4 : index
    %swap3A_314 = arith.constant 0 : index
    %swap3A_315 = arith.constant 0 : index
    %swap3A_316 = vector.load %arg4[%swap3A_313, %swap3A_314, %swap3A_315] : memref<32x1x1024xf32, #tpu.memory_space<vmem>>, vector<1x1x1024xf32>
    %swap3A_317 = vector.shape_cast %swap3A_316 : vector<1x1x1024xf32> to vector<1x1024xf32>
    %swap3A_318 = vector.shape_cast %div3A_312 : vector<1x1024xf32> to vector<1x1x1024xf32>
    tpu.vector_store %arg4[%swap3A_313, %swap3A_314, %swap3A_315], %swap3A_318 {strides = array<i32>} : memref<32x1x1024xf32, #tpu.memory_space<vmem>>, vector<1x1x1024xf32>,
    %get3A_319 = arith.constant 5 : index
    %get3A_320 = arith.constant 0 : index
    %get3A_321 = arith.constant 0 : index
    %get3A_322 = vector.load %arg0[%get3A_319, %get3A_320, %get3A_321] : memref<32x32x1024xf32, #tpu.memory_space<vmem>>, vector<1x32x1024xf32>
    %get3A_323 = vector.shape_cast %get3A_322 : vector<1x32x1024xf32> to vector<32x1024xf32>
    %slice3A_324 = vector.extract_strided_slice %get3A_323 {offsets = [0, 0], sizes = [32, 256], strides = [1, 1]} : vector<32x1024xf32> to vector<32x256xf32>
    %convert_element_type3A_325 = arith.truncf %slice3A_324 : vector<32x256xf32> to vector<32x256xbf16>
    %slice3A_326 = vector.extract_strided_slice %get3A_1 {offsets = [0, 0], sizes = [256, 1024], strides = [1, 1]} : vector<1024x1024xf32> to vector<256x1024xf32>
    %convert_element_type3A_327 = arith.truncf %slice3A_326 : vector<256x1024xf32> to vector<256x1024xbf16>
    %dot_general3A_328 = arith.constant dense<0.000000e+00> : vector<32x1024xf32>
    %dot_general3A_329 = tpu.matmul %convert_element_type3A_325, %convert_element_type3A_327, %dot_general3A_328 {dimension_numbers = #tpu.dot_dimension_numbers<[1], [0], [0], [1], [0, 0, 1, 1], [], []>, transpose_lhs_hint = false} : vector<32x256xbf16>, vector<256x1024xbf16>, vector<32x1024xf32> -> vector<32x1024xf32>
    %slice3A_330 = vector.extract_strided_slice %get3A_323 {offsets = [0, 256], sizes = [32, 256], strides = [1, 1]} : vector<32x1024xf32> to vector<32x256xf32>
    %convert_element_type3A_331 = arith.truncf %slice3A_330 : vector<32x256xf32> to vector<32x256xbf16>
    %slice3A_332 = vector.extract_strided_slice %get3A_1 {offsets = [256, 0], sizes = [256, 1024], strides = [1, 1]} : vector<1024x1024xf32> to vector<256x1024xf32>
    %convert_element_type3A_333 = arith.truncf %slice3A_332 : vector<256x1024xf32> to vector<256x1024xbf16>
    %dot_general3A_334 = arith.constant dense<0.000000e+00> : vector<32x1024xf32>
    %dot_general3A_335 = tpu.matmul %convert_element_type3A_331, %convert_element_type3A_333, %dot_general3A_334 {dimension_numbers = #tpu.dot_dimension_numbers<[1], [0], [0], [1], [0, 0, 1, 1], [], []>, transpose_lhs_hint = false} : vector<32x256xbf16>, vector<256x1024xbf16>, vector<32x1024xf32> -> vector<32x1024xf32>
    %add3A_336 = arith.addf %dot_general3A_329, %dot_general3A_335 : vector<32x1024xf32>
    %slice3A_337 = vector.extract_strided_slice %get3A_323 {offsets = [0, 512], sizes = [32, 256], strides = [1, 1]} : vector<32x1024xf32> to vector<32x256xf32>
    %convert_element_type3A_338 = arith.truncf %slice3A_337 : vector<32x256xf32> to vector<32x256xbf16>
    %slice3A_339 = vector.extract_strided_slice %get3A_1 {offsets = [512, 0], sizes = [256, 1024], strides = [1, 1]} : vector<1024x1024xf32> to vector<256x1024xf32>
    %convert_element_type3A_340 = arith.truncf %slice3A_339 : vector<256x1024xf32> to vector<256x1024xbf16>
    %dot_general3A_341 = arith.constant dense<0.000000e+00> : vector<32x1024xf32>
    %dot_general3A_342 = tpu.matmul %convert_element_type3A_338, %convert_element_type3A_340, %dot_general3A_341 {dimension_numbers = #tpu.dot_dimension_numbers<[1], [0], [0], [1], [0, 0, 1, 1], [], []>, transpose_lhs_hint = false} : vector<32x256xbf16>, vector<256x1024xbf16>, vector<32x1024xf32> -> vector<32x1024xf32>
    %add3A_343 = arith.addf %add3A_336, %dot_general3A_342 : vector<32x1024xf32>
    %slice3A_344 = vector.extract_strided_slice %get3A_323 {offsets = [0, 768], sizes = [32, 256], strides = [1, 1]} : vector<32x1024xf32> to vector<32x256xf32>
    %convert_element_type3A_345 = arith.truncf %slice3A_344 : vector<32x256xf32> to vector<32x256xbf16>
    %slice3A_346 = vector.extract_strided_slice %get3A_1 {offsets = [768, 0], sizes = [256, 1024], strides = [1, 1]} : vector<1024x1024xf32> to vector<256x1024xf32>
    %convert_element_type3A_347 = arith.truncf %slice3A_346 : vector<256x1024xf32> to vector<256x1024xbf16>
    %dot_general3A_348 = arith.constant dense<0.000000e+00> : vector<32x1024xf32>
    %dot_general3A_349 = tpu.matmul %convert_element_type3A_345, %convert_element_type3A_347, %dot_general3A_348 {dimension_numbers = #tpu.dot_dimension_numbers<[1], [0], [0], [1], [0, 0, 1, 1], [], []>, transpose_lhs_hint = false} : vector<32x256xbf16>, vector<256x1024xbf16>, vector<32x1024xf32> -> vector<32x1024xf32>
    %add3A_350 = arith.addf %add3A_343, %dot_general3A_349 : vector<32x1024xf32>
    %add3A_351 = vector.broadcast %get3A_4 : vector<1x1024xf32> to vector<32x1024xf32>
    %add3A_352 = arith.addf %add3A_350, %add3A_351 : vector<32x1024xf32>
    %tanh3A_353 = math.tanh %add3A_352 : vector<32x1024xf32>
    %get3A_354 = arith.constant 5 : index
    %get3A_355 = arith.constant 0 : index
    %get3A_356 = arith.constant 0 : index
    %get3A_357 = vector.load %arg3[%get3A_354, %get3A_355, %get3A_356] : memref<32x32x1xf32, #tpu.memory_space<vmem>>, vector<1x32x1xf32>
    %get3A_358 = vector.shape_cast %get3A_357 : vector<1x32x1xf32> to vector<32x1xf32>
    %mul3A_359 = vector.broadcast %get3A_358 : vector<32x1xf32> to vector<32x1024xf32>
    %mul3A_360 = arith.mulf %tanh3A_353, %mul3A_359 : vector<32x1024xf32>
    %reduce_sum3A_361 = arith.constant dense<0.000000e+00> : vector<1024xf32>
    %reduce_sum3A_362 = vector.multi_reduction <add>, %mul3A_360, %reduce_sum3A_361 [0] : vector<32x1024xf32> to vector<1024xf32>
    %broadcast_in_dim3A_363 = vector.shape_cast %reduce_sum3A_362 : vector<1024xf32> to vector<1x1024xf32>
    %get3A_364 = arith.constant 5 : index
    %get3A_365 = arith.constant 0 : index
    %get3A_366 = arith.constant 0 : index
    %get3A_367 = vector.load %arg3[%get3A_364, %get3A_365, %get3A_366] : memref<32x32x1xf32, #tpu.memory_space<vmem>>, vector<1x32x1xf32>
    %get3A_368 = vector.shape_cast %get3A_367 : vector<1x32x1xf32> to vector<32x1xf32>
    %reduce_sum3A_369 = vector.shape_cast %get3A_368 : vector<32x1xf32> to vector<1x32x1xf32>
    %reduce_sum3A_370 = arith.constant dense<0.000000e+00> : vector<1xf32>
    %reduce_sum3A_371 = vector.multi_reduction <add>, %reduce_sum3A_369, %reduce_sum3A_370 [1, 2] : vector<1x32x1xf32> to vector<1xf32>
    %reduce_sum3A_372 = vector.shape_cast %reduce_sum3A_371 : vector<1xf32> to vector<1x1x1xf32>
    %reduce_sum3A_373 = vector.extract %reduce_sum3A_372[0, 0, 0] : f32 from vector<1x1x1xf32>
    %max3A_374 = arith.constant 1.000000e+00 : f32
    %max3A_375 = arith.maximumf %reduce_sum3A_373, %max3A_374 : f32
    %div3A_376 = vector.broadcast %max3A_375 : f32 to vector<1x1024xf32>
    %div3A_377 = arith.divf %broadcast_in_dim3A_363, %div3A_376 : vector<1x1024xf32>
    %swap3A_378 = arith.constant 5 : index
    %swap3A_379 = arith.constant 0 : index
    %swap3A_380 = arith.constant 0 : index
    %swap3A_381 = vector.load %arg4[%swap3A_378, %swap3A_379, %swap3A_380] : memref<32x1x1024xf32, #tpu.memory_space<vmem>>, vector<1x1x1024xf32>
    %swap3A_382 = vector.shape_cast %swap3A_381 : vector<1x1x1024xf32> to vector<1x1024xf32>
    %swap3A_383 = vector.shape_cast %div3A_377 : vector<1x1024xf32> to vector<1x1x1024xf32>
    tpu.vector_store %arg4[%swap3A_378, %swap3A_379, %swap3A_380], %swap3A_383 {strides = array<i32>} : memref<32x1x1024xf32, #tpu.memory_space<vmem>>, vector<1x1x1024xf32>,
    %get3A_384 = arith.constant 6 : index
    %get3A_385 = arith.constant 0 : index
    %get3A_386 = arith.constant 0 : index
    %get3A_387 = vector.load %arg0[%get3A_384, %get3A_385, %get3A_386] : memref<32x32x1024xf32, #tpu.memory_space<vmem>>, vector<1x32x1024xf32>
    %get3A_388 = vector.shape_cast %get3A_387 : vector<1x32x1024xf32> to vector<32x1024xf32>
    %slice3A_389 = vector.extract_strided_slice %get3A_388 {offsets = [0, 0], sizes = [32, 256], strides = [1, 1]} : vector<32x1024xf32> to vector<32x256xf32>
    %convert_element_type3A_390 = arith.truncf %slice3A_389 : vector<32x256xf32> to vector<32x256xbf16>
    %slice3A_391 = vector.extract_strided_slice %get3A_1 {offsets = [0, 0], sizes = [256, 1024], strides = [1, 1]} : vector<1024x1024xf32> to vector<256x1024xf32>
    %convert_element_type3A_392 = arith.truncf %slice3A_391 : vector<256x1024xf32> to vector<256x1024xbf16>
    %dot_general3A_393 = arith.constant dense<0.000000e+00> : vector<32x1024xf32>
    %dot_general3A_394 = tpu.matmul %convert_element_type3A_390, %convert_element_type3A_392, %dot_general3A_393 {dimension_numbers = #tpu.dot_dimension_numbers<[1], [0], [0], [1], [0, 0, 1, 1], [], []>, transpose_lhs_hint = false} : vector<32x256xbf16>, vector<256x1024xbf16>, vector<32x1024xf32> -> vector<32x1024xf32>
    %slice3A_395 = vector.extract_strided_slice %get3A_388 {offsets = [0, 256], sizes = [32, 256], strides = [1, 1]} : vector<32x1024xf32> to vector<32x256xf32>
    %convert_element_type3A_396 = arith.truncf %slice3A_395 : vector<32x256xf32> to vector<32x256xbf16>
    %slice3A_397 = vector.extract_strided_slice %get3A_1 {offsets = [256, 0], sizes = [256, 1024], strides = [1, 1]} : vector<1024x1024xf32> to vector<256x1024xf32>
    %convert_element_type3A_398 = arith.truncf %slice3A_397 : vector<256x1024xf32> to vector<256x1024xbf16>
    %dot_general3A_399 = arith.constant dense<0.000000e+00> : vector<32x1024xf32>
    %dot_general3A_400 = tpu.matmul %convert_element_type3A_396, %convert_element_type3A_398, %dot_general3A_399 {dimension_numbers = #tpu.dot_dimension_numbers<[1], [0], [0], [1], [0, 0, 1, 1], [], []>, transpose_lhs_hint = false} : vector<32x256xbf16>, vector<256x1024xbf16>, vector<32x1024xf32> -> vector<32x1024xf32>
    %add3A_401 = arith.addf %dot_general3A_394, %dot_general3A_400 : vector<32x1024xf32>
    %slice3A_402 = vector.extract_strided_slice %get3A_388 {offsets = [0, 512], sizes = [32, 256], strides = [1, 1]} : vector<32x1024xf32> to vector<32x256xf32>
    %convert_element_type3A_403 = arith.truncf %slice3A_402 : vector<32x256xf32> to vector<32x256xbf16>
    %slice3A_404 = vector.extract_strided_slice %get3A_1 {offsets = [512, 0], sizes = [256, 1024], strides = [1, 1]} : vector<1024x1024xf32> to vector<256x1024xf32>
    %convert_element_type3A_405 = arith.truncf %slice3A_404 : vector<256x1024xf32> to vector<256x1024xbf16>
    %dot_general3A_406 = arith.constant dense<0.000000e+00> : vector<32x1024xf32>
    %dot_general3A_407 = tpu.matmul %convert_element_type3A_403, %convert_element_type3A_405, %dot_general3A_406 {dimension_numbers = #tpu.dot_dimension_numbers<[1], [0], [0], [1], [0, 0, 1, 1], [], []>, transpose_lhs_hint = false} : vector<32x256xbf16>, vector<256x1024xbf16>, vector<32x1024xf32> -> vector<32x1024xf32>
    %add3A_408 = arith.addf %add3A_401, %dot_general3A_407 : vector<32x1024xf32>
    %slice3A_409 = vector.extract_strided_slice %get3A_388 {offsets = [0, 768], sizes = [32, 256], strides = [1, 1]} : vector<32x1024xf32> to vector<32x256xf32>
    %convert_element_type3A_410 = arith.truncf %slice3A_409 : vector<32x256xf32> to vector<32x256xbf16>
    %slice3A_411 = vector.extract_strided_slice %get3A_1 {offsets = [768, 0], sizes = [256, 1024], strides = [1, 1]} : vector<1024x1024xf32> to vector<256x1024xf32>
    %convert_element_type3A_412 = arith.truncf %slice3A_411 : vector<256x1024xf32> to vector<256x1024xbf16>
    %dot_general3A_413 = arith.constant dense<0.000000e+00> : vector<32x1024xf32>
    %dot_general3A_414 = tpu.matmul %convert_element_type3A_410, %convert_element_type3A_412, %dot_general3A_413 {dimension_numbers = #tpu.dot_dimension_numbers<[1], [0], [0], [1], [0, 0, 1, 1], [], []>, transpose_lhs_hint = false} : vector<32x256xbf16>, vector<256x1024xbf16>, vector<32x1024xf32> -> vector<32x1024xf32>
    %add3A_415 = arith.addf %add3A_408, %dot_general3A_414 : vector<32x1024xf32>
    %add3A_416 = vector.broadcast %get3A_4 : vector<1x1024xf32> to vector<32x1024xf32>
    %add3A_417 = arith.addf %add3A_415, %add3A_416 : vector<32x1024xf32>
    %tanh3A_418 = math.tanh %add3A_417 : vector<32x1024xf32>
    %get3A_419 = arith.constant 6 : index
    %get3A_420 = arith.constant 0 : index
    %get3A_421 = arith.constant 0 : index
    %get3A_422 = vector.load %arg3[%get3A_419, %get3A_420, %get3A_421] : memref<32x32x1xf32, #tpu.memory_space<vmem>>, vector<1x32x1xf32>
    %get3A_423 = vector.shape_cast %get3A_422 : vector<1x32x1xf32> to vector<32x1xf32>
    %mul3A_424 = vector.broadcast %get3A_423 : vector<32x1xf32> to vector<32x1024xf32>
    %mul3A_425 = arith.mulf %tanh3A_418, %mul3A_424 : vector<32x1024xf32>
    %reduce_sum3A_426 = arith.constant dense<0.000000e+00> : vector<1024xf32>
    %reduce_sum3A_427 = vector.multi_reduction <add>, %mul3A_425, %reduce_sum3A_426 [0] : vector<32x1024xf32> to vector<1024xf32>
    %broadcast_in_dim3A_428 = vector.shape_cast %reduce_sum3A_427 : vector<1024xf32> to vector<1x1024xf32>
    %get3A_429 = arith.constant 6 : index
    %get3A_430 = arith.constant 0 : index
    %get3A_431 = arith.constant 0 : index
    %get3A_432 = vector.load %arg3[%get3A_429, %get3A_430, %get3A_431] : memref<32x32x1xf32, #tpu.memory_space<vmem>>, vector<1x32x1xf32>
    %get3A_433 = vector.shape_cast %get3A_432 : vector<1x32x1xf32> to vector<32x1xf32>
    %reduce_sum3A_434 = vector.shape_cast %get3A_433 : vector<32x1xf32> to vector<1x32x1xf32>
    %reduce_sum3A_435 = arith.constant dense<0.000000e+00> : vector<1xf32>
    %reduce_sum3A_436 = vector.multi_reduction <add>, %reduce_sum3A_434, %reduce_sum3A_435 [1, 2] : vector<1x32x1xf32> to vector<1xf32>
    %reduce_sum3A_437 = vector.shape_cast %reduce_sum3A_436 : vector<1xf32> to vector<1x1x1xf32>
    %reduce_sum3A_438 = vector.extract %reduce_sum3A_437[0, 0, 0] : f32 from vector<1x1x1xf32>
    %max3A_439 = arith.constant 1.000000e+00 : f32
    %max3A_440 = arith.maximumf %reduce_sum3A_438, %max3A_439 : f32
    %div3A_441 = vector.broadcast %max3A_440 : f32 to vector<1x1024xf32>
    %div3A_442 = arith.divf %broadcast_in_dim3A_428, %div3A_441 : vector<1x1024xf32>
    %swap3A_443 = arith.constant 6 : index
    %swap3A_444 = arith.constant 0 : index
    %swap3A_445 = arith.constant 0 : index
    %swap3A_446 = vector.load %arg4[%swap3A_443, %swap3A_444, %swap3A_445] : memref<32x1x1024xf32, #tpu.memory_space<vmem>>, vector<1x1x1024xf32>
    %swap3A_447 = vector.shape_cast %swap3A_446 : vector<1x1x1024xf32> to vector<1x1024xf32>
    %swap3A_448 = vector.shape_cast %div3A_442 : vector<1x1024xf32> to vector<1x1x1024xf32>
    tpu.vector_store %arg4[%swap3A_443, %swap3A_444, %swap3A_445], %swap3A_448 {strides = array<i32>} : memref<32x1x1024xf32, #tpu.memory_space<vmem>>, vector<1x1x1024xf32>,
    %get3A_449 = arith.constant 7 : index
    %get3A_450 = arith.constant 0 : index
    %get3A_451 = arith.constant 0 : index
    %get3A_452 = vector.load %arg0[%get3A_449, %get3A_450, %get3A_451] : memref<32x32x1024xf32, #tpu.memory_space<vmem>>, vector<1x32x1024xf32>
    %get3A_453 = vector.shape_cast %get3A_452 : vector<1x32x1024xf32> to vector<32x1024xf32>
    %slice3A_454 = vector.extract_strided_slice %get3A_453 {offsets = [0, 0], sizes = [32, 256], strides = [1, 1]} : vector<32x1024xf32> to vector<32x256xf32>
    %convert_element_type3A_455 = arith.truncf %slice3A_454 : vector<32x256xf32> to vector<32x256xbf16>
    %slice3A_456 = vector.extract_strided_slice %get3A_1 {offsets = [0, 0], sizes = [256, 1024], strides = [1, 1]} : vector<1024x1024xf32> to vector<256x1024xf32>
    %convert_element_type3A_457 = arith.truncf %slice3A_456 : vector<256x1024xf32> to vector<256x1024xbf16>
    %dot_general3A_458 = arith.constant dense<0.000000e+00> : vector<32x1024xf32>
    %dot_general3A_459 = tpu.matmul %convert_element_type3A_455, %convert_element_type3A_457, %dot_general3A_458 {dimension_numbers = #tpu.dot_dimension_numbers<[1], [0], [0], [1], [0, 0, 1, 1], [], []>, transpose_lhs_hint = false} : vector<32x256xbf16>, vector<256x1024xbf16>, vector<32x1024xf32> -> vector<32x1024xf32>
    %slice3A_460 = vector.extract_strided_slice %get3A_453 {offsets = [0, 256], sizes = [32, 256], strides = [1, 1]} : vector<32x1024xf32> to vector<32x256xf32>
    %convert_element_type3A_461 = arith.truncf %slice3A_460 : vector<32x256xf32> to vector<32x256xbf16>
    %slice3A_462 = vector.extract_strided_slice %get3A_1 {offsets = [256, 0], sizes = [256, 1024], strides = [1, 1]} : vector<1024x1024xf32> to vector<256x1024xf32>
    %convert_element_type3A_463 = arith.truncf %slice3A_462 : vector<256x1024xf32> to vector<256x1024xbf16>
    %dot_general3A_464 = arith.constant dense<0.000000e+00> : vector<32x1024xf32>
    %dot_general3A_465 = tpu.matmul %convert_element_type3A_461, %convert_element_type3A_463, %dot_general3A_464 {dimension_numbers = #tpu.dot_dimension_numbers<[1], [0], [0], [1], [0, 0, 1, 1], [], []>, transpose_lhs_hint = false} : vector<32x256xbf16>, vector<256x1024xbf16>, vector<32x1024xf32> -> vector<32x1024xf32>
    %add3A_466 = arith.addf %dot_general3A_459, %dot_general3A_465 : vector<32x1024xf32>
    %slice3A_467 = vector.extract_strided_slice %get3A_453 {offsets = [0, 512], sizes = [32, 256], strides = [1, 1]} : vector<32x1024xf32> to vector<32x256xf32>
    %convert_element_type3A_468 = arith.truncf %slice3A_467 : vector<32x256xf32> to vector<32x256xbf16>
    %slice3A_469 = vector.extract_strided_slice %get3A_1 {offsets = [512, 0], sizes = [256, 1024], strides = [1, 1]} : vector<1024x1024xf32> to vector<256x1024xf32>
    %convert_element_type3A_470 = arith.truncf %slice3A_469 : vector<256x1024xf32> to vector<256x1024xbf16>
    %dot_general3A_471 = arith.constant dense<0.000000e+00> : vector<32x1024xf32>
    %dot_general3A_472 = tpu.matmul %convert_element_type3A_468, %convert_element_type3A_470, %dot_general3A_471 {dimension_numbers = #tpu.dot_dimension_numbers<[1], [0], [0], [1], [0, 0, 1, 1], [], []>, transpose_lhs_hint = false} : vector<32x256xbf16>, vector<256x1024xbf16>, vector<32x1024xf32> -> vector<32x1024xf32>
    %add3A_473 = arith.addf %add3A_466, %dot_general3A_472 : vector<32x1024xf32>
    %slice3A_474 = vector.extract_strided_slice %get3A_453 {offsets = [0, 768], sizes = [32, 256], strides = [1, 1]} : vector<32x1024xf32> to vector<32x256xf32>
    %convert_element_type3A_475 = arith.truncf %slice3A_474 : vector<32x256xf32> to vector<32x256xbf16>
    %slice3A_476 = vector.extract_strided_slice %get3A_1 {offsets = [768, 0], sizes = [256, 1024], strides = [1, 1]} : vector<1024x1024xf32> to vector<256x1024xf32>
    %convert_element_type3A_477 = arith.truncf %slice3A_476 : vector<256x1024xf32> to vector<256x1024xbf16>
    %dot_general3A_478 = arith.constant dense<0.000000e+00> : vector<32x1024xf32>
    %dot_general3A_479 = tpu.matmul %convert_element_type3A_475, %convert_element_type3A_477, %dot_general3A_478 {dimension_numbers = #tpu.dot_dimension_numbers<[1], [0], [0], [1], [0, 0, 1, 1], [], []>, transpose_lhs_hint = false} : vector<32x256xbf16>, vector<256x1024xbf16>, vector<32x1024xf32> -> vector<32x1024xf32>
    %add3A_480 = arith.addf %add3A_473, %dot_general3A_479 : vector<32x1024xf32>
    %add3A_481 = vector.broadcast %get3A_4 : vector<1x1024xf32> to vector<32x1024xf32>
    %add3A_482 = arith.addf %add3A_480, %add3A_481 : vector<32x1024xf32>
    %tanh3A_483 = math.tanh %add3A_482 : vector<32x1024xf32>
    %get3A_484 = arith.constant 7 : index
    %get3A_485 = arith.constant 0 : index
    %get3A_486 = arith.constant 0 : index
    %get3A_487 = vector.load %arg3[%get3A_484, %get3A_485, %get3A_486] : memref<32x32x1xf32, #tpu.memory_space<vmem>>, vector<1x32x1xf32>
    %get3A_488 = vector.shape_cast %get3A_487 : vector<1x32x1xf32> to vector<32x1xf32>
    %mul3A_489 = vector.broadcast %get3A_488 : vector<32x1xf32> to vector<32x1024xf32>
    %mul3A_490 = arith.mulf %tanh3A_483, %mul3A_489 : vector<32x1024xf32>
    %reduce_sum3A_491 = arith.constant dense<0.000000e+00> : vector<1024xf32>
    %reduce_sum3A_492 = vector.multi_reduction <add>, %mul3A_490, %reduce_sum3A_491 [0] : vector<32x1024xf32> to vector<1024xf32>
    %broadcast_in_dim3A_493 = vector.shape_cast %reduce_sum3A_492 : vector<1024xf32> to vector<1x1024xf32>
    %get3A_494 = arith.constant 7 : index
    %get3A_495 = arith.constant 0 : index
    %get3A_496 = arith.constant 0 : index
    %get3A_497 = vector.load %arg3[%get3A_494, %get3A_495, %get3A_496] : memref<32x32x1xf32, #tpu.memory_space<vmem>>, vector<1x32x1xf32>
    %get3A_498 = vector.shape_cast %get3A_497 : vector<1x32x1xf32> to vector<32x1xf32>
    %reduce_sum3A_499 = vector.shape_cast %get3A_498 : vector<32x1xf32> to vector<1x32x1xf32>
    %reduce_sum3A_500 = arith.constant dense<0.000000e+00> : vector<1xf32>
    %reduce_sum3A_501 = vector.multi_reduction <add>, %reduce_sum3A_499, %reduce_sum3A_500 [1, 2] : vector<1x32x1xf32> to vector<1xf32>
    %reduce_sum3A_502 = vector.shape_cast %reduce_sum3A_501 : vector<1xf32> to vector<1x1x1xf32>
    %reduce_sum3A_503 = vector.extract %reduce_sum3A_502[0, 0, 0] : f32 from vector<1x1x1xf32>
    %max3A_504 = arith.constant 1.000000e+00 : f32
    %max3A_505 = arith.maximumf %reduce_sum3A_503, %max3A_504 : f32
    %div3A_506 = vector.broadcast %max3A_505 : f32 to vector<1x1024xf32>
    %div3A_507 = arith.divf %broadcast_in_dim3A_493, %div3A_506 : vector<1x1024xf32>
    %swap3A_508 = arith.constant 7 : index
    %swap3A_509 = arith.constant 0 : index
    %swap3A_510 = arith.constant 0 : index
    %swap3A_511 = vector.load %arg4[%swap3A_508, %swap3A_509, %swap3A_510] : memref<32x1x1024xf32, #tpu.memory_space<vmem>>, vector<1x1x1024xf32>
    %swap3A_512 = vector.shape_cast %swap3A_511 : vector<1x1x1024xf32> to vector<1x1024xf32>
    %swap3A_513 = vector.shape_cast %div3A_507 : vector<1x1024xf32> to vector<1x1x1024xf32>
    tpu.vector_store %arg4[%swap3A_508, %swap3A_509, %swap3A_510], %swap3A_513 {strides = array<i32>} : memref<32x1x1024xf32, #tpu.memory_space<vmem>>, vector<1x1x1024xf32>,
    %get3A_514 = arith.constant 8 : index
    %get3A_515 = arith.constant 0 : index
    %get3A_516 = arith.constant 0 : index
    %get3A_517 = vector.load %arg0[%get3A_514, %get3A_515, %get3A_516] : memref<32x32x1024xf32, #tpu.memory_space<vmem>>, vector<1x32x1024xf32>
    %get3A_518 = vector.shape_cast %get3A_517 : vector<1x32x1024xf32> to vector<32x1024xf32>
    %slice3A_519 = vector.extract_strided_slice %get3A_518 {offsets = [0, 0], sizes = [32, 256], strides = [1, 1]} : vector<32x1024xf32> to vector<32x256xf32>
    %convert_element_type3A_520 = arith.truncf %slice3A_519 : vector<32x256xf32> to vector<32x256xbf16>
    %slice3A_521 = vector.extract_strided_slice %get3A_1 {offsets = [0, 0], sizes = [256, 1024], strides = [1, 1]} : vector<1024x1024xf32> to vector<256x1024xf32>
    %convert_element_type3A_522 = arith.truncf %slice3A_521 : vector<256x1024xf32> to vector<256x1024xbf16>
    %dot_general3A_523 = arith.constant dense<0.000000e+00> : vector<32x1024xf32>
    %dot_general3A_524 = tpu.matmul %convert_element_type3A_520, %convert_element_type3A_522, %dot_general3A_523 {dimension_numbers = #tpu.dot_dimension_numbers<[1], [0], [0], [1], [0, 0, 1, 1], [], []>, transpose_lhs_hint = false} : vector<32x256xbf16>, vector<256x1024xbf16>, vector<32x1024xf32> -> vector<32x1024xf32>
    %slice3A_525 = vector.extract_strided_slice %get3A_518 {offsets = [0, 256], sizes = [32, 256], strides = [1, 1]} : vector<32x1024xf32> to vector<32x256xf32>
    %convert_element_type3A_526 = arith.truncf %slice3A_525 : vector<32x256xf32> to vector<32x256xbf16>
    %slice3A_527 = vector.extract_strided_slice %get3A_1 {offsets = [256, 0], sizes = [256, 1024], strides = [1, 1]} : vector<1024x1024xf32> to vector<256x1024xf32>
    %convert_element_type3A_528 = arith.truncf %slice3A_527 : vector<256x1024xf32> to vector<256x1024xbf16>
    %dot_general3A_529 = arith.constant dense<0.000000e+00> : vector<32x1024xf32>
    %dot_general3A_530 = tpu.matmul %convert_element_type3A_526, %convert_element_type3A_528, %dot_general3A_529 {dimension_numbers = #tpu.dot_dimension_numbers<[1], [0], [0], [1], [0, 0, 1, 1], [], []>, transpose_lhs_hint = false} : vector<32x256xbf16>, vector<256x1024xbf16>, vector<32x1024xf32> -> vector<32x1024xf32>
    %add3A_531 = arith.addf %dot_general3A_524, %dot_general3A_530 : vector<32x1024xf32>
    %slice3A_532 = vector.extract_strided_slice %get3A_518 {offsets = [0, 512], sizes = [32, 256], strides = [1, 1]} : vector<32x1024xf32> to vector<32x256xf32>
    %convert_element_type3A_533 = arith.truncf %slice3A_532 : vector<32x256xf32> to vector<32x256xbf16>
    %slice3A_534 = vector.extract_strided_slice %get3A_1 {offsets = [512, 0], sizes = [256, 1024], strides = [1, 1]} : vector<1024x1024xf32> to vector<256x1024xf32>
    %convert_element_type3A_535 = arith.truncf %slice3A_534 : vector<256x1024xf32> to vector<256x1024xbf16>
    %dot_general3A_536 = arith.constant dense<0.000000e+00> : vector<32x1024xf32>
    %dot_general3A_537 = tpu.matmul %convert_element_type3A_533, %convert_element_type3A_535, %dot_general3A_536 {dimension_numbers = #tpu.dot_dimension_numbers<[1], [0], [0], [1], [0, 0, 1, 1], [], []>, transpose_lhs_hint = false} : vector<32x256xbf16>, vector<256x1024xbf16>, vector<32x1024xf32> -> vector<32x1024xf32>
    %add3A_538 = arith.addf %add3A_531, %dot_general3A_537 : vector<32x1024xf32>
    %slice3A_539 = vector.extract_strided_slice %get3A_518 {offsets = [0, 768], sizes = [32, 256], strides = [1, 1]} : vector<32x1024xf32> to vector<32x256xf32>
    %convert_element_type3A_540 = arith.truncf %slice3A_539 : vector<32x256xf32> to vector<32x256xbf16>
    %slice3A_541 = vector.extract_strided_slice %get3A_1 {offsets = [768, 0], sizes = [256, 1024], strides = [1, 1]} : vector<1024x1024xf32> to vector<256x1024xf32>
    %convert_element_type3A_542 = arith.truncf %slice3A_541 : vector<256x1024xf32> to vector<256x1024xbf16>
    %dot_general3A_543 = arith.constant dense<0.000000e+00> : vector<32x1024xf32>
    %dot_general3A_544 = tpu.matmul %convert_element_type3A_540, %convert_element_type3A_542, %dot_general3A_543 {dimension_numbers = #tpu.dot_dimension_numbers<[1], [0], [0], [1], [0, 0, 1, 1], [], []>, transpose_lhs_hint = false} : vector<32x256xbf16>, vector<256x1024xbf16>, vector<32x1024xf32> -> vector<32x1024xf32>
    %add3A_545 = arith.addf %add3A_538, %dot_general3A_544 : vector<32x1024xf32>
    %add3A_546 = vector.broadcast %get3A_4 : vector<1x1024xf32> to vector<32x1024xf32>
    %add3A_547 = arith.addf %add3A_545, %add3A_546 : vector<32x1024xf32>
    %tanh3A_548 = math.tanh %add3A_547 : vector<32x1024xf32>
    %get3A_549 = arith.constant 8 : index
    %get3A_550 = arith.constant 0 : index
    %get3A_551 = arith.constant 0 : index
    %get3A_552 = vector.load %arg3[%get3A_549, %get3A_550, %get3A_551] : memref<32x32x1xf32, #tpu.memory_space<vmem>>, vector<1x32x1xf32>
    %get3A_553 = vector.shape_cast %get3A_552 : vector<1x32x1xf32> to vector<32x1xf32>
    %mul3A_554 = vector.broadcast %get3A_553 : vector<32x1xf32> to vector<32x1024xf32>
    %mul3A_555 = arith.mulf %tanh3A_548, %mul3A_554 : vector<32x1024xf32>
    %reduce_sum3A_556 = arith.constant dense<0.000000e+00> : vector<1024xf32>
    %reduce_sum3A_557 = vector.multi_reduction <add>, %mul3A_555, %reduce_sum3A_556 [0] : vector<32x1024xf32> to vector<1024xf32>
    %broadcast_in_dim3A_558 = vector.shape_cast %reduce_sum3A_557 : vector<1024xf32> to vector<1x1024xf32>
    %get3A_559 = arith.constant 8 : index
    %get3A_560 = arith.constant 0 : index
    %get3A_561 = arith.constant 0 : index
    %get3A_562 = vector.load %arg3[%get3A_559, %get3A_560, %get3A_561] : memref<32x32x1xf32, #tpu.memory_space<vmem>>, vector<1x32x1xf32>
    %get3A_563 = vector.shape_cast %get3A_562 : vector<1x32x1xf32> to vector<32x1xf32>
    %reduce_sum3A_564 = vector.shape_cast %get3A_563 : vector<32x1xf32> to vector<1x32x1xf32>
    %reduce_sum3A_565 = arith.constant dense<0.000000e+00> : vector<1xf32>
    %reduce_sum3A_566 = vector.multi_reduction <add>, %reduce_sum3A_564, %reduce_sum3A_565 [1, 2] : vector<1x32x1xf32> to vector<1xf32>
    %reduce_sum3A_567 = vector.shape_cast %reduce_sum3A_566 : vector<1xf32> to vector<1x1x1xf32>
    %reduce_sum3A_568 = vector.extract %reduce_sum3A_567[0, 0, 0] : f32 from vector<1x1x1xf32>
    %max3A_569 = arith.constant 1.000000e+00 : f32
    %max3A_570 = arith.maximumf %reduce_sum3A_568, %max3A_569 : f32
    %div3A_571 = vector.broadcast %max3A_570 : f32 to vector<1x1024xf32>
    %div3A_572 = arith.divf %broadcast_in_dim3A_558, %div3A_571 : vector<1x1024xf32>
    %swap3A_573 = arith.constant 8 : index
    %swap3A_574 = arith.constant 0 : index
    %swap3A_575 = arith.constant 0 : index
    %swap3A_576 = vector.load %arg4[%swap3A_573, %swap3A_574, %swap3A_575] : memref<32x1x1024xf32, #tpu.memory_space<vmem>>, vector<1x1x1024xf32>
    %swap3A_577 = vector.shape_cast %swap3A_576 : vector<1x1x1024xf32> to vector<1x1024xf32>
    %swap3A_578 = vector.shape_cast %div3A_572 : vector<1x1024xf32> to vector<1x1x1024xf32>
    tpu.vector_store %arg4[%swap3A_573, %swap3A_574, %swap3A_575], %swap3A_578 {strides = array<i32>} : memref<32x1x1024xf32, #tpu.memory_space<vmem>>, vector<1x1x1024xf32>,
    %get3A_579 = arith.constant 9 : index
    %get3A_580 = arith.constant 0 : index
    %get3A_581 = arith.constant 0 : index
    %get3A_582 = vector.load %arg0[%get3A_579, %get3A_580, %get3A_581] : memref<32x32x1024xf32, #tpu.memory_space<vmem>>, vector<1x32x1024xf32>
    %get3A_583 = vector.shape_cast %get3A_582 : vector<1x32x1024xf32> to vector<32x1024xf32>
    %slice3A_584 = vector.extract_strided_slice %get3A_583 {offsets = [0, 0], sizes = [32, 256], strides = [1, 1]} : vector<32x1024xf32> to vector<32x256xf32>
    %convert_element_type3A_585 = arith.truncf %slice3A_584 : vector<32x256xf32> to vector<32x256xbf16>
    %slice3A_586 = vector.extract_strided_slice %get3A_1 {offsets = [0, 0], sizes = [256, 1024], strides = [1, 1]} : vector<1024x1024xf32> to vector<256x1024xf32>
    %convert_element_type3A_587 = arith.truncf %slice3A_586 : vector<256x1024xf32> to vector<256x1024xbf16>
    %dot_general3A_588 = arith.constant dense<0.000000e+00> : vector<32x1024xf32>
    %dot_general3A_589 = tpu.matmul %convert_element_type3A_585, %convert_element_type3A_587, %dot_general3A_588 {dimension_numbers = #tpu.dot_dimension_numbers<[1], [0], [0], [1], [0, 0, 1, 1], [], []>, transpose_lhs_hint = false} : vector<32x256xbf16>, vector<256x1024xbf16>, vector<32x1024xf32> -> vector<32x1024xf32>
    %slice3A_590 = vector.extract_strided_slice %get3A_583 {offsets = [0, 256], sizes = [32, 256], strides = [1, 1]} : vector<32x1024xf32> to vector<32x256xf32>
    %convert_element_type3A_591 = arith.truncf %slice3A_590 : vector<32x256xf32> to vector<32x256xbf16>
    %slice3A_592 = vector.extract_strided_slice %get3A_1 {offsets = [256, 0], sizes = [256, 1024], strides = [1, 1]} : vector<1024x1024xf32> to vector<256x1024xf32>
    %convert_element_type3A_593 = arith.truncf %slice3A_592 : vector<256x1024xf32> to vector<256x1024xbf16>
    %dot_general3A_594 = arith.constant dense<0.000000e+00> : vector<32x1024xf32>
    %dot_general3A_595 = tpu.matmul %convert_element_type3A_591, %convert_element_type3A_593, %dot_general3A_594 {dimension_numbers = #tpu.dot_dimension_numbers<[1], [0], [0], [1], [0, 0, 1, 1], [], []>, transpose_lhs_hint = false} : vector<32x256xbf16>, vector<256x1024xbf16>, vector<32x1024xf32> -> vector<32x1024xf32>
    %add3A_596 = arith.addf %dot_general3A_589, %dot_general3A_595 : vector<32x1024xf32>
    %slice3A_597 = vector.extract_strided_slice %get3A_583 {offsets = [0, 512], sizes = [32, 256], strides = [1, 1]} : vector<32x1024xf32> to vector<32x256xf32>
    %convert_element_type3A_598 = arith.truncf %slice3A_597 : vector<32x256xf32> to vector<32x256xbf16>
    %slice3A_599 = vector.extract_strided_slice %get3A_1 {offsets = [512, 0], sizes = [256, 1024], strides = [1, 1]} : vector<1024x1024xf32> to vector<256x1024xf32>
    %convert_element_type3A_600 = arith.truncf %slice3A_599 : vector<256x1024xf32> to vector<256x1024xbf16>
    %dot_general3A_601 = arith.constant dense<0.000000e+00> : vector<32x1024xf32>
    %dot_general3A_602 = tpu.matmul %convert_element_type3A_598, %convert_element_type3A_600, %dot_general3A_601 {dimension_numbers = #tpu.dot_dimension_numbers<[1], [0], [0], [1], [0, 0, 1, 1], [], []>, transpose_lhs_hint = false} : vector<32x256xbf16>, vector<256x1024xbf16>, vector<32x1024xf32> -> vector<32x1024xf32>
    %add3A_603 = arith.addf %add3A_596, %dot_general3A_602 : vector<32x1024xf32>
    %slice3A_604 = vector.extract_strided_slice %get3A_583 {offsets = [0, 768], sizes = [32, 256], strides = [1, 1]} : vector<32x1024xf32> to vector<32x256xf32>
    %convert_element_type3A_605 = arith.truncf %slice3A_604 : vector<32x256xf32> to vector<32x256xbf16>
    %slice3A_606 = vector.extract_strided_slice %get3A_1 {offsets = [768, 0], sizes = [256, 1024], strides = [1, 1]} : vector<1024x1024xf32> to vector<256x1024xf32>
    %convert_element_type3A_607 = arith.truncf %slice3A_606 : vector<256x1024xf32> to vector<256x1024xbf16>
    %dot_general3A_608 = arith.constant dense<0.000000e+00> : vector<32x1024xf32>
    %dot_general3A_609 = tpu.matmul %convert_element_type3A_605, %convert_element_type3A_607, %dot_general3A_608 {dimension_numbers = #tpu.dot_dimension_numbers<[1], [0], [0], [1], [0, 0, 1, 1], [], []>, transpose_lhs_hint = false} : vector<32x256xbf16>, vector<256x1024xbf16>, vector<32x1024xf32> -> vector<32x1024xf32>
    %add3A_610 = arith.addf %add3A_603, %dot_general3A_609 : vector<32x1024xf32>
    %add3A_611 = vector.broadcast %get3A_4 : vector<1x1024xf32> to vector<32x1024xf32>
    %add3A_612 = arith.addf %add3A_610, %add3A_611 : vector<32x1024xf32>
    %tanh3A_613 = math.tanh %add3A_612 : vector<32x1024xf32>
    %get3A_614 = arith.constant 9 : index
    %get3A_615 = arith.constant 0 : index
    %get3A_616 = arith.constant 0 : index
    %get3A_617 = vector.load %arg3[%get3A_614, %get3A_615, %get3A_616] : memref<32x32x1xf32, #tpu.memory_space<vmem>>, vector<1x32x1xf32>
    %get3A_618 = vector.shape_cast %get3A_617 : vector<1x32x1xf32> to vector<32x1xf32>
    %mul3A_619 = vector.broadcast %get3A_618 : vector<32x1xf32> to vector<32x1024xf32>
    %mul3A_620 = arith.mulf %tanh3A_613, %mul3A_619 : vector<32x1024xf32>
    %reduce_sum3A_621 = arith.constant dense<0.000000e+00> : vector<1024xf32>
    %reduce_sum3A_622 = vector.multi_reduction <add>, %mul3A_620, %reduce_sum3A_621 [0] : vector<32x1024xf32> to vector<1024xf32>
    %broadcast_in_dim3A_623 = vector.shape_cast %reduce_sum3A_622 : vector<1024xf32> to vector<1x1024xf32>
    %get3A_624 = arith.constant 9 : index
    %get3A_625 = arith.constant 0 : index
    %get3A_626 = arith.constant 0 : index
    %get3A_627 = vector.load %arg3[%get3A_624, %get3A_625, %get3A_626] : memref<32x32x1xf32, #tpu.memory_space<vmem>>, vector<1x32x1xf32>
    %get3A_628 = vector.shape_cast %get3A_627 : vector<1x32x1xf32> to vector<32x1xf32>
    %reduce_sum3A_629 = vector.shape_cast %get3A_628 : vector<32x1xf32> to vector<1x32x1xf32>
    %reduce_sum3A_630 = arith.constant dense<0.000000e+00> : vector<1xf32>
    %reduce_sum3A_631 = vector.multi_reduction <add>, %reduce_sum3A_629, %reduce_sum3A_630 [1, 2] : vector<1x32x1xf32> to vector<1xf32>
    %reduce_sum3A_632 = vector.shape_cast %reduce_sum3A_631 : vector<1xf32> to vector<1x1x1xf32>
    %reduce_sum3A_633 = vector.extract %reduce_sum3A_632[0, 0, 0] : f32 from vector<1x1x1xf32>
    %max3A_634 = arith.constant 1.000000e+00 : f32
    %max3A_635 = arith.maximumf %reduce_sum3A_633, %max3A_634 : f32
    %div3A_636 = vector.broadcast %max3A_635 : f32 to vector<1x1024xf32>
    %div3A_637 = arith.divf %broadcast_in_dim3A_623, %div3A_636 : vector<1x1024xf32>
    %swap3A_638 = arith.constant 9 : index
    %swap3A_639 = arith.constant 0 : index
    %swap3A_640 = arith.constant 0 : index
    %swap3A_641 = vector.load %arg4[%swap3A_638, %swap3A_639, %swap3A_640] : memref<32x1x1024xf32, #tpu.memory_space<vmem>>, vector<1x1x1024xf32>
    %swap3A_642 = vector.shape_cast %swap3A_641 : vector<1x1x1024xf32> to vector<1x1024xf32>
    %swap3A_643 = vector.shape_cast %div3A_637 : vector<1x1024xf32> to vector<1x1x1024xf32>
    tpu.vector_store %arg4[%swap3A_638, %swap3A_639, %swap3A_640], %swap3A_643 {strides = array<i32>} : memref<32x1x1024xf32, #tpu.memory_space<vmem>>, vector<1x1x1024xf32>,
    %get3A_644 = arith.constant 10 : index
    %get3A_645 = arith.constant 0 : index
    %get3A_646 = arith.constant 0 : index
    %get3A_647 = vector.load %arg0[%get3A_644, %get3A_645, %get3A_646] : memref<32x32x1024xf32, #tpu.memory_space<vmem>>, vector<1x32x1024xf32>
    %get3A_648 = vector.shape_cast %get3A_647 : vector<1x32x1024xf32> to vector<32x1024xf32>
    %slice3A_649 = vector.extract_strided_slice %get3A_648 {offsets = [0, 0], sizes = [32, 256], strides = [1, 1]} : vector<32x1024xf32> to vector<32x256xf32>
    %convert_element_type3A_650 = arith.truncf %slice3A_649 : vector<32x256xf32> to vector<32x256xbf16>
    %slice3A_651 = vector.extract_strided_slice %get3A_1 {offsets = [0, 0], sizes = [256, 1024], strides = [1, 1]} : vector<1024x1024xf32> to vector<256x1024xf32>
    %convert_element_type3A_652 = arith.truncf %slice3A_651 : vector<256x1024xf32> to vector<256x1024xbf16>
    %dot_general3A_653 = arith.constant dense<0.000000e+00> : vector<32x1024xf32>
    %dot_general3A_654 = tpu.matmul %convert_element_type3A_650, %convert_element_type3A_652, %dot_general3A_653 {dimension_numbers = #tpu.dot_dimension_numbers<[1], [0], [0], [1], [0, 0, 1, 1], [], []>, transpose_lhs_hint = false} : vector<32x256xbf16>, vector<256x1024xbf16>, vector<32x1024xf32> -> vector<32x1024xf32>
    %slice3A_655 = vector.extract_strided_slice %get3A_648 {offsets = [0, 256], sizes = [32, 256], strides = [1, 1]} : vector<32x1024xf32> to vector<32x256xf32>
    %convert_element_type3A_656 = arith.truncf %slice3A_655 : vector<32x256xf32> to vector<32x256xbf16>
    %slice3A_657 = vector.extract_strided_slice %get3A_1 {offsets = [256, 0], sizes = [256, 1024], strides = [1, 1]} : vector<1024x1024xf32> to vector<256x1024xf32>
    %convert_element_type3A_658 = arith.truncf %slice3A_657 : vector<256x1024xf32> to vector<256x1024xbf16>
    %dot_general3A_659 = arith.constant dense<0.000000e+00> : vector<32x1024xf32>
    %dot_general3A_660 = tpu.matmul %convert_element_type3A_656, %convert_element_type3A_658, %dot_general3A_659 {dimension_numbers = #tpu.dot_dimension_numbers<[1], [0], [0], [1], [0, 0, 1, 1], [], []>, transpose_lhs_hint = false} : vector<32x256xbf16>, vector<256x1024xbf16>, vector<32x1024xf32> -> vector<32x1024xf32>
    %add3A_661 = arith.addf %dot_general3A_654, %dot_general3A_660 : vector<32x1024xf32>
    %slice3A_662 = vector.extract_strided_slice %get3A_648 {offsets = [0, 512], sizes = [32, 256], strides = [1, 1]} : vector<32x1024xf32> to vector<32x256xf32>
    %convert_element_type3A_663 = arith.truncf %slice3A_662 : vector<32x256xf32> to vector<32x256xbf16>
    %slice3A_664 = vector.extract_strided_slice %get3A_1 {offsets = [512, 0], sizes = [256, 1024], strides = [1, 1]} : vector<1024x1024xf32> to vector<256x1024xf32>
    %convert_element_type3A_665 = arith.truncf %slice3A_664 : vector<256x1024xf32> to vector<256x1024xbf16>
    %dot_general3A_666 = arith.constant dense<0.000000e+00> : vector<32x1024xf32>
    %dot_general3A_667 = tpu.matmul %convert_element_type3A_663, %convert_element_type3A_665, %dot_general3A_666 {dimension_numbers = #tpu.dot_dimension_numbers<[1], [0], [0], [1], [0, 0, 1, 1], [], []>, transpose_lhs_hint = false} : vector<32x256xbf16>, vector<256x1024xbf16>, vector<32x1024xf32> -> vector<32x1024xf32>
    %add3A_668 = arith.addf %add3A_661, %dot_general3A_667 : vector<32x1024xf32>
    %slice3A_669 = vector.extract_strided_slice %get3A_648 {offsets = [0, 768], sizes = [32, 256], strides = [1, 1]} : vector<32x1024xf32> to vector<32x256xf32>
    %convert_element_type3A_670 = arith.truncf %slice3A_669 : vector<32x256xf32> to vector<32x256xbf16>
    %slice3A_671 = vector.extract_strided_slice %get3A_1 {offsets = [768, 0], sizes = [256, 1024], strides = [1, 1]} : vector<1024x1024xf32> to vector<256x1024xf32>
    %convert_element_type3A_672 = arith.truncf %slice3A_671 : vector<256x1024xf32> to vector<256x1024xbf16>
    %dot_general3A_673 = arith.constant dense<0.000000e+00> : vector<32x1024xf32>
    %dot_general3A_674 = tpu.matmul %convert_element_type3A_670, %convert_element_type3A_672, %dot_general3A_673 {dimension_numbers = #tpu.dot_dimension_numbers<[1], [0], [0], [1], [0, 0, 1, 1], [], []>, transpose_lhs_hint = false} : vector<32x256xbf16>, vector<256x1024xbf16>, vector<32x1024xf32> -> vector<32x1024xf32>
    %add3A_675 = arith.addf %add3A_668, %dot_general3A_674 : vector<32x1024xf32>
    %add3A_676 = vector.broadcast %get3A_4 : vector<1x1024xf32> to vector<32x1024xf32>
    %add3A_677 = arith.addf %add3A_675, %add3A_676 : vector<32x1024xf32>
    %tanh3A_678 = math.tanh %add3A_677 : vector<32x1024xf32>
    %get3A_679 = arith.constant 10 : index
    %get3A_680 = arith.constant 0 : index
    %get3A_681 = arith.constant 0 : index
    %get3A_682 = vector.load %arg3[%get3A_679, %get3A_680, %get3A_681] : memref<32x32x1xf32, #tpu.memory_space<vmem>>, vector<1x32x1xf32>
    %get3A_683 = vector.shape_cast %get3A_682 : vector<1x32x1xf32> to vector<32x1xf32>
    %mul3A_684 = vector.broadcast %get3A_683 : vector<32x1xf32> to vector<32x1024xf32>
    %mul3A_685 = arith.mulf %tanh3A_678, %mul3A_684 : vector<32x1024xf32>
    %reduce_sum3A_686 = arith.constant dense<0.000000e+00> : vector<1024xf32>
    %reduce_sum3A_687 = vector.multi_reduction <add>, %mul3A_685, %reduce_sum3A_686 [0] : vector<32x1024xf32> to vector<1024xf32>
    %broadcast_in_dim3A_688 = vector.shape_cast %reduce_sum3A_687 : vector<1024xf32> to vector<1x1024xf32>
    %get3A_689 = arith.constant 10 : index
    %get3A_690 = arith.constant 0 : index
    %get3A_691 = arith.constant 0 : index
    %get3A_692 = vector.load %arg3[%get3A_689, %get3A_690, %get3A_691] : memref<32x32x1xf32, #tpu.memory_space<vmem>>, vector<1x32x1xf32>
    %get3A_693 = vector.shape_cast %get3A_692 : vector<1x32x1xf32> to vector<32x1xf32>
    %reduce_sum3A_694 = vector.shape_cast %get3A_693 : vector<32x1xf32> to vector<1x32x1xf32>
    %reduce_sum3A_695 = arith.constant dense<0.000000e+00> : vector<1xf32>
    %reduce_sum3A_696 = vector.multi_reduction <add>, %reduce_sum3A_694, %reduce_sum3A_695 [1, 2] : vector<1x32x1xf32> to vector<1xf32>
    %reduce_sum3A_697 = vector.shape_cast %reduce_sum3A_696 : vector<1xf32> to vector<1x1x1xf32>
    %reduce_sum3A_698 = vector.extract %reduce_sum3A_697[0, 0, 0] : f32 from vector<1x1x1xf32>
    %max3A_699 = arith.constant 1.000000e+00 : f32
    %max3A_700 = arith.maximumf %reduce_sum3A_698, %max3A_699 : f32
    %div3A_701 = vector.broadcast %max3A_700 : f32 to vector<1x1024xf32>
    %div3A_702 = arith.divf %broadcast_in_dim3A_688, %div3A_701 : vector<1x1024xf32>
    %swap3A_703 = arith.constant 10 : index
    %swap3A_704 = arith.constant 0 : index
    %swap3A_705 = arith.constant 0 : index
    %swap3A_706 = vector.load %arg4[%swap3A_703, %swap3A_704, %swap3A_705] : memref<32x1x1024xf32, #tpu.memory_space<vmem>>, vector<1x1x1024xf32>
    %swap3A_707 = vector.shape_cast %swap3A_706 : vector<1x1x1024xf32> to vector<1x1024xf32>
    %swap3A_708 = vector.shape_cast %div3A_702 : vector<1x1024xf32> to vector<1x1x1024xf32>
    tpu.vector_store %arg4[%swap3A_703, %swap3A_704, %swap3A_705], %swap3A_708 {strides = array<i32>} : memref<32x1x1024xf32, #tpu.memory_space<vmem>>, vector<1x1x1024xf32>,
    %get3A_709 = arith.constant 11 : index
    %get3A_710 = arith.constant 0 : index
    %get3A_711 = arith.constant 0 : index
    %get3A_712 = vector.load %arg0[%get3A_709, %get3A_710, %get3A_711] : memref<32x32x1024xf32, #tpu.memory_space<vmem>>, vector<1x32x1024xf32>
    %get3A_713 = vector.shape_cast %get3A_712 : vector<1x32x1024xf32> to vector<32x1024xf32>
    %slice3A_714 = vector.extract_strided_slice %get3A_713 {offsets = [0, 0], sizes = [32, 256], strides = [1, 1]} : vector<32x1024xf32> to vector<32x256xf32>
    %convert_element_type3A_715 = arith.truncf %slice3A_714 : vector<32x256xf32> to vector<32x256xbf16>
    %slice3A_716 = vector.extract_strided_slice %get3A_1 {offsets = [0, 0], sizes = [256, 1024], strides = [1, 1]} : vector<1024x1024xf32> to vector<256x1024xf32>
    %convert_element_type3A_717 = arith.truncf %slice3A_716 : vector<256x1024xf32> to vector<256x1024xbf16>
    %dot_general3A_718 = arith.constant dense<0.000000e+00> : vector<32x1024xf32>
    %dot_general3A_719 = tpu.matmul %convert_element_type3A_715, %convert_element_type3A_717, %dot_general3A_718 {dimension_numbers = #tpu.dot_dimension_numbers<[1], [0], [0], [1], [0, 0, 1, 1], [], []>, transpose_lhs_hint = false} : vector<32x256xbf16>, vector<256x1024xbf16>, vector<32x1024xf32> -> vector<32x1024xf32>
    %slice3A_720 = vector.extract_strided_slice %get3A_713 {offsets = [0, 256], sizes = [32, 256], strides = [1, 1]} : vector<32x1024xf32> to vector<32x256xf32>
    %convert_element_type3A_721 = arith.truncf %slice3A_720 : vector<32x256xf32> to vector<32x256xbf16>
    %slice3A_722 = vector.extract_strided_slice %get3A_1 {offsets = [256, 0], sizes = [256, 1024], strides = [1, 1]} : vector<1024x1024xf32> to vector<256x1024xf32>
    %convert_element_type3A_723 = arith.truncf %slice3A_722 : vector<256x1024xf32> to vector<256x1024xbf16>
    %dot_general3A_724 = arith.constant dense<0.000000e+00> : vector<32x1024xf32>
    %dot_general3A_725 = tpu.matmul %convert_element_type3A_721, %convert_element_type3A_723, %dot_general3A_724 {dimension_numbers = #tpu.dot_dimension_numbers<[1], [0], [0], [1], [0, 0, 1, 1], [], []>, transpose_lhs_hint = false} : vector<32x256xbf16>, vector<256x1024xbf16>, vector<32x1024xf32> -> vector<32x1024xf32>
    %add3A_726 = arith.addf %dot_general3A_719, %dot_general3A_725 : vector<32x1024xf32>
    %slice3A_727 = vector.extract_strided_slice %get3A_713 {offsets = [0, 512], sizes = [32, 256], strides = [1, 1]} : vector<32x1024xf32> to vector<32x256xf32>
    %convert_element_type3A_728 = arith.truncf %slice3A_727 : vector<32x256xf32> to vector<32x256xbf16>
    %slice3A_729 = vector.extract_strided_slice %get3A_1 {offsets = [512, 0], sizes = [256, 1024], strides = [1, 1]} : vector<1024x1024xf32> to vector<256x1024xf32>
    %convert_element_type3A_730 = arith.truncf %slice3A_729 : vector<256x1024xf32> to vector<256x1024xbf16>
    %dot_general3A_731 = arith.constant dense<0.000000e+00> : vector<32x1024xf32>
    %dot_general3A_732 = tpu.matmul %convert_element_type3A_728, %convert_element_type3A_730, %dot_general3A_731 {dimension_numbers = #tpu.dot_dimension_numbers<[1], [0], [0], [1], [0, 0, 1, 1], [], []>, transpose_lhs_hint = false} : vector<32x256xbf16>, vector<256x1024xbf16>, vector<32x1024xf32> -> vector<32x1024xf32>
    %add3A_733 = arith.addf %add3A_726, %dot_general3A_732 : vector<32x1024xf32>
    %slice3A_734 = vector.extract_strided_slice %get3A_713 {offsets = [0, 768], sizes = [32, 256], strides = [1, 1]} : vector<32x1024xf32> to vector<32x256xf32>
    %convert_element_type3A_735 = arith.truncf %slice3A_734 : vector<32x256xf32> to vector<32x256xbf16>
    %slice3A_736 = vector.extract_strided_slice %get3A_1 {offsets = [768, 0], sizes = [256, 1024], strides = [1, 1]} : vector<1024x1024xf32> to vector<256x1024xf32>
    %convert_element_type3A_737 = arith.truncf %slice3A_736 : vector<256x1024xf32> to vector<256x1024xbf16>
    %dot_general3A_738 = arith.constant dense<0.000000e+00> : vector<32x1024xf32>
    %dot_general3A_739 = tpu.matmul %convert_element_type3A_735, %convert_element_type3A_737, %dot_general3A_738 {dimension_numbers = #tpu.dot_dimension_numbers<[1], [0], [0], [1], [0, 0, 1, 1], [], []>, transpose_lhs_hint = false} : vector<32x256xbf16>, vector<256x1024xbf16>, vector<32x1024xf32> -> vector<32x1024xf32>
    %add3A_740 = arith.addf %add3A_733, %dot_general3A_739 : vector<32x1024xf32>
    %add3A_741 = vector.broadcast %get3A_4 : vector<1x1024xf32> to vector<32x1024xf32>
    %add3A_742 = arith.addf %add3A_740, %add3A_741 : vector<32x1024xf32>
    %tanh3A_743 = math.tanh %add3A_742 : vector<32x1024xf32>
    %get3A_744 = arith.constant 11 : index
    %get3A_745 = arith.constant 0 : index
    %get3A_746 = arith.constant 0 : index
    %get3A_747 = vector.load %arg3[%get3A_744, %get3A_745, %get3A_746] : memref<32x32x1xf32, #tpu.memory_space<vmem>>, vector<1x32x1xf32>
    %get3A_748 = vector.shape_cast %get3A_747 : vector<1x32x1xf32> to vector<32x1xf32>
    %mul3A_749 = vector.broadcast %get3A_748 : vector<32x1xf32> to vector<32x1024xf32>
    %mul3A_750 = arith.mulf %tanh3A_743, %mul3A_749 : vector<32x1024xf32>
    %reduce_sum3A_751 = arith.constant dense<0.000000e+00> : vector<1024xf32>
    %reduce_sum3A_752 = vector.multi_reduction <add>, %mul3A_750, %reduce_sum3A_751 [0] : vector<32x1024xf32> to vector<1024xf32>
    %broadcast_in_dim3A_753 = vector.shape_cast %reduce_sum3A_752 : vector<1024xf32> to vector<1x1024xf32>
    %get3A_754 = arith.constant 11 : index
    %get3A_755 = arith.constant 0 : index
    %get3A_756 = arith.constant 0 : index
    %get3A_757 = vector.load %arg3[%get3A_754, %get3A_755, %get3A_756] : memref<32x32x1xf32, #tpu.memory_space<vmem>>, vector<1x32x1xf32>
    %get3A_758 = vector.shape_cast %get3A_757 : vector<1x32x1xf32> to vector<32x1xf32>
    %reduce_sum3A_759 = vector.shape_cast %get3A_758 : vector<32x1xf32> to vector<1x32x1xf32>
    %reduce_sum3A_760 = arith.constant dense<0.000000e+00> : vector<1xf32>
    %reduce_sum3A_761 = vector.multi_reduction <add>, %reduce_sum3A_759, %reduce_sum3A_760 [1, 2] : vector<1x32x1xf32> to vector<1xf32>
    %reduce_sum3A_762 = vector.shape_cast %reduce_sum3A_761 : vector<1xf32> to vector<1x1x1xf32>
    %reduce_sum3A_763 = vector.extract %reduce_sum3A_762[0, 0, 0] : f32 from vector<1x1x1xf32>
    %max3A_764 = arith.constant 1.000000e+00 : f32
    %max3A_765 = arith.maximumf %reduce_sum3A_763, %max3A_764 : f32
    %div3A_766 = vector.broadcast %max3A_765 : f32 to vector<1x1024xf32>
    %div3A_767 = arith.divf %broadcast_in_dim3A_753, %div3A_766 : vector<1x1024xf32>
    %swap3A_768 = arith.constant 11 : index
    %swap3A_769 = arith.constant 0 : index
    %swap3A_770 = arith.constant 0 : index
    %swap3A_771 = vector.load %arg4[%swap3A_768, %swap3A_769, %swap3A_770] : memref<32x1x1024xf32, #tpu.memory_space<vmem>>, vector<1x1x1024xf32>
    %swap3A_772 = vector.shape_cast %swap3A_771 : vector<1x1x1024xf32> to vector<1x1024xf32>
    %swap3A_773 = vector.shape_cast %div3A_767 : vector<1x1024xf32> to vector<1x1x1024xf32>
    tpu.vector_store %arg4[%swap3A_768, %swap3A_769, %swap3A_770], %swap3A_773 {strides = array<i32>} : memref<32x1x1024xf32, #tpu.memory_space<vmem>>, vector<1x1x1024xf32>,
    %get3A_774 = arith.constant 12 : index
    %get3A_775 = arith.constant 0 : index
    %get3A_776 = arith.constant 0 : index
    %get3A_777 = vector.load %arg0[%get3A_774, %get3A_775, %get3A_776] : memref<32x32x1024xf32, #tpu.memory_space<vmem>>, vector<1x32x1024xf32>
    %get3A_778 = vector.shape_cast %get3A_777 : vector<1x32x1024xf32> to vector<32x1024xf32>
    %slice3A_779 = vector.extract_strided_slice %get3A_778 {offsets = [0, 0], sizes = [32, 256], strides = [1, 1]} : vector<32x1024xf32> to vector<32x256xf32>
    %convert_element_type3A_780 = arith.truncf %slice3A_779 : vector<32x256xf32> to vector<32x256xbf16>
    %slice3A_781 = vector.extract_strided_slice %get3A_1 {offsets = [0, 0], sizes = [256, 1024], strides = [1, 1]} : vector<1024x1024xf32> to vector<256x1024xf32>
    %convert_element_type3A_782 = arith.truncf %slice3A_781 : vector<256x1024xf32> to vector<256x1024xbf16>
    %dot_general3A_783 = arith.constant dense<0.000000e+00> : vector<32x1024xf32>
    %dot_general3A_784 = tpu.matmul %convert_element_type3A_780, %convert_element_type3A_782, %dot_general3A_783 {dimension_numbers = #tpu.dot_dimension_numbers<[1], [0], [0], [1], [0, 0, 1, 1], [], []>, transpose_lhs_hint = false} : vector<32x256xbf16>, vector<256x1024xbf16>, vector<32x1024xf32> -> vector<32x1024xf32>
    %slice3A_785 = vector.extract_strided_slice %get3A_778 {offsets = [0, 256], sizes = [32, 256], strides = [1, 1]} : vector<32x1024xf32> to vector<32x256xf32>
    %convert_element_type3A_786 = arith.truncf %slice3A_785 : vector<32x256xf32> to vector<32x256xbf16>
    %slice3A_787 = vector.extract_strided_slice %get3A_1 {offsets = [256, 0], sizes = [256, 1024], strides = [1, 1]} : vector<1024x1024xf32> to vector<256x1024xf32>
    %convert_element_type3A_788 = arith.truncf %slice3A_787 : vector<256x1024xf32> to vector<256x1024xbf16>
    %dot_general3A_789 = arith.constant dense<0.000000e+00> : vector<32x1024xf32>
    %dot_general3A_790 = tpu.matmul %convert_element_type3A_786, %convert_element_type3A_788, %dot_general3A_789 {dimension_numbers = #tpu.dot_dimension_numbers<[1], [0], [0], [1], [0, 0, 1, 1], [], []>, transpose_lhs_hint = false} : vector<32x256xbf16>, vector<256x1024xbf16>, vector<32x1024xf32> -> vector<32x1024xf32>
    %add3A_791 = arith.addf %dot_general3A_784, %dot_general3A_790 : vector<32x1024xf32>
    %slice3A_792 = vector.extract_strided_slice %get3A_778 {offsets = [0, 512], sizes = [32, 256], strides = [1, 1]} : vector<32x1024xf32> to vector<32x256xf32>
    %convert_element_type3A_793 = arith.truncf %slice3A_792 : vector<32x256xf32> to vector<32x256xbf16>
    %slice3A_794 = vector.extract_strided_slice %get3A_1 {offsets = [512, 0], sizes = [256, 1024], strides = [1, 1]} : vector<1024x1024xf32> to vector<256x1024xf32>
    %convert_element_type3A_795 = arith.truncf %slice3A_794 : vector<256x1024xf32> to vector<256x1024xbf16>
    %dot_general3A_796 = arith.constant dense<0.000000e+00> : vector<32x1024xf32>
    %dot_general3A_797 = tpu.matmul %convert_element_type3A_793, %convert_element_type3A_795, %dot_general3A_796 {dimension_numbers = #tpu.dot_dimension_numbers<[1], [0], [0], [1], [0, 0, 1, 1], [], []>, transpose_lhs_hint = false} : vector<32x256xbf16>, vector<256x1024xbf16>, vector<32x1024xf32> -> vector<32x1024xf32>
    %add3A_798 = arith.addf %add3A_791, %dot_general3A_797 : vector<32x1024xf32>
    %slice3A_799 = vector.extract_strided_slice %get3A_778 {offsets = [0, 768], sizes = [32, 256], strides = [1, 1]} : vector<32x1024xf32> to vector<32x256xf32>
    %convert_element_type3A_800 = arith.truncf %slice3A_799 : vector<32x256xf32> to vector<32x256xbf16>
    %slice3A_801 = vector.extract_strided_slice %get3A_1 {offsets = [768, 0], sizes = [256, 1024], strides = [1, 1]} : vector<1024x1024xf32> to vector<256x1024xf32>
    %convert_element_type3A_802 = arith.truncf %slice3A_801 : vector<256x1024xf32> to vector<256x1024xbf16>
    %dot_general3A_803 = arith.constant dense<0.000000e+00> : vector<32x1024xf32>
    %dot_general3A_804 = tpu.matmul %convert_element_type3A_800, %convert_element_type3A_802, %dot_general3A_803 {dimension_numbers = #tpu.dot_dimension_numbers<[1], [0], [0], [1], [0, 0, 1, 1], [], []>, transpose_lhs_hint = false} : vector<32x256xbf16>, vector<256x1024xbf16>, vector<32x1024xf32> -> vector<32x1024xf32>
    %add3A_805 = arith.addf %add3A_798, %dot_general3A_804 : vector<32x1024xf32>
    %add3A_806 = vector.broadcast %get3A_4 : vector<1x1024xf32> to vector<32x1024xf32>
    %add3A_807 = arith.addf %add3A_805, %add3A_806 : vector<32x1024xf32>
    %tanh3A_808 = math.tanh %add3A_807 : vector<32x1024xf32>
    %get3A_809 = arith.constant 12 : index
    %get3A_810 = arith.constant 0 : index
    %get3A_811 = arith.constant 0 : index
    %get3A_812 = vector.load %arg3[%get3A_809, %get3A_810, %get3A_811] : memref<32x32x1xf32, #tpu.memory_space<vmem>>, vector<1x32x1xf32>
    %get3A_813 = vector.shape_cast %get3A_812 : vector<1x32x1xf32> to vector<32x1xf32>
    %mul3A_814 = vector.broadcast %get3A_813 : vector<32x1xf32> to vector<32x1024xf32>
    %mul3A_815 = arith.mulf %tanh3A_808, %mul3A_814 : vector<32x1024xf32>
    %reduce_sum3A_816 = arith.constant dense<0.000000e+00> : vector<1024xf32>
    %reduce_sum3A_817 = vector.multi_reduction <add>, %mul3A_815, %reduce_sum3A_816 [0] : vector<32x1024xf32> to vector<1024xf32>
    %broadcast_in_dim3A_818 = vector.shape_cast %reduce_sum3A_817 : vector<1024xf32> to vector<1x1024xf32>
    %get3A_819 = arith.constant 12 : index
    %get3A_820 = arith.constant 0 : index
    %get3A_821 = arith.constant 0 : index
    %get3A_822 = vector.load %arg3[%get3A_819, %get3A_820, %get3A_821] : memref<32x32x1xf32, #tpu.memory_space<vmem>>, vector<1x32x1xf32>
    %get3A_823 = vector.shape_cast %get3A_822 : vector<1x32x1xf32> to vector<32x1xf32>
    %reduce_sum3A_824 = vector.shape_cast %get3A_823 : vector<32x1xf32> to vector<1x32x1xf32>
    %reduce_sum3A_825 = arith.constant dense<0.000000e+00> : vector<1xf32>
    %reduce_sum3A_826 = vector.multi_reduction <add>, %reduce_sum3A_824, %reduce_sum3A_825 [1, 2] : vector<1x32x1xf32> to vector<1xf32>
    %reduce_sum3A_827 = vector.shape_cast %reduce_sum3A_826 : vector<1xf32> to vector<1x1x1xf32>
    %reduce_sum3A_828 = vector.extract %reduce_sum3A_827[0, 0, 0] : f32 from vector<1x1x1xf32>
    %max3A_829 = arith.constant 1.000000e+00 : f32
    %max3A_830 = arith.maximumf %reduce_sum3A_828, %max3A_829 : f32
    %div3A_831 = vector.broadcast %max3A_830 : f32 to vector<1x1024xf32>
    %div3A_832 = arith.divf %broadcast_in_dim3A_818, %div3A_831 : vector<1x1024xf32>
    %swap3A_833 = arith.constant 12 : index
    %swap3A_834 = arith.constant 0 : index
    %swap3A_835 = arith.constant 0 : index
    %swap3A_836 = vector.load %arg4[%swap3A_833, %swap3A_834, %swap3A_835] : memref<32x1x1024xf32, #tpu.memory_space<vmem>>, vector<1x1x1024xf32>
    %swap3A_837 = vector.shape_cast %swap3A_836 : vector<1x1x1024xf32> to vector<1x1024xf32>
    %swap3A_838 = vector.shape_cast %div3A_832 : vector<1x1024xf32> to vector<1x1x1024xf32>
    tpu.vector_store %arg4[%swap3A_833, %swap3A_834, %swap3A_835], %swap3A_838 {strides = array<i32>} : memref<32x1x1024xf32, #tpu.memory_space<vmem>>, vector<1x1x1024xf32>,
    %get3A_839 = arith.constant 13 : index
    %get3A_840 = arith.constant 0 : index
    %get3A_841 = arith.constant 0 : index
    %get3A_842 = vector.load %arg0[%get3A_839, %get3A_840, %get3A_841] : memref<32x32x1024xf32, #tpu.memory_space<vmem>>, vector<1x32x1024xf32>
    %get3A_843 = vector.shape_cast %get3A_842 : vector<1x32x1024xf32> to vector<32x1024xf32>
    %slice3A_844 = vector.extract_strided_slice %get3A_843 {offsets = [0, 0], sizes = [32, 256], strides = [1, 1]} : vector<32x1024xf32> to vector<32x256xf32>
    %convert_element_type3A_845 = arith.truncf %slice3A_844 : vector<32x256xf32> to vector<32x256xbf16>
    %slice3A_846 = vector.extract_strided_slice %get3A_1 {offsets = [0, 0], sizes = [256, 1024], strides = [1, 1]} : vector<1024x1024xf32> to vector<256x1024xf32>
    %convert_element_type3A_847 = arith.truncf %slice3A_846 : vector<256x1024xf32> to vector<256x1024xbf16>
    %dot_general3A_848 = arith.constant dense<0.000000e+00> : vector<32x1024xf32>
    %dot_general3A_849 = tpu.matmul %convert_element_type3A_845, %convert_element_type3A_847, %dot_general3A_848 {dimension_numbers = #tpu.dot_dimension_numbers<[1], [0], [0], [1], [0, 0, 1, 1], [], []>, transpose_lhs_hint = false} : vector<32x256xbf16>, vector<256x1024xbf16>, vector<32x1024xf32> -> vector<32x1024xf32>
    %slice3A_850 = vector.extract_strided_slice %get3A_843 {offsets = [0, 256], sizes = [32, 256], strides = [1, 1]} : vector<32x1024xf32> to vector<32x256xf32>
    %convert_element_type3A_851 = arith.truncf %slice3A_850 : vector<32x256xf32> to vector<32x256xbf16>
    %slice3A_852 = vector.extract_strided_slice %get3A_1 {offsets = [256, 0], sizes = [256, 1024], strides = [1, 1]} : vector<1024x1024xf32> to vector<256x1024xf32>
    %convert_element_type3A_853 = arith.truncf %slice3A_852 : vector<256x1024xf32> to vector<256x1024xbf16>
    %dot_general3A_854 = arith.constant dense<0.000000e+00> : vector<32x1024xf32>
    %dot_general3A_855 = tpu.matmul %convert_element_type3A_851, %convert_element_type3A_853, %dot_general3A_854 {dimension_numbers = #tpu.dot_dimension_numbers<[1], [0], [0], [1], [0, 0, 1, 1], [], []>, transpose_lhs_hint = false} : vector<32x256xbf16>, vector<256x1024xbf16>, vector<32x1024xf32> -> vector<32x1024xf32>
    %add3A_856 = arith.addf %dot_general3A_849, %dot_general3A_855 : vector<32x1024xf32>
    %slice3A_857 = vector.extract_strided_slice %get3A_843 {offsets = [0, 512], sizes = [32, 256], strides = [1, 1]} : vector<32x1024xf32> to vector<32x256xf32>
    %convert_element_type3A_858 = arith.truncf %slice3A_857 : vector<32x256xf32> to vector<32x256xbf16>
    %slice3A_859 = vector.extract_strided_slice %get3A_1 {offsets = [512, 0], sizes = [256, 1024], strides = [1, 1]} : vector<1024x1024xf32> to vector<256x1024xf32>
    %convert_element_type3A_860 = arith.truncf %slice3A_859 : vector<256x1024xf32> to vector<256x1024xbf16>
    %dot_general3A_861 = arith.constant dense<0.000000e+00> : vector<32x1024xf32>
    %dot_general3A_862 = tpu.matmul %convert_element_type3A_858, %convert_element_type3A_860, %dot_general3A_861 {dimension_numbers = #tpu.dot_dimension_numbers<[1], [0], [0], [1], [0, 0, 1, 1], [], []>, transpose_lhs_hint = false} : vector<32x256xbf16>, vector<256x1024xbf16>, vector<32x1024xf32> -> vector<32x1024xf32>
    %add3A_863 = arith.addf %add3A_856, %dot_general3A_862 : vector<32x1024xf32>
    %slice3A_864 = vector.extract_strided_slice %get3A_843 {offsets = [0, 768], sizes = [32, 256], strides = [1, 1]} : vector<32x1024xf32> to vector<32x256xf32>
    %convert_element_type3A_865 = arith.truncf %slice3A_864 : vector<32x256xf32> to vector<32x256xbf16>
    %slice3A_866 = vector.extract_strided_slice %get3A_1 {offsets = [768, 0], sizes = [256, 1024], strides = [1, 1]} : vector<1024x1024xf32> to vector<256x1024xf32>
    %convert_element_type3A_867 = arith.truncf %slice3A_866 : vector<256x1024xf32> to vector<256x1024xbf16>
    %dot_general3A_868 = arith.constant dense<0.000000e+00> : vector<32x1024xf32>
    %dot_general3A_869 = tpu.matmul %convert_element_type3A_865, %convert_element_type3A_867, %dot_general3A_868 {dimension_numbers = #tpu.dot_dimension_numbers<[1], [0], [0], [1], [0, 0, 1, 1], [], []>, transpose_lhs_hint = false} : vector<32x256xbf16>, vector<256x1024xbf16>, vector<32x1024xf32> -> vector<32x1024xf32>
    %add3A_870 = arith.addf %add3A_863, %dot_general3A_869 : vector<32x1024xf32>
    %add3A_871 = vector.broadcast %get3A_4 : vector<1x1024xf32> to vector<32x1024xf32>
    %add3A_872 = arith.addf %add3A_870, %add3A_871 : vector<32x1024xf32>
    %tanh3A_873 = math.tanh %add3A_872 : vector<32x1024xf32>
    %get3A_874 = arith.constant 13 : index
    %get3A_875 = arith.constant 0 : index
    %get3A_876 = arith.constant 0 : index
    %get3A_877 = vector.load %arg3[%get3A_874, %get3A_875, %get3A_876] : memref<32x32x1xf32, #tpu.memory_space<vmem>>, vector<1x32x1xf32>
    %get3A_878 = vector.shape_cast %get3A_877 : vector<1x32x1xf32> to vector<32x1xf32>
    %mul3A_879 = vector.broadcast %get3A_878 : vector<32x1xf32> to vector<32x1024xf32>
    %mul3A_880 = arith.mulf %tanh3A_873, %mul3A_879 : vector<32x1024xf32>
    %reduce_sum3A_881 = arith.constant dense<0.000000e+00> : vector<1024xf32>
    %reduce_sum3A_882 = vector.multi_reduction <add>, %mul3A_880, %reduce_sum3A_881 [0] : vector<32x1024xf32> to vector<1024xf32>
    %broadcast_in_dim3A_883 = vector.shape_cast %reduce_sum3A_882 : vector<1024xf32> to vector<1x1024xf32>
    %get3A_884 = arith.constant 13 : index
    %get3A_885 = arith.constant 0 : index
    %get3A_886 = arith.constant 0 : index
    %get3A_887 = vector.load %arg3[%get3A_884, %get3A_885, %get3A_886] : memref<32x32x1xf32, #tpu.memory_space<vmem>>, vector<1x32x1xf32>
    %get3A_888 = vector.shape_cast %get3A_887 : vector<1x32x1xf32> to vector<32x1xf32>
    %reduce_sum3A_889 = vector.shape_cast %get3A_888 : vector<32x1xf32> to vector<1x32x1xf32>
    %reduce_sum3A_890 = arith.constant dense<0.000000e+00> : vector<1xf32>
    %reduce_sum3A_891 = vector.multi_reduction <add>, %reduce_sum3A_889, %reduce_sum3A_890 [1, 2] : vector<1x32x1xf32> to vector<1xf32>
    %reduce_sum3A_892 = vector.shape_cast %reduce_sum3A_891 : vector<1xf32> to vector<1x1x1xf32>
    %reduce_sum3A_893 = vector.extract %reduce_sum3A_892[0, 0, 0] : f32 from vector<1x1x1xf32>
    %max3A_894 = arith.constant 1.000000e+00 : f32
    %max3A_895 = arith.maximumf %reduce_sum3A_893, %max3A_894 : f32
    %div3A_896 = vector.broadcast %max3A_895 : f32 to vector<1x1024xf32>
    %div3A_897 = arith.divf %broadcast_in_dim3A_883, %div3A_896 : vector<1x1024xf32>
    %swap3A_898 = arith.constant 13 : index
    %swap3A_899 = arith.constant 0 : index
    %swap3A_900 = arith.constant 0 : index
    %swap3A_901 = vector.load %arg4[%swap3A_898, %swap3A_899, %swap3A_900] : memref<32x1x1024xf32, #tpu.memory_space<vmem>>, vector<1x1x1024xf32>
    %swap3A_902 = vector.shape_cast %swap3A_901 : vector<1x1x1024xf32> to vector<1x1024xf32>
    %swap3A_903 = vector.shape_cast %div3A_897 : vector<1x1024xf32> to vector<1x1x1024xf32>
    tpu.vector_store %arg4[%swap3A_898, %swap3A_899, %swap3A_900], %swap3A_903 {strides = array<i32>} : memref<32x1x1024xf32, #tpu.memory_space<vmem>>, vector<1x1x1024xf32>,
    %get3A_904 = arith.constant 14 : index
    %get3A_905 = arith.constant 0 : index
    %get3A_906 = arith.constant 0 : index
    %get3A_907 = vector.load %arg0[%get3A_904, %get3A_905, %get3A_906] : memref<32x32x1024xf32, #tpu.memory_space<vmem>>, vector<1x32x1024xf32>
    %get3A_908 = vector.shape_cast %get3A_907 : vector<1x32x1024xf32> to vector<32x1024xf32>
    %slice3A_909 = vector.extract_strided_slice %get3A_908 {offsets = [0, 0], sizes = [32, 256], strides = [1, 1]} : vector<32x1024xf32> to vector<32x256xf32>
    %convert_element_type3A_910 = arith.truncf %slice3A_909 : vector<32x256xf32> to vector<32x256xbf16>
    %slice3A_911 = vector.extract_strided_slice %get3A_1 {offsets = [0, 0], sizes = [256, 1024], strides = [1, 1]} : vector<1024x1024xf32> to vector<256x1024xf32>
    %convert_element_type3A_912 = arith.truncf %slice3A_911 : vector<256x1024xf32> to vector<256x1024xbf16>
    %dot_general3A_913 = arith.constant dense<0.000000e+00> : vector<32x1024xf32>
    %dot_general3A_914 = tpu.matmul %convert_element_type3A_910, %convert_element_type3A_912, %dot_general3A_913 {dimension_numbers = #tpu.dot_dimension_numbers<[1], [0], [0], [1], [0, 0, 1, 1], [], []>, transpose_lhs_hint = false} : vector<32x256xbf16>, vector<256x1024xbf16>, vector<32x1024xf32> -> vector<32x1024xf32>
    %slice3A_915 = vector.extract_strided_slice %get3A_908 {offsets = [0, 256], sizes = [32, 256], strides = [1, 1]} : vector<32x1024xf32> to vector<32x256xf32>
    %convert_element_type3A_916 = arith.truncf %slice3A_915 : vector<32x256xf32> to vector<32x256xbf16>
    %slice3A_917 = vector.extract_strided_slice %get3A_1 {offsets = [256, 0], sizes = [256, 1024], strides = [1, 1]} : vector<1024x1024xf32> to vector<256x1024xf32>
    %convert_element_type3A_918 = arith.truncf %slice3A_917 : vector<256x1024xf32> to vector<256x1024xbf16>
    %dot_general3A_919 = arith.constant dense<0.000000e+00> : vector<32x1024xf32>
    %dot_general3A_920 = tpu.matmul %convert_element_type3A_916, %convert_element_type3A_918, %dot_general3A_919 {dimension_numbers = #tpu.dot_dimension_numbers<[1], [0], [0], [1], [0, 0, 1, 1], [], []>, transpose_lhs_hint = false} : vector<32x256xbf16>, vector<256x1024xbf16>, vector<32x1024xf32> -> vector<32x1024xf32>
    %add3A_921 = arith.addf %dot_general3A_914, %dot_general3A_920 : vector<32x1024xf32>
    %slice3A_922 = vector.extract_strided_slice %get3A_908 {offsets = [0, 512], sizes = [32, 256], strides = [1, 1]} : vector<32x1024xf32> to vector<32x256xf32>
    %convert_element_type3A_923 = arith.truncf %slice3A_922 : vector<32x256xf32> to vector<32x256xbf16>
    %slice3A_924 = vector.extract_strided_slice %get3A_1 {offsets = [512, 0], sizes = [256, 1024], strides = [1, 1]} : vector<1024x1024xf32> to vector<256x1024xf32>
    %convert_element_type3A_925 = arith.truncf %slice3A_924 : vector<256x1024xf32> to vector<256x1024xbf16>
    %dot_general3A_926 = arith.constant dense<0.000000e+00> : vector<32x1024xf32>
    %dot_general3A_927 = tpu.matmul %convert_element_type3A_923, %convert_element_type3A_925, %dot_general3A_926 {dimension_numbers = #tpu.dot_dimension_numbers<[1], [0], [0], [1], [0, 0, 1, 1], [], []>, transpose_lhs_hint = false} : vector<32x256xbf16>, vector<256x1024xbf16>, vector<32x1024xf32> -> vector<32x1024xf32>
    %add3A_928 = arith.addf %add3A_921, %dot_general3A_927 : vector<32x1024xf32>
    %slice3A_929 = vector.extract_strided_slice %get3A_908 {offsets = [0, 768], sizes = [32, 256], strides = [1, 1]} : vector<32x1024xf32> to vector<32x256xf32>
    %convert_element_type3A_930 = arith.truncf %slice3A_929 : vector<32x256xf32> to vector<32x256xbf16>
    %slice3A_931 = vector.extract_strided_slice %get3A_1 {offsets = [768, 0], sizes = [256, 1024], strides = [1, 1]} : vector<1024x1024xf32> to vector<256x1024xf32>
    %convert_element_type3A_932 = arith.truncf %slice3A_931 : vector<256x1024xf32> to vector<256x1024xbf16>
    %dot_general3A_933 = arith.constant dense<0.000000e+00> : vector<32x1024xf32>
    %dot_general3A_934 = tpu.matmul %convert_element_type3A_930, %convert_element_type3A_932, %dot_general3A_933 {dimension_numbers = #tpu.dot_dimension_numbers<[1], [0], [0], [1], [0, 0, 1, 1], [], []>, transpose_lhs_hint = false} : vector<32x256xbf16>, vector<256x1024xbf16>, vector<32x1024xf32> -> vector<32x1024xf32>
    %add3A_935 = arith.addf %add3A_928, %dot_general3A_934 : vector<32x1024xf32>
    %add3A_936 = vector.broadcast %get3A_4 : vector<1x1024xf32> to vector<32x1024xf32>
    %add3A_937 = arith.addf %add3A_935, %add3A_936 : vector<32x1024xf32>
    %tanh3A_938 = math.tanh %add3A_937 : vector<32x1024xf32>
    %get3A_939 = arith.constant 14 : index
    %get3A_940 = arith.constant 0 : index
    %get3A_941 = arith.constant 0 : index
    %get3A_942 = vector.load %arg3[%get3A_939, %get3A_940, %get3A_941] : memref<32x32x1xf32, #tpu.memory_space<vmem>>, vector<1x32x1xf32>
    %get3A_943 = vector.shape_cast %get3A_942 : vector<1x32x1xf32> to vector<32x1xf32>
    %mul3A_944 = vector.broadcast %get3A_943 : vector<32x1xf32> to vector<32x1024xf32>
    %mul3A_945 = arith.mulf %tanh3A_938, %mul3A_944 : vector<32x1024xf32>
    %reduce_sum3A_946 = arith.constant dense<0.000000e+00> : vector<1024xf32>
    %reduce_sum3A_947 = vector.multi_reduction <add>, %mul3A_945, %reduce_sum3A_946 [0] : vector<32x1024xf32> to vector<1024xf32>
    %broadcast_in_dim3A_948 = vector.shape_cast %reduce_sum3A_947 : vector<1024xf32> to vector<1x1024xf32>
    %get3A_949 = arith.constant 14 : index
    %get3A_950 = arith.constant 0 : index
    %get3A_951 = arith.constant 0 : index
    %get3A_952 = vector.load %arg3[%get3A_949, %get3A_950, %get3A_951] : memref<32x32x1xf32, #tpu.memory_space<vmem>>, vector<1x32x1xf32>
    %get3A_953 = vector.shape_cast %get3A_952 : vector<1x32x1xf32> to vector<32x1xf32>
    %reduce_sum3A_954 = vector.shape_cast %get3A_953 : vector<32x1xf32> to vector<1x32x1xf32>
    %reduce_sum3A_955 = arith.constant dense<0.000000e+00> : vector<1xf32>
    %reduce_sum3A_956 = vector.multi_reduction <add>, %reduce_sum3A_954, %reduce_sum3A_955 [1, 2] : vector<1x32x1xf32> to vector<1xf32>
    %reduce_sum3A_957 = vector.shape_cast %reduce_sum3A_956 : vector<1xf32> to vector<1x1x1xf32>
    %reduce_sum3A_958 = vector.extract %reduce_sum3A_957[0, 0, 0] : f32 from vector<1x1x1xf32>
    %max3A_959 = arith.constant 1.000000e+00 : f32
    %max3A_960 = arith.maximumf %reduce_sum3A_958, %max3A_959 : f32
    %div3A_961 = vector.broadcast %max3A_960 : f32 to vector<1x1024xf32>
    %div3A_962 = arith.divf %broadcast_in_dim3A_948, %div3A_961 : vector<1x1024xf32>
    %swap3A_963 = arith.constant 14 : index
    %swap3A_964 = arith.constant 0 : index
    %swap3A_965 = arith.constant 0 : index
    %swap3A_966 = vector.load %arg4[%swap3A_963, %swap3A_964, %swap3A_965] : memref<32x1x1024xf32, #tpu.memory_space<vmem>>, vector<1x1x1024xf32>
    %swap3A_967 = vector.shape_cast %swap3A_966 : vector<1x1x1024xf32> to vector<1x1024xf32>
    %swap3A_968 = vector.shape_cast %div3A_962 : vector<1x1024xf32> to vector<1x1x1024xf32>
    tpu.vector_store %arg4[%swap3A_963, %swap3A_964, %swap3A_965], %swap3A_968 {strides = array<i32>} : memref<32x1x1024xf32, #tpu.memory_space<vmem>>, vector<1x1x1024xf32>,
    %get3A_969 = arith.constant 15 : index
    %get3A_970 = arith.constant 0 : index
    %get3A_971 = arith.constant 0 : index
    %get3A_972 = vector.load %arg0[%get3A_969, %get3A_970, %get3A_971] : memref<32x32x1024xf32, #tpu.memory_space<vmem>>, vector<1x32x1024xf32>
    %get3A_973 = vector.shape_cast %get3A_972 : vector<1x32x1024xf32> to vector<32x1024xf32>
    %slice3A_974 = vector.extract_strided_slice %get3A_973 {offsets = [0, 0], sizes = [32, 256], strides = [1, 1]} : vector<32x1024xf32> to vector<32x256xf32>
    %convert_element_type3A_975 = arith.truncf %slice3A_974 : vector<32x256xf32> to vector<32x256xbf16>
    %slice3A_976 = vector.extract_strided_slice %get3A_1 {offsets = [0, 0], sizes = [256, 1024], strides = [1, 1]} : vector<1024x1024xf32> to vector<256x1024xf32>
    %convert_element_type3A_977 = arith.truncf %slice3A_976 : vector<256x1024xf32> to vector<256x1024xbf16>
    %dot_general3A_978 = arith.constant dense<0.000000e+00> : vector<32x1024xf32>
    %dot_general3A_979 = tpu.matmul %convert_element_type3A_975, %convert_element_type3A_977, %dot_general3A_978 {dimension_numbers = #tpu.dot_dimension_numbers<[1], [0], [0], [1], [0, 0, 1, 1], [], []>, transpose_lhs_hint = false} : vector<32x256xbf16>, vector<256x1024xbf16>, vector<32x1024xf32> -> vector<32x1024xf32>
    %slice3A_980 = vector.extract_strided_slice %get3A_973 {offsets = [0, 256], sizes = [32, 256], strides = [1, 1]} : vector<32x1024xf32> to vector<32x256xf32>
    %convert_element_type3A_981 = arith.truncf %slice3A_980 : vector<32x256xf32> to vector<32x256xbf16>
    %slice3A_982 = vector.extract_strided_slice %get3A_1 {offsets = [256, 0], sizes = [256, 1024], strides = [1, 1]} : vector<1024x1024xf32> to vector<256x1024xf32>
    %convert_element_type3A_983 = arith.truncf %slice3A_982 : vector<256x1024xf32> to vector<256x1024xbf16>
    %dot_general3A_984 = arith.constant dense<0.000000e+00> : vector<32x1024xf32>
    %dot_general3A_985 = tpu.matmul %convert_element_type3A_981, %convert_element_type3A_983, %dot_general3A_984 {dimension_numbers = #tpu.dot_dimension_numbers<[1], [0], [0], [1], [0, 0, 1, 1], [], []>, transpose_lhs_hint = false} : vector<32x256xbf16>, vector<256x1024xbf16>, vector<32x1024xf32> -> vector<32x1024xf32>
    %add3A_986 = arith.addf %dot_general3A_979, %dot_general3A_985 : vector<32x1024xf32>
    %slice3A_987 = vector.extract_strided_slice %get3A_973 {offsets = [0, 512], sizes = [32, 256], strides = [1, 1]} : vector<32x1024xf32> to vector<32x256xf32>
    %convert_element_type3A_988 = arith.truncf %slice3A_987 : vector<32x256xf32> to vector<32x256xbf16>
    %slice3A_989 = vector.extract_strided_slice %get3A_1 {offsets = [512, 0], sizes = [256, 1024], strides = [1, 1]} : vector<1024x1024xf32> to vector<256x1024xf32>
    %convert_element_type3A_990 = arith.truncf %slice3A_989 : vector<256x1024xf32> to vector<256x1024xbf16>
    %dot_general3A_991 = arith.constant dense<0.000000e+00> : vector<32x1024xf32>
    %dot_general3A_992 = tpu.matmul %convert_element_type3A_988, %convert_element_type3A_990, %dot_general3A_991 {dimension_numbers = #tpu.dot_dimension_numbers<[1], [0], [0], [1], [0, 0, 1, 1], [], []>, transpose_lhs_hint = false} : vector<32x256xbf16>, vector<256x1024xbf16>, vector<32x1024xf32> -> vector<32x1024xf32>
    %add3A_993 = arith.addf %add3A_986, %dot_general3A_992 : vector<32x1024xf32>
    %slice3A_994 = vector.extract_strided_slice %get3A_973 {offsets = [0, 768], sizes = [32, 256], strides = [1, 1]} : vector<32x1024xf32> to vector<32x256xf32>
    %convert_element_type3A_995 = arith.truncf %slice3A_994 : vector<32x256xf32> to vector<32x256xbf16>
    %slice3A_996 = vector.extract_strided_slice %get3A_1 {offsets = [768, 0], sizes = [256, 1024], strides = [1, 1]} : vector<1024x1024xf32> to vector<256x1024xf32>
    %convert_element_type3A_997 = arith.truncf %slice3A_996 : vector<256x1024xf32> to vector<256x1024xbf16>
    %dot_general3A_998 = arith.constant dense<0.000000e+00> : vector<32x1024xf32>
    %dot_general3A_999 = tpu.matmul %convert_element_type3A_995, %convert_element_type3A_997, %dot_general3A_998 {dimension_numbers = #tpu.dot_dimension_numbers<[1], [0], [0], [1], [0, 0, 1, 1], [], []>, transpose_lhs_hint = false} : vector<32x256xbf16>, vector<256x1024xbf16>, vector<32x1024xf32> -> vector<32x1024xf32>
    %add3A_1000 = arith.addf %add3A_993, %dot_general3A_999 : vector<32x1024xf32>
    %add3A_1001 = vector.broadcast %get3A_4 : vector<1x1024xf32> to vector<32x1024xf32>
    %add3A_1002 = arith.addf %add3A_1000, %add3A_1001 : vector<32x1024xf32>
    %tanh3A_1003 = math.tanh %add3A_1002 : vector<32x1024xf32>
    %get3A_1004 = arith.constant 15 : index
    %get3A_1005 = arith.constant 0 : index
    %get3A_1006 = arith.constant 0 : index
    %get3A_1007 = vector.load %arg3[%get3A_1004, %get3A_1005, %get3A_1006] : memref<32x32x1xf32, #tpu.memory_space<vmem>>, vector<1x32x1xf32>
    %get3A_1008 = vector.shape_cast %get3A_1007 : vector<1x32x1xf32> to vector<32x1xf32>
    %mul3A_1009 = vector.broadcast %get3A_1008 : vector<32x1xf32> to vector<32x1024xf32>
    %mul3A_1010 = arith.mulf %tanh3A_1003, %mul3A_1009 : vector<32x1024xf32>
    %reduce_sum3A_1011 = arith.constant dense<0.000000e+00> : vector<1024xf32>
    %reduce_sum3A_1012 = vector.multi_reduction <add>, %mul3A_1010, %reduce_sum3A_1011 [0] : vector<32x1024xf32> to vector<1024xf32>
    %broadcast_in_dim3A_1013 = vector.shape_cast %reduce_sum3A_1012 : vector<1024xf32> to vector<1x1024xf32>
    %get3A_1014 = arith.constant 15 : index
    %get3A_1015 = arith.constant 0 : index
    %get3A_1016 = arith.constant 0 : index
    %get3A_1017 = vector.load %arg3[%get3A_1014, %get3A_1015, %get3A_1016] : memref<32x32x1xf32, #tpu.memory_space<vmem>>, vector<1x32x1xf32>
    %get3A_1018 = vector.shape_cast %get3A_1017 : vector<1x32x1xf32> to vector<32x1xf32>
    %reduce_sum3A_1019 = vector.shape_cast %get3A_1018 : vector<32x1xf32> to vector<1x32x1xf32>
    %reduce_sum3A_1020 = arith.constant dense<0.000000e+00> : vector<1xf32>
    %reduce_sum3A_1021 = vector.multi_reduction <add>, %reduce_sum3A_1019, %reduce_sum3A_1020 [1, 2] : vector<1x32x1xf32> to vector<1xf32>
    %reduce_sum3A_1022 = vector.shape_cast %reduce_sum3A_1021 : vector<1xf32> to vector<1x1x1xf32>
    %reduce_sum3A_1023 = vector.extract %reduce_sum3A_1022[0, 0, 0] : f32 from vector<1x1x1xf32>
    %max3A_1024 = arith.constant 1.000000e+00 : f32
    %max3A_1025 = arith.maximumf %reduce_sum3A_1023, %max3A_1024 : f32
    %div3A_1026 = vector.broadcast %max3A_1025 : f32 to vector<1x1024xf32>
    %div3A_1027 = arith.divf %broadcast_in_dim3A_1013, %div3A_1026 : vector<1x1024xf32>
    %swap3A_1028 = arith.constant 15 : index
    %swap3A_1029 = arith.constant 0 : index
    %swap3A_1030 = arith.constant 0 : index
    %swap3A_1031 = vector.load %arg4[%swap3A_1028, %swap3A_1029, %swap3A_1030] : memref<32x1x1024xf32, #tpu.memory_space<vmem>>, vector<1x1x1024xf32>
    %swap3A_1032 = vector.shape_cast %swap3A_1031 : vector<1x1x1024xf32> to vector<1x1024xf32>
    %swap3A_1033 = vector.shape_cast %div3A_1027 : vector<1x1024xf32> to vector<1x1x1024xf32>
    tpu.vector_store %arg4[%swap3A_1028, %swap3A_1029, %swap3A_1030], %swap3A_1033 {strides = array<i32>} : memref<32x1x1024xf32, #tpu.memory_space<vmem>>, vector<1x1x1024xf32>,
    %get3A_1034 = arith.constant 16 : index
    %get3A_1035 = arith.constant 0 : index
    %get3A_1036 = arith.constant 0 : index
    %get3A_1037 = vector.load %arg0[%get3A_1034, %get3A_1035, %get3A_1036] : memref<32x32x1024xf32, #tpu.memory_space<vmem>>, vector<1x32x1024xf32>
    %get3A_1038 = vector.shape_cast %get3A_1037 : vector<1x32x1024xf32> to vector<32x1024xf32>
    %slice3A_1039 = vector.extract_strided_slice %get3A_1038 {offsets = [0, 0], sizes = [32, 256], strides = [1, 1]} : vector<32x1024xf32> to vector<32x256xf32>
    %convert_element_type3A_1040 = arith.truncf %slice3A_1039 : vector<32x256xf32> to vector<32x256xbf16>
    %slice3A_1041 = vector.extract_strided_slice %get3A_1 {offsets = [0, 0], sizes = [256, 1024], strides = [1, 1]} : vector<1024x1024xf32> to vector<256x1024xf32>
    %convert_element_type3A_1042 = arith.truncf %slice3A_1041 : vector<256x1024xf32> to vector<256x1024xbf16>
    %dot_general3A_1043 = arith.constant dense<0.000000e+00> : vector<32x1024xf32>
    %dot_general3A_1044 = tpu.matmul %convert_element_type3A_1040, %convert_element_type3A_1042, %dot_general3A_1043 {dimension_numbers = #tpu.dot_dimension_numbers<[1], [0], [0], [1], [0, 0, 1, 1], [], []>, transpose_lhs_hint = false} : vector<32x256xbf16>, vector<256x1024xbf16>, vector<32x1024xf32> -> vector<32x1024xf32>
    %slice3A_1045 = vector.extract_strided_slice %get3A_1038 {offsets = [0, 256], sizes = [32, 256], strides = [1, 1]} : vector<32x1024xf32> to vector<32x256xf32>
    %convert_element_type3A_1046 = arith.truncf %slice3A_1045 : vector<32x256xf32> to vector<32x256xbf16>
    %slice3A_1047 = vector.extract_strided_slice %get3A_1 {offsets = [256, 0], sizes = [256, 1024], strides = [1, 1]} : vector<1024x1024xf32> to vector<256x1024xf32>
    %convert_element_type3A_1048 = arith.truncf %slice3A_1047 : vector<256x1024xf32> to vector<256x1024xbf16>
    %dot_general3A_1049 = arith.constant dense<0.000000e+00> : vector<32x1024xf32>
    %dot_general3A_1050 = tpu.matmul %convert_element_type3A_1046, %convert_element_type3A_1048, %dot_general3A_1049 {dimension_numbers = #tpu.dot_dimension_numbers<[1], [0], [0], [1], [0, 0, 1, 1], [], []>, transpose_lhs_hint = false} : vector<32x256xbf16>, vector<256x1024xbf16>, vector<32x1024xf32> -> vector<32x1024xf32>
    %add3A_1051 = arith.addf %dot_general3A_1044, %dot_general3A_1050 : vector<32x1024xf32>
    %slice3A_1052 = vector.extract_strided_slice %get3A_1038 {offsets = [0, 512], sizes = [32, 256], strides = [1, 1]} : vector<32x1024xf32> to vector<32x256xf32>
    %convert_element_type3A_1053 = arith.truncf %slice3A_1052 : vector<32x256xf32> to vector<32x256xbf16>
    %slice3A_1054 = vector.extract_strided_slice %get3A_1 {offsets = [512, 0], sizes = [256, 1024], strides = [1, 1]} : vector<1024x1024xf32> to vector<256x1024xf32>
    %convert_element_type3A_1055 = arith.truncf %slice3A_1054 : vector<256x1024xf32> to vector<256x1024xbf16>
    %dot_general3A_1056 = arith.constant dense<0.000000e+00> : vector<32x1024xf32>
    %dot_general3A_1057 = tpu.matmul %convert_element_type3A_1053, %convert_element_type3A_1055, %dot_general3A_1056 {dimension_numbers = #tpu.dot_dimension_numbers<[1], [0], [0], [1], [0, 0, 1, 1], [], []>, transpose_lhs_hint = false} : vector<32x256xbf16>, vector<256x1024xbf16>, vector<32x1024xf32> -> vector<32x1024xf32>
    %add3A_1058 = arith.addf %add3A_1051, %dot_general3A_1057 : vector<32x1024xf32>
    %slice3A_1059 = vector.extract_strided_slice %get3A_1038 {offsets = [0, 768], sizes = [32, 256], strides = [1, 1]} : vector<32x1024xf32> to vector<32x256xf32>
    %convert_element_type3A_1060 = arith.truncf %slice3A_1059 : vector<32x256xf32> to vector<32x256xbf16>
    %slice3A_1061 = vector.extract_strided_slice %get3A_1 {offsets = [768, 0], sizes = [256, 1024], strides = [1, 1]} : vector<1024x1024xf32> to vector<256x1024xf32>
    %convert_element_type3A_1062 = arith.truncf %slice3A_1061 : vector<256x1024xf32> to vector<256x1024xbf16>
    %dot_general3A_1063 = arith.constant dense<0.000000e+00> : vector<32x1024xf32>
    %dot_general3A_1064 = tpu.matmul %convert_element_type3A_1060, %convert_element_type3A_1062, %dot_general3A_1063 {dimension_numbers = #tpu.dot_dimension_numbers<[1], [0], [0], [1], [0, 0, 1, 1], [], []>, transpose_lhs_hint = false} : vector<32x256xbf16>, vector<256x1024xbf16>, vector<32x1024xf32> -> vector<32x1024xf32>
    %add3A_1065 = arith.addf %add3A_1058, %dot_general3A_1064 : vector<32x1024xf32>
    %add3A_1066 = vector.broadcast %get3A_4 : vector<1x1024xf32> to vector<32x1024xf32>
    %add3A_1067 = arith.addf %add3A_1065, %add3A_1066 : vector<32x1024xf32>
    %tanh3A_1068 = math.tanh %add3A_1067 : vector<32x1024xf32>
    %get3A_1069 = arith.constant 16 : index
    %get3A_1070 = arith.constant 0 : index
    %get3A_1071 = arith.constant 0 : index
    %get3A_1072 = vector.load %arg3[%get3A_1069, %get3A_1070, %get3A_1071] : memref<32x32x1xf32, #tpu.memory_space<vmem>>, vector<1x32x1xf32>
    %get3A_1073 = vector.shape_cast %get3A_1072 : vector<1x32x1xf32> to vector<32x1xf32>
    %mul3A_1074 = vector.broadcast %get3A_1073 : vector<32x1xf32> to vector<32x1024xf32>
    %mul3A_1075 = arith.mulf %tanh3A_1068, %mul3A_1074 : vector<32x1024xf32>
    %reduce_sum3A_1076 = arith.constant dense<0.000000e+00> : vector<1024xf32>
    %reduce_sum3A_1077 = vector.multi_reduction <add>, %mul3A_1075, %reduce_sum3A_1076 [0] : vector<32x1024xf32> to vector<1024xf32>
    %broadcast_in_dim3A_1078 = vector.shape_cast %reduce_sum3A_1077 : vector<1024xf32> to vector<1x1024xf32>
    %get3A_1079 = arith.constant 16 : index
    %get3A_1080 = arith.constant 0 : index
    %get3A_1081 = arith.constant 0 : index
    %get3A_1082 = vector.load %arg3[%get3A_1079, %get3A_1080, %get3A_1081] : memref<32x32x1xf32, #tpu.memory_space<vmem>>, vector<1x32x1xf32>
    %get3A_1083 = vector.shape_cast %get3A_1082 : vector<1x32x1xf32> to vector<32x1xf32>
    %reduce_sum3A_1084 = vector.shape_cast %get3A_1083 : vector<32x1xf32> to vector<1x32x1xf32>
    %reduce_sum3A_1085 = arith.constant dense<0.000000e+00> : vector<1xf32>
    %reduce_sum3A_1086 = vector.multi_reduction <add>, %reduce_sum3A_1084, %reduce_sum3A_1085 [1, 2] : vector<1x32x1xf32> to vector<1xf32>
    %reduce_sum3A_1087 = vector.shape_cast %reduce_sum3A_1086 : vector<1xf32> to vector<1x1x1xf32>
    %reduce_sum3A_1088 = vector.extract %reduce_sum3A_1087[0, 0, 0] : f32 from vector<1x1x1xf32>
    %max3A_1089 = arith.constant 1.000000e+00 : f32
    %max3A_1090 = arith.maximumf %reduce_sum3A_1088, %max3A_1089 : f32
    %div3A_1091 = vector.broadcast %max3A_1090 : f32 to vector<1x1024xf32>
    %div3A_1092 = arith.divf %broadcast_in_dim3A_1078, %div3A_1091 : vector<1x1024xf32>
    %swap3A_1093 = arith.constant 16 : index
    %swap3A_1094 = arith.constant 0 : index
    %swap3A_1095 = arith.constant 0 : index
    %swap3A_1096 = vector.load %arg4[%swap3A_1093, %swap3A_1094, %swap3A_1095] : memref<32x1x1024xf32, #tpu.memory_space<vmem>>, vector<1x1x1024xf32>
    %swap3A_1097 = vector.shape_cast %swap3A_1096 : vector<1x1x1024xf32> to vector<1x1024xf32>
    %swap3A_1098 = vector.shape_cast %div3A_1092 : vector<1x1024xf32> to vector<1x1x1024xf32>
    tpu.vector_store %arg4[%swap3A_1093, %swap3A_1094, %swap3A_1095], %swap3A_1098 {strides = array<i32>} : memref<32x1x1024xf32, #tpu.memory_space<vmem>>, vector<1x1x1024xf32>,
    %get3A_1099 = arith.constant 17 : index
    %get3A_1100 = arith.constant 0 : index
    %get3A_1101 = arith.constant 0 : index
    %get3A_1102 = vector.load %arg0[%get3A_1099, %get3A_1100, %get3A_1101] : memref<32x32x1024xf32, #tpu.memory_space<vmem>>, vector<1x32x1024xf32>
    %get3A_1103 = vector.shape_cast %get3A_1102 : vector<1x32x1024xf32> to vector<32x1024xf32>
    %slice3A_1104 = vector.extract_strided_slice %get3A_1103 {offsets = [0, 0], sizes = [32, 256], strides = [1, 1]} : vector<32x1024xf32> to vector<32x256xf32>
    %convert_element_type3A_1105 = arith.truncf %slice3A_1104 : vector<32x256xf32> to vector<32x256xbf16>
    %slice3A_1106 = vector.extract_strided_slice %get3A_1 {offsets = [0, 0], sizes = [256, 1024], strides = [1, 1]} : vector<1024x1024xf32> to vector<256x1024xf32>
    %convert_element_type3A_1107 = arith.truncf %slice3A_1106 : vector<256x1024xf32> to vector<256x1024xbf16>
    %dot_general3A_1108 = arith.constant dense<0.000000e+00> : vector<32x1024xf32>
    %dot_general3A_1109 = tpu.matmul %convert_element_type3A_1105, %convert_element_type3A_1107, %dot_general3A_1108 {dimension_numbers = #tpu.dot_dimension_numbers<[1], [0], [0], [1], [0, 0, 1, 1], [], []>, transpose_lhs_hint = false} : vector<32x256xbf16>, vector<256x1024xbf16>, vector<32x1024xf32> -> vector<32x1024xf32>
    %slice3A_1110 = vector.extract_strided_slice %get3A_1103 {offsets = [0, 256], sizes = [32, 256], strides = [1, 1]} : vector<32x1024xf32> to vector<32x256xf32>
    %convert_element_type3A_1111 = arith.truncf %slice3A_1110 : vector<32x256xf32> to vector<32x256xbf16>
    %slice3A_1112 = vector.extract_strided_slice %get3A_1 {offsets = [256, 0], sizes = [256, 1024], strides = [1, 1]} : vector<1024x1024xf32> to vector<256x1024xf32>
    %convert_element_type3A_1113 = arith.truncf %slice3A_1112 : vector<256x1024xf32> to vector<256x1024xbf16>
    %dot_general3A_1114 = arith.constant dense<0.000000e+00> : vector<32x1024xf32>
    %dot_general3A_1115 = tpu.matmul %convert_element_type3A_1111, %convert_element_type3A_1113, %dot_general3A_1114 {dimension_numbers = #tpu.dot_dimension_numbers<[1], [0], [0], [1], [0, 0, 1, 1], [], []>, transpose_lhs_hint = false} : vector<32x256xbf16>, vector<256x1024xbf16>, vector<32x1024xf32> -> vector<32x1024xf32>
    %add3A_1116 = arith.addf %dot_general3A_1109, %dot_general3A_1115 : vector<32x1024xf32>
    %slice3A_1117 = vector.extract_strided_slice %get3A_1103 {offsets = [0, 512], sizes = [32, 256], strides = [1, 1]} : vector<32x1024xf32> to vector<32x256xf32>
    %convert_element_type3A_1118 = arith.truncf %slice3A_1117 : vector<32x256xf32> to vector<32x256xbf16>
    %slice3A_1119 = vector.extract_strided_slice %get3A_1 {offsets = [512, 0], sizes = [256, 1024], strides = [1, 1]} : vector<1024x1024xf32> to vector<256x1024xf32>
    %convert_element_type3A_1120 = arith.truncf %slice3A_1119 : vector<256x1024xf32> to vector<256x1024xbf16>
    %dot_general3A_1121 = arith.constant dense<0.000000e+00> : vector<32x1024xf32>
    %dot_general3A_1122 = tpu.matmul %convert_element_type3A_1118, %convert_element_type3A_1120, %dot_general3A_1121 {dimension_numbers = #tpu.dot_dimension_numbers<[1], [0], [0], [1], [0, 0, 1, 1], [], []>, transpose_lhs_hint = false} : vector<32x256xbf16>, vector<256x1024xbf16>, vector<32x1024xf32> -> vector<32x1024xf32>
    %add3A_1123 = arith.addf %add3A_1116, %dot_general3A_1122 : vector<32x1024xf32>
    %slice3A_1124 = vector.extract_strided_slice %get3A_1103 {offsets = [0, 768], sizes = [32, 256], strides = [1, 1]} : vector<32x1024xf32> to vector<32x256xf32>
    %convert_element_type3A_1125 = arith.truncf %slice3A_1124 : vector<32x256xf32> to vector<32x256xbf16>
    %slice3A_1126 = vector.extract_strided_slice %get3A_1 {offsets = [768, 0], sizes = [256, 1024], strides = [1, 1]} : vector<1024x1024xf32> to vector<256x1024xf32>
    %convert_element_type3A_1127 = arith.truncf %slice3A_1126 : vector<256x1024xf32> to vector<256x1024xbf16>
    %dot_general3A_1128 = arith.constant dense<0.000000e+00> : vector<32x1024xf32>
    %dot_general3A_1129 = tpu.matmul %convert_element_type3A_1125, %convert_element_type3A_1127, %dot_general3A_1128 {dimension_numbers = #tpu.dot_dimension_numbers<[1], [0], [0], [1], [0, 0, 1, 1], [], []>, transpose_lhs_hint = false} : vector<32x256xbf16>, vector<256x1024xbf16>, vector<32x1024xf32> -> vector<32x1024xf32>
    %add3A_1130 = arith.addf %add3A_1123, %dot_general3A_1129 : vector<32x1024xf32>
    %add3A_1131 = vector.broadcast %get3A_4 : vector<1x1024xf32> to vector<32x1024xf32>
    %add3A_1132 = arith.addf %add3A_1130, %add3A_1131 : vector<32x1024xf32>
    %tanh3A_1133 = math.tanh %add3A_1132 : vector<32x1024xf32>
    %get3A_1134 = arith.constant 17 : index
    %get3A_1135 = arith.constant 0 : index
    %get3A_1136 = arith.constant 0 : index
    %get3A_1137 = vector.load %arg3[%get3A_1134, %get3A_1135, %get3A_1136] : memref<32x32x1xf32, #tpu.memory_space<vmem>>, vector<1x32x1xf32>
    %get3A_1138 = vector.shape_cast %get3A_1137 : vector<1x32x1xf32> to vector<32x1xf32>
    %mul3A_1139 = vector.broadcast %get3A_1138 : vector<32x1xf32> to vector<32x1024xf32>
    %mul3A_1140 = arith.mulf %tanh3A_1133, %mul3A_1139 : vector<32x1024xf32>
    %reduce_sum3A_1141 = arith.constant dense<0.000000e+00> : vector<1024xf32>
    %reduce_sum3A_1142 = vector.multi_reduction <add>, %mul3A_1140, %reduce_sum3A_1141 [0] : vector<32x1024xf32> to vector<1024xf32>
    %broadcast_in_dim3A_1143 = vector.shape_cast %reduce_sum3A_1142 : vector<1024xf32> to vector<1x1024xf32>
    %get3A_1144 = arith.constant 17 : index
    %get3A_1145 = arith.constant 0 : index
    %get3A_1146 = arith.constant 0 : index
    %get3A_1147 = vector.load %arg3[%get3A_1144, %get3A_1145, %get3A_1146] : memref<32x32x1xf32, #tpu.memory_space<vmem>>, vector<1x32x1xf32>
    %get3A_1148 = vector.shape_cast %get3A_1147 : vector<1x32x1xf32> to vector<32x1xf32>
    %reduce_sum3A_1149 = vector.shape_cast %get3A_1148 : vector<32x1xf32> to vector<1x32x1xf32>
    %reduce_sum3A_1150 = arith.constant dense<0.000000e+00> : vector<1xf32>
    %reduce_sum3A_1151 = vector.multi_reduction <add>, %reduce_sum3A_1149, %reduce_sum3A_1150 [1, 2] : vector<1x32x1xf32> to vector<1xf32>
    %reduce_sum3A_1152 = vector.shape_cast %reduce_sum3A_1151 : vector<1xf32> to vector<1x1x1xf32>
    %reduce_sum3A_1153 = vector.extract %reduce_sum3A_1152[0, 0, 0] : f32 from vector<1x1x1xf32>
    %max3A_1154 = arith.constant 1.000000e+00 : f32
    %max3A_1155 = arith.maximumf %reduce_sum3A_1153, %max3A_1154 : f32
    %div3A_1156 = vector.broadcast %max3A_1155 : f32 to vector<1x1024xf32>
    %div3A_1157 = arith.divf %broadcast_in_dim3A_1143, %div3A_1156 : vector<1x1024xf32>
    %swap3A_1158 = arith.constant 17 : index
    %swap3A_1159 = arith.constant 0 : index
    %swap3A_1160 = arith.constant 0 : index
    %swap3A_1161 = vector.load %arg4[%swap3A_1158, %swap3A_1159, %swap3A_1160] : memref<32x1x1024xf32, #tpu.memory_space<vmem>>, vector<1x1x1024xf32>
    %swap3A_1162 = vector.shape_cast %swap3A_1161 : vector<1x1x1024xf32> to vector<1x1024xf32>
    %swap3A_1163 = vector.shape_cast %div3A_1157 : vector<1x1024xf32> to vector<1x1x1024xf32>
    tpu.vector_store %arg4[%swap3A_1158, %swap3A_1159, %swap3A_1160], %swap3A_1163 {strides = array<i32>} : memref<32x1x1024xf32, #tpu.memory_space<vmem>>, vector<1x1x1024xf32>,
    %get3A_1164 = arith.constant 18 : index
    %get3A_1165 = arith.constant 0 : index
    %get3A_1166 = arith.constant 0 : index
    %get3A_1167 = vector.load %arg0[%get3A_1164, %get3A_1165, %get3A_1166] : memref<32x32x1024xf32, #tpu.memory_space<vmem>>, vector<1x32x1024xf32>
    %get3A_1168 = vector.shape_cast %get3A_1167 : vector<1x32x1024xf32> to vector<32x1024xf32>
    %slice3A_1169 = vector.extract_strided_slice %get3A_1168 {offsets = [0, 0], sizes = [32, 256], strides = [1, 1]} : vector<32x1024xf32> to vector<32x256xf32>
    %convert_element_type3A_1170 = arith.truncf %slice3A_1169 : vector<32x256xf32> to vector<32x256xbf16>
    %slice3A_1171 = vector.extract_strided_slice %get3A_1 {offsets = [0, 0], sizes = [256, 1024], strides = [1, 1]} : vector<1024x1024xf32> to vector<256x1024xf32>
    %convert_element_type3A_1172 = arith.truncf %slice3A_1171 : vector<256x1024xf32> to vector<256x1024xbf16>
    %dot_general3A_1173 = arith.constant dense<0.000000e+00> : vector<32x1024xf32>
    %dot_general3A_1174 = tpu.matmul %convert_element_type3A_1170, %convert_element_type3A_1172, %dot_general3A_1173 {dimension_numbers = #tpu.dot_dimension_numbers<[1], [0], [0], [1], [0, 0, 1, 1], [], []>, transpose_lhs_hint = false} : vector<32x256xbf16>, vector<256x1024xbf16>, vector<32x1024xf32> -> vector<32x1024xf32>
    %slice3A_1175 = vector.extract_strided_slice %get3A_1168 {offsets = [0, 256], sizes = [32, 256], strides = [1, 1]} : vector<32x1024xf32> to vector<32x256xf32>
    %convert_element_type3A_1176 = arith.truncf %slice3A_1175 : vector<32x256xf32> to vector<32x256xbf16>
    %slice3A_1177 = vector.extract_strided_slice %get3A_1 {offsets = [256, 0], sizes = [256, 1024], strides = [1, 1]} : vector<1024x1024xf32> to vector<256x1024xf32>
    %convert_element_type3A_1178 = arith.truncf %slice3A_1177 : vector<256x1024xf32> to vector<256x1024xbf16>
    %dot_general3A_1179 = arith.constant dense<0.000000e+00> : vector<32x1024xf32>
    %dot_general3A_1180 = tpu.matmul %convert_element_type3A_1176, %convert_element_type3A_1178, %dot_general3A_1179 {dimension_numbers = #tpu.dot_dimension_numbers<[1], [0], [0], [1], [0, 0, 1, 1], [], []>, transpose_lhs_hint = false} : vector<32x256xbf16>, vector<256x1024xbf16>, vector<32x1024xf32> -> vector<32x1024xf32>
    %add3A_1181 = arith.addf %dot_general3A_1174, %dot_general3A_1180 : vector<32x1024xf32>
    %slice3A_1182 = vector.extract_strided_slice %get3A_1168 {offsets = [0, 512], sizes = [32, 256], strides = [1, 1]} : vector<32x1024xf32> to vector<32x256xf32>
    %convert_element_type3A_1183 = arith.truncf %slice3A_1182 : vector<32x256xf32> to vector<32x256xbf16>
    %slice3A_1184 = vector.extract_strided_slice %get3A_1 {offsets = [512, 0], sizes = [256, 1024], strides = [1, 1]} : vector<1024x1024xf32> to vector<256x1024xf32>
    %convert_element_type3A_1185 = arith.truncf %slice3A_1184 : vector<256x1024xf32> to vector<256x1024xbf16>
    %dot_general3A_1186 = arith.constant dense<0.000000e+00> : vector<32x1024xf32>
    %dot_general3A_1187 = tpu.matmul %convert_element_type3A_1183, %convert_element_type3A_1185, %dot_general3A_1186 {dimension_numbers = #tpu.dot_dimension_numbers<[1], [0], [0], [1], [0, 0, 1, 1], [], []>, transpose_lhs_hint = false} : vector<32x256xbf16>, vector<256x1024xbf16>, vector<32x1024xf32> -> vector<32x1024xf32>
    %add3A_1188 = arith.addf %add3A_1181, %dot_general3A_1187 : vector<32x1024xf32>
    %slice3A_1189 = vector.extract_strided_slice %get3A_1168 {offsets = [0, 768], sizes = [32, 256], strides = [1, 1]} : vector<32x1024xf32> to vector<32x256xf32>
    %convert_element_type3A_1190 = arith.truncf %slice3A_1189 : vector<32x256xf32> to vector<32x256xbf16>
    %slice3A_1191 = vector.extract_strided_slice %get3A_1 {offsets = [768, 0], sizes = [256, 1024], strides = [1, 1]} : vector<1024x1024xf32> to vector<256x1024xf32>
    %convert_element_type3A_1192 = arith.truncf %slice3A_1191 : vector<256x1024xf32> to vector<256x1024xbf16>
    %dot_general3A_1193 = arith.constant dense<0.000000e+00> : vector<32x1024xf32>
    %dot_general3A_1194 = tpu.matmul %convert_element_type3A_1190, %convert_element_type3A_1192, %dot_general3A_1193 {dimension_numbers = #tpu.dot_dimension_numbers<[1], [0], [0], [1], [0, 0, 1, 1], [], []>, transpose_lhs_hint = false} : vector<32x256xbf16>, vector<256x1024xbf16>, vector<32x1024xf32> -> vector<32x1024xf32>
    %add3A_1195 = arith.addf %add3A_1188, %dot_general3A_1194 : vector<32x1024xf32>
    %add3A_1196 = vector.broadcast %get3A_4 : vector<1x1024xf32> to vector<32x1024xf32>
    %add3A_1197 = arith.addf %add3A_1195, %add3A_1196 : vector<32x1024xf32>
    %tanh3A_1198 = math.tanh %add3A_1197 : vector<32x1024xf32>
    %get3A_1199 = arith.constant 18 : index
    %get3A_1200 = arith.constant 0 : index
    %get3A_1201 = arith.constant 0 : index
    %get3A_1202 = vector.load %arg3[%get3A_1199, %get3A_1200, %get3A_1201] : memref<32x32x1xf32, #tpu.memory_space<vmem>>, vector<1x32x1xf32>
    %get3A_1203 = vector.shape_cast %get3A_1202 : vector<1x32x1xf32> to vector<32x1xf32>
    %mul3A_1204 = vector.broadcast %get3A_1203 : vector<32x1xf32> to vector<32x1024xf32>
    %mul3A_1205 = arith.mulf %tanh3A_1198, %mul3A_1204 : vector<32x1024xf32>
    %reduce_sum3A_1206 = arith.constant dense<0.000000e+00> : vector<1024xf32>
    %reduce_sum3A_1207 = vector.multi_reduction <add>, %mul3A_1205, %reduce_sum3A_1206 [0] : vector<32x1024xf32> to vector<1024xf32>
    %broadcast_in_dim3A_1208 = vector.shape_cast %reduce_sum3A_1207 : vector<1024xf32> to vector<1x1024xf32>
    %get3A_1209 = arith.constant 18 : index
    %get3A_1210 = arith.constant 0 : index
    %get3A_1211 = arith.constant 0 : index
    %get3A_1212 = vector.load %arg3[%get3A_1209, %get3A_1210, %get3A_1211] : memref<32x32x1xf32, #tpu.memory_space<vmem>>, vector<1x32x1xf32>
    %get3A_1213 = vector.shape_cast %get3A_1212 : vector<1x32x1xf32> to vector<32x1xf32>
    %reduce_sum3A_1214 = vector.shape_cast %get3A_1213 : vector<32x1xf32> to vector<1x32x1xf32>
    %reduce_sum3A_1215 = arith.constant dense<0.000000e+00> : vector<1xf32>
    %reduce_sum3A_1216 = vector.multi_reduction <add>, %reduce_sum3A_1214, %reduce_sum3A_1215 [1, 2] : vector<1x32x1xf32> to vector<1xf32>
    %reduce_sum3A_1217 = vector.shape_cast %reduce_sum3A_1216 : vector<1xf32> to vector<1x1x1xf32>
    %reduce_sum3A_1218 = vector.extract %reduce_sum3A_1217[0, 0, 0] : f32 from vector<1x1x1xf32>
    %max3A_1219 = arith.constant 1.000000e+00 : f32
    %max3A_1220 = arith.maximumf %reduce_sum3A_1218, %max3A_1219 : f32
    %div3A_1221 = vector.broadcast %max3A_1220 : f32 to vector<1x1024xf32>
    %div3A_1222 = arith.divf %broadcast_in_dim3A_1208, %div3A_1221 : vector<1x1024xf32>
    %swap3A_1223 = arith.constant 18 : index
    %swap3A_1224 = arith.constant 0 : index
    %swap3A_1225 = arith.constant 0 : index
    %swap3A_1226 = vector.load %arg4[%swap3A_1223, %swap3A_1224, %swap3A_1225] : memref<32x1x1024xf32, #tpu.memory_space<vmem>>, vector<1x1x1024xf32>
    %swap3A_1227 = vector.shape_cast %swap3A_1226 : vector<1x1x1024xf32> to vector<1x1024xf32>
    %swap3A_1228 = vector.shape_cast %div3A_1222 : vector<1x1024xf32> to vector<1x1x1024xf32>
    tpu.vector_store %arg4[%swap3A_1223, %swap3A_1224, %swap3A_1225], %swap3A_1228 {strides = array<i32>} : memref<32x1x1024xf32, #tpu.memory_space<vmem>>, vector<1x1x1024xf32>,
    %get3A_1229 = arith.constant 19 : index
    %get3A_1230 = arith.constant 0 : index
    %get3A_1231 = arith.constant 0 : index
    %get3A_1232 = vector.load %arg0[%get3A_1229, %get3A_1230, %get3A_1231] : memref<32x32x1024xf32, #tpu.memory_space<vmem>>, vector<1x32x1024xf32>
    %get3A_1233 = vector.shape_cast %get3A_1232 : vector<1x32x1024xf32> to vector<32x1024xf32>
    %slice3A_1234 = vector.extract_strided_slice %get3A_1233 {offsets = [0, 0], sizes = [32, 256], strides = [1, 1]} : vector<32x1024xf32> to vector<32x256xf32>
    %convert_element_type3A_1235 = arith.truncf %slice3A_1234 : vector<32x256xf32> to vector<32x256xbf16>
    %slice3A_1236 = vector.extract_strided_slice %get3A_1 {offsets = [0, 0], sizes = [256, 1024], strides = [1, 1]} : vector<1024x1024xf32> to vector<256x1024xf32>
    %convert_element_type3A_1237 = arith.truncf %slice3A_1236 : vector<256x1024xf32> to vector<256x1024xbf16>
    %dot_general3A_1238 = arith.constant dense<0.000000e+00> : vector<32x1024xf32>
    %dot_general3A_1239 = tpu.matmul %convert_element_type3A_1235, %convert_element_type3A_1237, %dot_general3A_1238 {dimension_numbers = #tpu.dot_dimension_numbers<[1], [0], [0], [1], [0, 0, 1, 1], [], []>, transpose_lhs_hint = false} : vector<32x256xbf16>, vector<256x1024xbf16>, vector<32x1024xf32> -> vector<32x1024xf32>
    %slice3A_1240 = vector.extract_strided_slice %get3A_1233 {offsets = [0, 256], sizes = [32, 256], strides = [1, 1]} : vector<32x1024xf32> to vector<32x256xf32>
    %convert_element_type3A_1241 = arith.truncf %slice3A_1240 : vector<32x256xf32> to vector<32x256xbf16>
    %slice3A_1242 = vector.extract_strided_slice %get3A_1 {offsets = [256, 0], sizes = [256, 1024], strides = [1, 1]} : vector<1024x1024xf32> to vector<256x1024xf32>
    %convert_element_type3A_1243 = arith.truncf %slice3A_1242 : vector<256x1024xf32> to vector<256x1024xbf16>
    %dot_general3A_1244 = arith.constant dense<0.000000e+00> : vector<32x1024xf32>
    %dot_general3A_1245 = tpu.matmul %convert_element_type3A_1241, %convert_element_type3A_1243, %dot_general3A_1244 {dimension_numbers = #tpu.dot_dimension_numbers<[1], [0], [0], [1], [0, 0, 1, 1], [], []>, transpose_lhs_hint = false} : vector<32x256xbf16>, vector<256x1024xbf16>, vector<32x1024xf32> -> vector<32x1024xf32>
    %add3A_1246 = arith.addf %dot_general3A_1239, %dot_general3A_1245 : vector<32x1024xf32>
    %slice3A_1247 = vector.extract_strided_slice %get3A_1233 {offsets = [0, 512], sizes = [32, 256], strides = [1, 1]} : vector<32x1024xf32> to vector<32x256xf32>
    %convert_element_type3A_1248 = arith.truncf %slice3A_1247 : vector<32x256xf32> to vector<32x256xbf16>
    %slice3A_1249 = vector.extract_strided_slice %get3A_1 {offsets = [512, 0], sizes = [256, 1024], strides = [1, 1]} : vector<1024x1024xf32> to vector<256x1024xf32>
    %convert_element_type3A_1250 = arith.truncf %slice3A_1249 : vector<256x1024xf32> to vector<256x1024xbf16>
    %dot_general3A_1251 = arith.constant dense<0.000000e+00> : vector<32x1024xf32>
    %dot_general3A_1252 = tpu.matmul %convert_element_type3A_1248, %convert_element_type3A_1250, %dot_general3A_1251 {dimension_numbers = #tpu.dot_dimension_numbers<[1], [0], [0], [1], [0, 0, 1, 1], [], []>, transpose_lhs_hint = false} : vector<32x256xbf16>, vector<256x1024xbf16>, vector<32x1024xf32> -> vector<32x1024xf32>
    %add3A_1253 = arith.addf %add3A_1246, %dot_general3A_1252 : vector<32x1024xf32>
    %slice3A_1254 = vector.extract_strided_slice %get3A_1233 {offsets = [0, 768], sizes = [32, 256], strides = [1, 1]} : vector<32x1024xf32> to vector<32x256xf32>
    %convert_element_type3A_1255 = arith.truncf %slice3A_1254 : vector<32x256xf32> to vector<32x256xbf16>
    %slice3A_1256 = vector.extract_strided_slice %get3A_1 {offsets = [768, 0], sizes = [256, 1024], strides = [1, 1]} : vector<1024x1024xf32> to vector<256x1024xf32>
    %convert_element_type3A_1257 = arith.truncf %slice3A_1256 : vector<256x1024xf32> to vector<256x1024xbf16>
    %dot_general3A_1258 = arith.constant dense<0.000000e+00> : vector<32x1024xf32>
    %dot_general3A_1259 = tpu.matmul %convert_element_type3A_1255, %convert_element_type3A_1257, %dot_general3A_1258 {dimension_numbers = #tpu.dot_dimension_numbers<[1], [0], [0], [1], [0, 0, 1, 1], [], []>, transpose_lhs_hint = false} : vector<32x256xbf16>, vector<256x1024xbf16>, vector<32x1024xf32> -> vector<32x1024xf32>
    %add3A_1260 = arith.addf %add3A_1253, %dot_general3A_1259 : vector<32x1024xf32>
    %add3A_1261 = vector.broadcast %get3A_4 : vector<1x1024xf32> to vector<32x1024xf32>
    %add3A_1262 = arith.addf %add3A_1260, %add3A_1261 : vector<32x1024xf32>
    %tanh3A_1263 = math.tanh %add3A_1262 : vector<32x1024xf32>
    %get3A_1264 = arith.constant 19 : index
    %get3A_1265 = arith.constant 0 : index
    %get3A_1266 = arith.constant 0 : index
    %get3A_1267 = vector.load %arg3[%get3A_1264, %get3A_1265, %get3A_1266] : memref<32x32x1xf32, #tpu.memory_space<vmem>>, vector<1x32x1xf32>
    %get3A_1268 = vector.shape_cast %get3A_1267 : vector<1x32x1xf32> to vector<32x1xf32>
    %mul3A_1269 = vector.broadcast %get3A_1268 : vector<32x1xf32> to vector<32x1024xf32>
    %mul3A_1270 = arith.mulf %tanh3A_1263, %mul3A_1269 : vector<32x1024xf32>
    %reduce_sum3A_1271 = arith.constant dense<0.000000e+00> : vector<1024xf32>
    %reduce_sum3A_1272 = vector.multi_reduction <add>, %mul3A_1270, %reduce_sum3A_1271 [0] : vector<32x1024xf32> to vector<1024xf32>
    %broadcast_in_dim3A_1273 = vector.shape_cast %reduce_sum3A_1272 : vector<1024xf32> to vector<1x1024xf32>
    %get3A_1274 = arith.constant 19 : index
    %get3A_1275 = arith.constant 0 : index
    %get3A_1276 = arith.constant 0 : index
    %get3A_1277 = vector.load %arg3[%get3A_1274, %get3A_1275, %get3A_1276] : memref<32x32x1xf32, #tpu.memory_space<vmem>>, vector<1x32x1xf32>
    %get3A_1278 = vector.shape_cast %get3A_1277 : vector<1x32x1xf32> to vector<32x1xf32>
    %reduce_sum3A_1279 = vector.shape_cast %get3A_1278 : vector<32x1xf32> to vector<1x32x1xf32>
    %reduce_sum3A_1280 = arith.constant dense<0.000000e+00> : vector<1xf32>
    %reduce_sum3A_1281 = vector.multi_reduction <add>, %reduce_sum3A_1279, %reduce_sum3A_1280 [1, 2] : vector<1x32x1xf32> to vector<1xf32>
    %reduce_sum3A_1282 = vector.shape_cast %reduce_sum3A_1281 : vector<1xf32> to vector<1x1x1xf32>
    %reduce_sum3A_1283 = vector.extract %reduce_sum3A_1282[0, 0, 0] : f32 from vector<1x1x1xf32>
    %max3A_1284 = arith.constant 1.000000e+00 : f32
    %max3A_1285 = arith.maximumf %reduce_sum3A_1283, %max3A_1284 : f32
    %div3A_1286 = vector.broadcast %max3A_1285 : f32 to vector<1x1024xf32>
    %div3A_1287 = arith.divf %broadcast_in_dim3A_1273, %div3A_1286 : vector<1x1024xf32>
    %swap3A_1288 = arith.constant 19 : index
    %swap3A_1289 = arith.constant 0 : index
    %swap3A_1290 = arith.constant 0 : index
    %swap3A_1291 = vector.load %arg4[%swap3A_1288, %swap3A_1289, %swap3A_1290] : memref<32x1x1024xf32, #tpu.memory_space<vmem>>, vector<1x1x1024xf32>
    %swap3A_1292 = vector.shape_cast %swap3A_1291 : vector<1x1x1024xf32> to vector<1x1024xf32>
    %swap3A_1293 = vector.shape_cast %div3A_1287 : vector<1x1024xf32> to vector<1x1x1024xf32>
    tpu.vector_store %arg4[%swap3A_1288, %swap3A_1289, %swap3A_1290], %swap3A_1293 {strides = array<i32>} : memref<32x1x1024xf32, #tpu.memory_space<vmem>>, vector<1x1x1024xf32>,
    %get3A_1294 = arith.constant 20 : index
    %get3A_1295 = arith.constant 0 : index
    %get3A_1296 = arith.constant 0 : index
    %get3A_1297 = vector.load %arg0[%get3A_1294, %get3A_1295, %get3A_1296] : memref<32x32x1024xf32, #tpu.memory_space<vmem>>, vector<1x32x1024xf32>
    %get3A_1298 = vector.shape_cast %get3A_1297 : vector<1x32x1024xf32> to vector<32x1024xf32>
    %slice3A_1299 = vector.extract_strided_slice %get3A_1298 {offsets = [0, 0], sizes = [32, 256], strides = [1, 1]} : vector<32x1024xf32> to vector<32x256xf32>
    %convert_element_type3A_1300 = arith.truncf %slice3A_1299 : vector<32x256xf32> to vector<32x256xbf16>
    %slice3A_1301 = vector.extract_strided_slice %get3A_1 {offsets = [0, 0], sizes = [256, 1024], strides = [1, 1]} : vector<1024x1024xf32> to vector<256x1024xf32>
    %convert_element_type3A_1302 = arith.truncf %slice3A_1301 : vector<256x1024xf32> to vector<256x1024xbf16>
    %dot_general3A_1303 = arith.constant dense<0.000000e+00> : vector<32x1024xf32>
    %dot_general3A_1304 = tpu.matmul %convert_element_type3A_1300, %convert_element_type3A_1302, %dot_general3A_1303 {dimension_numbers = #tpu.dot_dimension_numbers<[1], [0], [0], [1], [0, 0, 1, 1], [], []>, transpose_lhs_hint = false} : vector<32x256xbf16>, vector<256x1024xbf16>, vector<32x1024xf32> -> vector<32x1024xf32>
    %slice3A_1305 = vector.extract_strided_slice %get3A_1298 {offsets = [0, 256], sizes = [32, 256], strides = [1, 1]} : vector<32x1024xf32> to vector<32x256xf32>
    %convert_element_type3A_1306 = arith.truncf %slice3A_1305 : vector<32x256xf32> to vector<32x256xbf16>
    %slice3A_1307 = vector.extract_strided_slice %get3A_1 {offsets = [256, 0], sizes = [256, 1024], strides = [1, 1]} : vector<1024x1024xf32> to vector<256x1024xf32>
    %convert_element_type3A_1308 = arith.truncf %slice3A_1307 : vector<256x1024xf32> to vector<256x1024xbf16>
    %dot_general3A_1309 = arith.constant dense<0.000000e+00> : vector<32x1024xf32>
    %dot_general3A_1310 = tpu.matmul %convert_element_type3A_1306, %convert_element_type3A_1308, %dot_general3A_1309 {dimension_numbers = #tpu.dot_dimension_numbers<[1], [0], [0], [1], [0, 0, 1, 1], [], []>, transpose_lhs_hint = false} : vector<32x256xbf16>, vector<256x1024xbf16>, vector<32x1024xf32> -> vector<32x1024xf32>
    %add3A_1311 = arith.addf %dot_general3A_1304, %dot_general3A_1310 : vector<32x1024xf32>
    %slice3A_1312 = vector.extract_strided_slice %get3A_1298 {offsets = [0, 512], sizes = [32, 256], strides = [1, 1]} : vector<32x1024xf32> to vector<32x256xf32>
    %convert_element_type3A_1313 = arith.truncf %slice3A_1312 : vector<32x256xf32> to vector<32x256xbf16>
    %slice3A_1314 = vector.extract_strided_slice %get3A_1 {offsets = [512, 0], sizes = [256, 1024], strides = [1, 1]} : vector<1024x1024xf32> to vector<256x1024xf32>
    %convert_element_type3A_1315 = arith.truncf %slice3A_1314 : vector<256x1024xf32> to vector<256x1024xbf16>
    %dot_general3A_1316 = arith.constant dense<0.000000e+00> : vector<32x1024xf32>
    %dot_general3A_1317 = tpu.matmul %convert_element_type3A_1313, %convert_element_type3A_1315, %dot_general3A_1316 {dimension_numbers = #tpu.dot_dimension_numbers<[1], [0], [0], [1], [0, 0, 1, 1], [], []>, transpose_lhs_hint = false} : vector<32x256xbf16>, vector<256x1024xbf16>, vector<32x1024xf32> -> vector<32x1024xf32>
    %add3A_1318 = arith.addf %add3A_1311, %dot_general3A_1317 : vector<32x1024xf32>
    %slice3A_1319 = vector.extract_strided_slice %get3A_1298 {offsets = [0, 768], sizes = [32, 256], strides = [1, 1]} : vector<32x1024xf32> to vector<32x256xf32>
    %convert_element_type3A_1320 = arith.truncf %slice3A_1319 : vector<32x256xf32> to vector<32x256xbf16>
    %slice3A_1321 = vector.extract_strided_slice %get3A_1 {offsets = [768, 0], sizes = [256, 1024], strides = [1, 1]} : vector<1024x1024xf32> to vector<256x1024xf32>
    %convert_element_type3A_1322 = arith.truncf %slice3A_1321 : vector<256x1024xf32> to vector<256x1024xbf16>
    %dot_general3A_1323 = arith.constant dense<0.000000e+00> : vector<32x1024xf32>
    %dot_general3A_1324 = tpu.matmul %convert_element_type3A_1320, %convert_element_type3A_1322, %dot_general3A_1323 {dimension_numbers = #tpu.dot_dimension_numbers<[1], [0], [0], [1], [0, 0, 1, 1], [], []>, transpose_lhs_hint = false} : vector<32x256xbf16>, vector<256x1024xbf16>, vector<32x1024xf32> -> vector<32x1024xf32>
    %add3A_1325 = arith.addf %add3A_1318, %dot_general3A_1324 : vector<32x1024xf32>
    %add3A_1326 = vector.broadcast %get3A_4 : vector<1x1024xf32> to vector<32x1024xf32>
    %add3A_1327 = arith.addf %add3A_1325, %add3A_1326 : vector<32x1024xf32>
    %tanh3A_1328 = math.tanh %add3A_1327 : vector<32x1024xf32>
    %get3A_1329 = arith.constant 20 : index
    %get3A_1330 = arith.constant 0 : index
    %get3A_1331 = arith.constant 0 : index
    %get3A_1332 = vector.load %arg3[%get3A_1329, %get3A_1330, %get3A_1331] : memref<32x32x1xf32, #tpu.memory_space<vmem>>, vector<1x32x1xf32>
    %get3A_1333 = vector.shape_cast %get3A_1332 : vector<1x32x1xf32> to vector<32x1xf32>
    %mul3A_1334 = vector.broadcast %get3A_1333 : vector<32x1xf32> to vector<32x1024xf32>
    %mul3A_1335 = arith.mulf %tanh3A_1328, %mul3A_1334 : vector<32x1024xf32>
    %reduce_sum3A_1336 = arith.constant dense<0.000000e+00> : vector<1024xf32>
    %reduce_sum3A_1337 = vector.multi_reduction <add>, %mul3A_1335, %reduce_sum3A_1336 [0] : vector<32x1024xf32> to vector<1024xf32>
    %broadcast_in_dim3A_1338 = vector.shape_cast %reduce_sum3A_1337 : vector<1024xf32> to vector<1x1024xf32>
    %get3A_1339 = arith.constant 20 : index
    %get3A_1340 = arith.constant 0 : index
    %get3A_1341 = arith.constant 0 : index
    %get3A_1342 = vector.load %arg3[%get3A_1339, %get3A_1340, %get3A_1341] : memref<32x32x1xf32, #tpu.memory_space<vmem>>, vector<1x32x1xf32>
    %get3A_1343 = vector.shape_cast %get3A_1342 : vector<1x32x1xf32> to vector<32x1xf32>
    %reduce_sum3A_1344 = vector.shape_cast %get3A_1343 : vector<32x1xf32> to vector<1x32x1xf32>
    %reduce_sum3A_1345 = arith.constant dense<0.000000e+00> : vector<1xf32>
    %reduce_sum3A_1346 = vector.multi_reduction <add>, %reduce_sum3A_1344, %reduce_sum3A_1345 [1, 2] : vector<1x32x1xf32> to vector<1xf32>
    %reduce_sum3A_1347 = vector.shape_cast %reduce_sum3A_1346 : vector<1xf32> to vector<1x1x1xf32>
    %reduce_sum3A_1348 = vector.extract %reduce_sum3A_1347[0, 0, 0] : f32 from vector<1x1x1xf32>
    %max3A_1349 = arith.constant 1.000000e+00 : f32
    %max3A_1350 = arith.maximumf %reduce_sum3A_1348, %max3A_1349 : f32
    %div3A_1351 = vector.broadcast %max3A_1350 : f32 to vector<1x1024xf32>
    %div3A_1352 = arith.divf %broadcast_in_dim3A_1338, %div3A_1351 : vector<1x1024xf32>
    %swap3A_1353 = arith.constant 20 : index
    %swap3A_1354 = arith.constant 0 : index
    %swap3A_1355 = arith.constant 0 : index
    %swap3A_1356 = vector.load %arg4[%swap3A_1353, %swap3A_1354, %swap3A_1355] : memref<32x1x1024xf32, #tpu.memory_space<vmem>>, vector<1x1x1024xf32>
    %swap3A_1357 = vector.shape_cast %swap3A_1356 : vector<1x1x1024xf32> to vector<1x1024xf32>
    %swap3A_1358 = vector.shape_cast %div3A_1352 : vector<1x1024xf32> to vector<1x1x1024xf32>
    tpu.vector_store %arg4[%swap3A_1353, %swap3A_1354, %swap3A_1355], %swap3A_1358 {strides = array<i32>} : memref<32x1x1024xf32, #tpu.memory_space<vmem>>, vector<1x1x1024xf32>,
    %get3A_1359 = arith.constant 21 : index
    %get3A_1360 = arith.constant 0 : index
    %get3A_1361 = arith.constant 0 : index
    %get3A_1362 = vector.load %arg0[%get3A_1359, %get3A_1360, %get3A_1361] : memref<32x32x1024xf32, #tpu.memory_space<vmem>>, vector<1x32x1024xf32>
    %get3A_1363 = vector.shape_cast %get3A_1362 : vector<1x32x1024xf32> to vector<32x1024xf32>
    %slice3A_1364 = vector.extract_strided_slice %get3A_1363 {offsets = [0, 0], sizes = [32, 256], strides = [1, 1]} : vector<32x1024xf32> to vector<32x256xf32>
    %convert_element_type3A_1365 = arith.truncf %slice3A_1364 : vector<32x256xf32> to vector<32x256xbf16>
    %slice3A_1366 = vector.extract_strided_slice %get3A_1 {offsets = [0, 0], sizes = [256, 1024], strides = [1, 1]} : vector<1024x1024xf32> to vector<256x1024xf32>
    %convert_element_type3A_1367 = arith.truncf %slice3A_1366 : vector<256x1024xf32> to vector<256x1024xbf16>
    %dot_general3A_1368 = arith.constant dense<0.000000e+00> : vector<32x1024xf32>
    %dot_general3A_1369 = tpu.matmul %convert_element_type3A_1365, %convert_element_type3A_1367, %dot_general3A_1368 {dimension_numbers = #tpu.dot_dimension_numbers<[1], [0], [0], [1], [0, 0, 1, 1], [], []>, transpose_lhs_hint = false} : vector<32x256xbf16>, vector<256x1024xbf16>, vector<32x1024xf32> -> vector<32x1024xf32>
    %slice3A_1370 = vector.extract_strided_slice %get3A_1363 {offsets = [0, 256], sizes = [32, 256], strides = [1, 1]} : vector<32x1024xf32> to vector<32x256xf32>
    %convert_element_type3A_1371 = arith.truncf %slice3A_1370 : vector<32x256xf32> to vector<32x256xbf16>
    %slice3A_1372 = vector.extract_strided_slice %get3A_1 {offsets = [256, 0], sizes = [256, 1024], strides = [1, 1]} : vector<1024x1024xf32> to vector<256x1024xf32>
    %convert_element_type3A_1373 = arith.truncf %slice3A_1372 : vector<256x1024xf32> to vector<256x1024xbf16>
    %dot_general3A_1374 = arith.constant dense<0.000000e+00> : vector<32x1024xf32>
    %dot_general3A_1375 = tpu.matmul %convert_element_type3A_1371, %convert_element_type3A_1373, %dot_general3A_1374 {dimension_numbers = #tpu.dot_dimension_numbers<[1], [0], [0], [1], [0, 0, 1, 1], [], []>, transpose_lhs_hint = false} : vector<32x256xbf16>, vector<256x1024xbf16>, vector<32x1024xf32> -> vector<32x1024xf32>
    %add3A_1376 = arith.addf %dot_general3A_1369, %dot_general3A_1375 : vector<32x1024xf32>
    %slice3A_1377 = vector.extract_strided_slice %get3A_1363 {offsets = [0, 512], sizes = [32, 256], strides = [1, 1]} : vector<32x1024xf32> to vector<32x256xf32>
    %convert_element_type3A_1378 = arith.truncf %slice3A_1377 : vector<32x256xf32> to vector<32x256xbf16>
    %slice3A_1379 = vector.extract_strided_slice %get3A_1 {offsets = [512, 0], sizes = [256, 1024], strides = [1, 1]} : vector<1024x1024xf32> to vector<256x1024xf32>
    %convert_element_type3A_1380 = arith.truncf %slice3A_1379 : vector<256x1024xf32> to vector<256x1024xbf16>
    %dot_general3A_1381 = arith.constant dense<0.000000e+00> : vector<32x1024xf32>
    %dot_general3A_1382 = tpu.matmul %convert_element_type3A_1378, %convert_element_type3A_1380, %dot_general3A_1381 {dimension_numbers = #tpu.dot_dimension_numbers<[1], [0], [0], [1], [0, 0, 1, 1], [], []>, transpose_lhs_hint = false} : vector<32x256xbf16>, vector<256x1024xbf16>, vector<32x1024xf32> -> vector<32x1024xf32>
    %add3A_1383 = arith.addf %add3A_1376, %dot_general3A_1382 : vector<32x1024xf32>
    %slice3A_1384 = vector.extract_strided_slice %get3A_1363 {offsets = [0, 768], sizes = [32, 256], strides = [1, 1]} : vector<32x1024xf32> to vector<32x256xf32>
    %convert_element_type3A_1385 = arith.truncf %slice3A_1384 : vector<32x256xf32> to vector<32x256xbf16>
    %slice3A_1386 = vector.extract_strided_slice %get3A_1 {offsets = [768, 0], sizes = [256, 1024], strides = [1, 1]} : vector<1024x1024xf32> to vector<256x1024xf32>
    %convert_element_type3A_1387 = arith.truncf %slice3A_1386 : vector<256x1024xf32> to vector<256x1024xbf16>
    %dot_general3A_1388 = arith.constant dense<0.000000e+00> : vector<32x1024xf32>
    %dot_general3A_1389 = tpu.matmul %convert_element_type3A_1385, %convert_element_type3A_1387, %dot_general3A_1388 {dimension_numbers = #tpu.dot_dimension_numbers<[1], [0], [0], [1], [0, 0, 1, 1], [], []>, transpose_lhs_hint = false} : vector<32x256xbf16>, vector<256x1024xbf16>, vector<32x1024xf32> -> vector<32x1024xf32>
    %add3A_1390 = arith.addf %add3A_1383, %dot_general3A_1389 : vector<32x1024xf32>
    %add3A_1391 = vector.broadcast %get3A_4 : vector<1x1024xf32> to vector<32x1024xf32>
    %add3A_1392 = arith.addf %add3A_1390, %add3A_1391 : vector<32x1024xf32>
    %tanh3A_1393 = math.tanh %add3A_1392 : vector<32x1024xf32>
    %get3A_1394 = arith.constant 21 : index
    %get3A_1395 = arith.constant 0 : index
    %get3A_1396 = arith.constant 0 : index
    %get3A_1397 = vector.load %arg3[%get3A_1394, %get3A_1395, %get3A_1396] : memref<32x32x1xf32, #tpu.memory_space<vmem>>, vector<1x32x1xf32>
    %get3A_1398 = vector.shape_cast %get3A_1397 : vector<1x32x1xf32> to vector<32x1xf32>
    %mul3A_1399 = vector.broadcast %get3A_1398 : vector<32x1xf32> to vector<32x1024xf32>
    %mul3A_1400 = arith.mulf %tanh3A_1393, %mul3A_1399 : vector<32x1024xf32>
    %reduce_sum3A_1401 = arith.constant dense<0.000000e+00> : vector<1024xf32>
    %reduce_sum3A_1402 = vector.multi_reduction <add>, %mul3A_1400, %reduce_sum3A_1401 [0] : vector<32x1024xf32> to vector<1024xf32>
    %broadcast_in_dim3A_1403 = vector.shape_cast %reduce_sum3A_1402 : vector<1024xf32> to vector<1x1024xf32>
    %get3A_1404 = arith.constant 21 : index
    %get3A_1405 = arith.constant 0 : index
    %get3A_1406 = arith.constant 0 : index
    %get3A_1407 = vector.load %arg3[%get3A_1404, %get3A_1405, %get3A_1406] : memref<32x32x1xf32, #tpu.memory_space<vmem>>, vector<1x32x1xf32>
    %get3A_1408 = vector.shape_cast %get3A_1407 : vector<1x32x1xf32> to vector<32x1xf32>
    %reduce_sum3A_1409 = vector.shape_cast %get3A_1408 : vector<32x1xf32> to vector<1x32x1xf32>
    %reduce_sum3A_1410 = arith.constant dense<0.000000e+00> : vector<1xf32>
    %reduce_sum3A_1411 = vector.multi_reduction <add>, %reduce_sum3A_1409, %reduce_sum3A_1410 [1, 2] : vector<1x32x1xf32> to vector<1xf32>
    %reduce_sum3A_1412 = vector.shape_cast %reduce_sum3A_1411 : vector<1xf32> to vector<1x1x1xf32>
    %reduce_sum3A_1413 = vector.extract %reduce_sum3A_1412[0, 0, 0] : f32 from vector<1x1x1xf32>
    %max3A_1414 = arith.constant 1.000000e+00 : f32
    %max3A_1415 = arith.maximumf %reduce_sum3A_1413, %max3A_1414 : f32
    %div3A_1416 = vector.broadcast %max3A_1415 : f32 to vector<1x1024xf32>
    %div3A_1417 = arith.divf %broadcast_in_dim3A_1403, %div3A_1416 : vector<1x1024xf32>
    %swap3A_1418 = arith.constant 21 : index
    %swap3A_1419 = arith.constant 0 : index
    %swap3A_1420 = arith.constant 0 : index
    %swap3A_1421 = vector.load %arg4[%swap3A_1418, %swap3A_1419, %swap3A_1420] : memref<32x1x1024xf32, #tpu.memory_space<vmem>>, vector<1x1x1024xf32>
    %swap3A_1422 = vector.shape_cast %swap3A_1421 : vector<1x1x1024xf32> to vector<1x1024xf32>
    %swap3A_1423 = vector.shape_cast %div3A_1417 : vector<1x1024xf32> to vector<1x1x1024xf32>
    tpu.vector_store %arg4[%swap3A_1418, %swap3A_1419, %swap3A_1420], %swap3A_1423 {strides = array<i32>} : memref<32x1x1024xf32, #tpu.memory_space<vmem>>, vector<1x1x1024xf32>,
    %get3A_1424 = arith.constant 22 : index
    %get3A_1425 = arith.constant 0 : index
    %get3A_1426 = arith.constant 0 : index
    %get3A_1427 = vector.load %arg0[%get3A_1424, %get3A_1425, %get3A_1426] : memref<32x32x1024xf32, #tpu.memory_space<vmem>>, vector<1x32x1024xf32>
    %get3A_1428 = vector.shape_cast %get3A_1427 : vector<1x32x1024xf32> to vector<32x1024xf32>
    %slice3A_1429 = vector.extract_strided_slice %get3A_1428 {offsets = [0, 0], sizes = [32, 256], strides = [1, 1]} : vector<32x1024xf32> to vector<32x256xf32>
    %convert_element_type3A_1430 = arith.truncf %slice3A_1429 : vector<32x256xf32> to vector<32x256xbf16>
    %slice3A_1431 = vector.extract_strided_slice %get3A_1 {offsets = [0, 0], sizes = [256, 1024], strides = [1, 1]} : vector<1024x1024xf32> to vector<256x1024xf32>
    %convert_element_type3A_1432 = arith.truncf %slice3A_1431 : vector<256x1024xf32> to vector<256x1024xbf16>
    %dot_general3A_1433 = arith.constant dense<0.000000e+00> : vector<32x1024xf32>
    %dot_general3A_1434 = tpu.matmul %convert_element_type3A_1430, %convert_element_type3A_1432, %dot_general3A_1433 {dimension_numbers = #tpu.dot_dimension_numbers<[1], [0], [0], [1], [0, 0, 1, 1], [], []>, transpose_lhs_hint = false} : vector<32x256xbf16>, vector<256x1024xbf16>, vector<32x1024xf32> -> vector<32x1024xf32>
    %slice3A_1435 = vector.extract_strided_slice %get3A_1428 {offsets = [0, 256], sizes = [32, 256], strides = [1, 1]} : vector<32x1024xf32> to vector<32x256xf32>
    %convert_element_type3A_1436 = arith.truncf %slice3A_1435 : vector<32x256xf32> to vector<32x256xbf16>
    %slice3A_1437 = vector.extract_strided_slice %get3A_1 {offsets = [256, 0], sizes = [256, 1024], strides = [1, 1]} : vector<1024x1024xf32> to vector<256x1024xf32>
    %convert_element_type3A_1438 = arith.truncf %slice3A_1437 : vector<256x1024xf32> to vector<256x1024xbf16>
    %dot_general3A_1439 = arith.constant dense<0.000000e+00> : vector<32x1024xf32>
    %dot_general3A_1440 = tpu.matmul %convert_element_type3A_1436, %convert_element_type3A_1438, %dot_general3A_1439 {dimension_numbers = #tpu.dot_dimension_numbers<[1], [0], [0], [1], [0, 0, 1, 1], [], []>, transpose_lhs_hint = false} : vector<32x256xbf16>, vector<256x1024xbf16>, vector<32x1024xf32> -> vector<32x1024xf32>
    %add3A_1441 = arith.addf %dot_general3A_1434, %dot_general3A_1440 : vector<32x1024xf32>
    %slice3A_1442 = vector.extract_strided_slice %get3A_1428 {offsets = [0, 512], sizes = [32, 256], strides = [1, 1]} : vector<32x1024xf32> to vector<32x256xf32>
    %convert_element_type3A_1443 = arith.truncf %slice3A_1442 : vector<32x256xf32> to vector<32x256xbf16>
    %slice3A_1444 = vector.extract_strided_slice %get3A_1 {offsets = [512, 0], sizes = [256, 1024], strides = [1, 1]} : vector<1024x1024xf32> to vector<256x1024xf32>
    %convert_element_type3A_1445 = arith.truncf %slice3A_1444 : vector<256x1024xf32> to vector<256x1024xbf16>
    %dot_general3A_1446 = arith.constant dense<0.000000e+00> : vector<32x1024xf32>
    %dot_general3A_1447 = tpu.matmul %convert_element_type3A_1443, %convert_element_type3A_1445, %dot_general3A_1446 {dimension_numbers = #tpu.dot_dimension_numbers<[1], [0], [0], [1], [0, 0, 1, 1], [], []>, transpose_lhs_hint = false} : vector<32x256xbf16>, vector<256x1024xbf16>, vector<32x1024xf32> -> vector<32x1024xf32>
    %add3A_1448 = arith.addf %add3A_1441, %dot_general3A_1447 : vector<32x1024xf32>
    %slice3A_1449 = vector.extract_strided_slice %get3A_1428 {offsets = [0, 768], sizes = [32, 256], strides = [1, 1]} : vector<32x1024xf32> to vector<32x256xf32>
    %convert_element_type3A_1450 = arith.truncf %slice3A_1449 : vector<32x256xf32> to vector<32x256xbf16>
    %slice3A_1451 = vector.extract_strided_slice %get3A_1 {offsets = [768, 0], sizes = [256, 1024], strides = [1, 1]} : vector<1024x1024xf32> to vector<256x1024xf32>
    %convert_element_type3A_1452 = arith.truncf %slice3A_1451 : vector<256x1024xf32> to vector<256x1024xbf16>
    %dot_general3A_1453 = arith.constant dense<0.000000e+00> : vector<32x1024xf32>
    %dot_general3A_1454 = tpu.matmul %convert_element_type3A_1450, %convert_element_type3A_1452, %dot_general3A_1453 {dimension_numbers = #tpu.dot_dimension_numbers<[1], [0], [0], [1], [0, 0, 1, 1], [], []>, transpose_lhs_hint = false} : vector<32x256xbf16>, vector<256x1024xbf16>, vector<32x1024xf32> -> vector<32x1024xf32>
    %add3A_1455 = arith.addf %add3A_1448, %dot_general3A_1454 : vector<32x1024xf32>
    %add3A_1456 = vector.broadcast %get3A_4 : vector<1x1024xf32> to vector<32x1024xf32>
    %add3A_1457 = arith.addf %add3A_1455, %add3A_1456 : vector<32x1024xf32>
    %tanh3A_1458 = math.tanh %add3A_1457 : vector<32x1024xf32>
    %get3A_1459 = arith.constant 22 : index
    %get3A_1460 = arith.constant 0 : index
    %get3A_1461 = arith.constant 0 : index
    %get3A_1462 = vector.load %arg3[%get3A_1459, %get3A_1460, %get3A_1461] : memref<32x32x1xf32, #tpu.memory_space<vmem>>, vector<1x32x1xf32>
    %get3A_1463 = vector.shape_cast %get3A_1462 : vector<1x32x1xf32> to vector<32x1xf32>
    %mul3A_1464 = vector.broadcast %get3A_1463 : vector<32x1xf32> to vector<32x1024xf32>
    %mul3A_1465 = arith.mulf %tanh3A_1458, %mul3A_1464 : vector<32x1024xf32>
    %reduce_sum3A_1466 = arith.constant dense<0.000000e+00> : vector<1024xf32>
    %reduce_sum3A_1467 = vector.multi_reduction <add>, %mul3A_1465, %reduce_sum3A_1466 [0] : vector<32x1024xf32> to vector<1024xf32>
    %broadcast_in_dim3A_1468 = vector.shape_cast %reduce_sum3A_1467 : vector<1024xf32> to vector<1x1024xf32>
    %get3A_1469 = arith.constant 22 : index
    %get3A_1470 = arith.constant 0 : index
    %get3A_1471 = arith.constant 0 : index
    %get3A_1472 = vector.load %arg3[%get3A_1469, %get3A_1470, %get3A_1471] : memref<32x32x1xf32, #tpu.memory_space<vmem>>, vector<1x32x1xf32>
    %get3A_1473 = vector.shape_cast %get3A_1472 : vector<1x32x1xf32> to vector<32x1xf32>
    %reduce_sum3A_1474 = vector.shape_cast %get3A_1473 : vector<32x1xf32> to vector<1x32x1xf32>
    %reduce_sum3A_1475 = arith.constant dense<0.000000e+00> : vector<1xf32>
    %reduce_sum3A_1476 = vector.multi_reduction <add>, %reduce_sum3A_1474, %reduce_sum3A_1475 [1, 2] : vector<1x32x1xf32> to vector<1xf32>
    %reduce_sum3A_1477 = vector.shape_cast %reduce_sum3A_1476 : vector<1xf32> to vector<1x1x1xf32>
    %reduce_sum3A_1478 = vector.extract %reduce_sum3A_1477[0, 0, 0] : f32 from vector<1x1x1xf32>
    %max3A_1479 = arith.constant 1.000000e+00 : f32
    %max3A_1480 = arith.maximumf %reduce_sum3A_1478, %max3A_1479 : f32
    %div3A_1481 = vector.broadcast %max3A_1480 : f32 to vector<1x1024xf32>
    %div3A_1482 = arith.divf %broadcast_in_dim3A_1468, %div3A_1481 : vector<1x1024xf32>
    %swap3A_1483 = arith.constant 22 : index
    %swap3A_1484 = arith.constant 0 : index
    %swap3A_1485 = arith.constant 0 : index
    %swap3A_1486 = vector.load %arg4[%swap3A_1483, %swap3A_1484, %swap3A_1485] : memref<32x1x1024xf32, #tpu.memory_space<vmem>>, vector<1x1x1024xf32>
    %swap3A_1487 = vector.shape_cast %swap3A_1486 : vector<1x1x1024xf32> to vector<1x1024xf32>
    %swap3A_1488 = vector.shape_cast %div3A_1482 : vector<1x1024xf32> to vector<1x1x1024xf32>
    tpu.vector_store %arg4[%swap3A_1483, %swap3A_1484, %swap3A_1485], %swap3A_1488 {strides = array<i32>} : memref<32x1x1024xf32, #tpu.memory_space<vmem>>, vector<1x1x1024xf32>,
    %get3A_1489 = arith.constant 23 : index
    %get3A_1490 = arith.constant 0 : index
    %get3A_1491 = arith.constant 0 : index
    %get3A_1492 = vector.load %arg0[%get3A_1489, %get3A_1490, %get3A_1491] : memref<32x32x1024xf32, #tpu.memory_space<vmem>>, vector<1x32x1024xf32>
    %get3A_1493 = vector.shape_cast %get3A_1492 : vector<1x32x1024xf32> to vector<32x1024xf32>
    %slice3A_1494 = vector.extract_strided_slice %get3A_1493 {offsets = [0, 0], sizes = [32, 256], strides = [1, 1]} : vector<32x1024xf32> to vector<32x256xf32>
    %convert_element_type3A_1495 = arith.truncf %slice3A_1494 : vector<32x256xf32> to vector<32x256xbf16>
    %slice3A_1496 = vector.extract_strided_slice %get3A_1 {offsets = [0, 0], sizes = [256, 1024], strides = [1, 1]} : vector<1024x1024xf32> to vector<256x1024xf32>
    %convert_element_type3A_1497 = arith.truncf %slice3A_1496 : vector<256x1024xf32> to vector<256x1024xbf16>
    %dot_general3A_1498 = arith.constant dense<0.000000e+00> : vector<32x1024xf32>
    %dot_general3A_1499 = tpu.matmul %convert_element_type3A_1495, %convert_element_type3A_1497, %dot_general3A_1498 {dimension_numbers = #tpu.dot_dimension_numbers<[1], [0], [0], [1], [0, 0, 1, 1], [], []>, transpose_lhs_hint = false} : vector<32x256xbf16>, vector<256x1024xbf16>, vector<32x1024xf32> -> vector<32x1024xf32>
    %slice3A_1500 = vector.extract_strided_slice %get3A_1493 {offsets = [0, 256], sizes = [32, 256], strides = [1, 1]} : vector<32x1024xf32> to vector<32x256xf32>
    %convert_element_type3A_1501 = arith.truncf %slice3A_1500 : vector<32x256xf32> to vector<32x256xbf16>
    %slice3A_1502 = vector.extract_strided_slice %get3A_1 {offsets = [256, 0], sizes = [256, 1024], strides = [1, 1]} : vector<1024x1024xf32> to vector<256x1024xf32>
    %convert_element_type3A_1503 = arith.truncf %slice3A_1502 : vector<256x1024xf32> to vector<256x1024xbf16>
    %dot_general3A_1504 = arith.constant dense<0.000000e+00> : vector<32x1024xf32>
    %dot_general3A_1505 = tpu.matmul %convert_element_type3A_1501, %convert_element_type3A_1503, %dot_general3A_1504 {dimension_numbers = #tpu.dot_dimension_numbers<[1], [0], [0], [1], [0, 0, 1, 1], [], []>, transpose_lhs_hint = false} : vector<32x256xbf16>, vector<256x1024xbf16>, vector<32x1024xf32> -> vector<32x1024xf32>
    %add3A_1506 = arith.addf %dot_general3A_1499, %dot_general3A_1505 : vector<32x1024xf32>
    %slice3A_1507 = vector.extract_strided_slice %get3A_1493 {offsets = [0, 512], sizes = [32, 256], strides = [1, 1]} : vector<32x1024xf32> to vector<32x256xf32>
    %convert_element_type3A_1508 = arith.truncf %slice3A_1507 : vector<32x256xf32> to vector<32x256xbf16>
    %slice3A_1509 = vector.extract_strided_slice %get3A_1 {offsets = [512, 0], sizes = [256, 1024], strides = [1, 1]} : vector<1024x1024xf32> to vector<256x1024xf32>
    %convert_element_type3A_1510 = arith.truncf %slice3A_1509 : vector<256x1024xf32> to vector<256x1024xbf16>
    %dot_general3A_1511 = arith.constant dense<0.000000e+00> : vector<32x1024xf32>
    %dot_general3A_1512 = tpu.matmul %convert_element_type3A_1508, %convert_element_type3A_1510, %dot_general3A_1511 {dimension_numbers = #tpu.dot_dimension_numbers<[1], [0], [0], [1], [0, 0, 1, 1], [], []>, transpose_lhs_hint = false} : vector<32x256xbf16>, vector<256x1024xbf16>, vector<32x1024xf32> -> vector<32x1024xf32>
    %add3A_1513 = arith.addf %add3A_1506, %dot_general3A_1512 : vector<32x1024xf32>
    %slice3A_1514 = vector.extract_strided_slice %get3A_1493 {offsets = [0, 768], sizes = [32, 256], strides = [1, 1]} : vector<32x1024xf32> to vector<32x256xf32>
    %convert_element_type3A_1515 = arith.truncf %slice3A_1514 : vector<32x256xf32> to vector<32x256xbf16>
    %slice3A_1516 = vector.extract_strided_slice %get3A_1 {offsets = [768, 0], sizes = [256, 1024], strides = [1, 1]} : vector<1024x1024xf32> to vector<256x1024xf32>
    %convert_element_type3A_1517 = arith.truncf %slice3A_1516 : vector<256x1024xf32> to vector<256x1024xbf16>
    %dot_general3A_1518 = arith.constant dense<0.000000e+00> : vector<32x1024xf32>
    %dot_general3A_1519 = tpu.matmul %convert_element_type3A_1515, %convert_element_type3A_1517, %dot_general3A_1518 {dimension_numbers = #tpu.dot_dimension_numbers<[1], [0], [0], [1], [0, 0, 1, 1], [], []>, transpose_lhs_hint = false} : vector<32x256xbf16>, vector<256x1024xbf16>, vector<32x1024xf32> -> vector<32x1024xf32>
    %add3A_1520 = arith.addf %add3A_1513, %dot_general3A_1519 : vector<32x1024xf32>
    %add3A_1521 = vector.broadcast %get3A_4 : vector<1x1024xf32> to vector<32x1024xf32>
    %add3A_1522 = arith.addf %add3A_1520, %add3A_1521 : vector<32x1024xf32>
    %tanh3A_1523 = math.tanh %add3A_1522 : vector<32x1024xf32>
    %get3A_1524 = arith.constant 23 : index
    %get3A_1525 = arith.constant 0 : index
    %get3A_1526 = arith.constant 0 : index
    %get3A_1527 = vector.load %arg3[%get3A_1524, %get3A_1525, %get3A_1526] : memref<32x32x1xf32, #tpu.memory_space<vmem>>, vector<1x32x1xf32>
    %get3A_1528 = vector.shape_cast %get3A_1527 : vector<1x32x1xf32> to vector<32x1xf32>
    %mul3A_1529 = vector.broadcast %get3A_1528 : vector<32x1xf32> to vector<32x1024xf32>
    %mul3A_1530 = arith.mulf %tanh3A_1523, %mul3A_1529 : vector<32x1024xf32>
    %reduce_sum3A_1531 = arith.constant dense<0.000000e+00> : vector<1024xf32>
    %reduce_sum3A_1532 = vector.multi_reduction <add>, %mul3A_1530, %reduce_sum3A_1531 [0] : vector<32x1024xf32> to vector<1024xf32>
    %broadcast_in_dim3A_1533 = vector.shape_cast %reduce_sum3A_1532 : vector<1024xf32> to vector<1x1024xf32>
    %get3A_1534 = arith.constant 23 : index
    %get3A_1535 = arith.constant 0 : index
    %get3A_1536 = arith.constant 0 : index
    %get3A_1537 = vector.load %arg3[%get3A_1534, %get3A_1535, %get3A_1536] : memref<32x32x1xf32, #tpu.memory_space<vmem>>, vector<1x32x1xf32>
    %get3A_1538 = vector.shape_cast %get3A_1537 : vector<1x32x1xf32> to vector<32x1xf32>
    %reduce_sum3A_1539 = vector.shape_cast %get3A_1538 : vector<32x1xf32> to vector<1x32x1xf32>
    %reduce_sum3A_1540 = arith.constant dense<0.000000e+00> : vector<1xf32>
    %reduce_sum3A_1541 = vector.multi_reduction <add>, %reduce_sum3A_1539, %reduce_sum3A_1540 [1, 2] : vector<1x32x1xf32> to vector<1xf32>
    %reduce_sum3A_1542 = vector.shape_cast %reduce_sum3A_1541 : vector<1xf32> to vector<1x1x1xf32>
    %reduce_sum3A_1543 = vector.extract %reduce_sum3A_1542[0, 0, 0] : f32 from vector<1x1x1xf32>
    %max3A_1544 = arith.constant 1.000000e+00 : f32
    %max3A_1545 = arith.maximumf %reduce_sum3A_1543, %max3A_1544 : f32
    %div3A_1546 = vector.broadcast %max3A_1545 : f32 to vector<1x1024xf32>
    %div3A_1547 = arith.divf %broadcast_in_dim3A_1533, %div3A_1546 : vector<1x1024xf32>
    %swap3A_1548 = arith.constant 23 : index
    %swap3A_1549 = arith.constant 0 : index
    %swap3A_1550 = arith.constant 0 : index
    %swap3A_1551 = vector.load %arg4[%swap3A_1548, %swap3A_1549, %swap3A_1550] : memref<32x1x1024xf32, #tpu.memory_space<vmem>>, vector<1x1x1024xf32>
    %swap3A_1552 = vector.shape_cast %swap3A_1551 : vector<1x1x1024xf32> to vector<1x1024xf32>
    %swap3A_1553 = vector.shape_cast %div3A_1547 : vector<1x1024xf32> to vector<1x1x1024xf32>
    tpu.vector_store %arg4[%swap3A_1548, %swap3A_1549, %swap3A_1550], %swap3A_1553 {strides = array<i32>} : memref<32x1x1024xf32, #tpu.memory_space<vmem>>, vector<1x1x1024xf32>,
    %get3A_1554 = arith.constant 24 : index
    %get3A_1555 = arith.constant 0 : index
    %get3A_1556 = arith.constant 0 : index
    %get3A_1557 = vector.load %arg0[%get3A_1554, %get3A_1555, %get3A_1556] : memref<32x32x1024xf32, #tpu.memory_space<vmem>>, vector<1x32x1024xf32>
    %get3A_1558 = vector.shape_cast %get3A_1557 : vector<1x32x1024xf32> to vector<32x1024xf32>
    %slice3A_1559 = vector.extract_strided_slice %get3A_1558 {offsets = [0, 0], sizes = [32, 256], strides = [1, 1]} : vector<32x1024xf32> to vector<32x256xf32>
    %convert_element_type3A_1560 = arith.truncf %slice3A_1559 : vector<32x256xf32> to vector<32x256xbf16>
    %slice3A_1561 = vector.extract_strided_slice %get3A_1 {offsets = [0, 0], sizes = [256, 1024], strides = [1, 1]} : vector<1024x1024xf32> to vector<256x1024xf32>
    %convert_element_type3A_1562 = arith.truncf %slice3A_1561 : vector<256x1024xf32> to vector<256x1024xbf16>
    %dot_general3A_1563 = arith.constant dense<0.000000e+00> : vector<32x1024xf32>
    %dot_general3A_1564 = tpu.matmul %convert_element_type3A_1560, %convert_element_type3A_1562, %dot_general3A_1563 {dimension_numbers = #tpu.dot_dimension_numbers<[1], [0], [0], [1], [0, 0, 1, 1], [], []>, transpose_lhs_hint = false} : vector<32x256xbf16>, vector<256x1024xbf16>, vector<32x1024xf32> -> vector<32x1024xf32>
    %slice3A_1565 = vector.extract_strided_slice %get3A_1558 {offsets = [0, 256], sizes = [32, 256], strides = [1, 1]} : vector<32x1024xf32> to vector<32x256xf32>
    %convert_element_type3A_1566 = arith.truncf %slice3A_1565 : vector<32x256xf32> to vector<32x256xbf16>
    %slice3A_1567 = vector.extract_strided_slice %get3A_1 {offsets = [256, 0], sizes = [256, 1024], strides = [1, 1]} : vector<1024x1024xf32> to vector<256x1024xf32>
    %convert_element_type3A_1568 = arith.truncf %slice3A_1567 : vector<256x1024xf32> to vector<256x1024xbf16>
    %dot_general3A_1569 = arith.constant dense<0.000000e+00> : vector<32x1024xf32>
    %dot_general3A_1570 = tpu.matmul %convert_element_type3A_1566, %convert_element_type3A_1568, %dot_general3A_1569 {dimension_numbers = #tpu.dot_dimension_numbers<[1], [0], [0], [1], [0, 0, 1, 1], [], []>, transpose_lhs_hint = false} : vector<32x256xbf16>, vector<256x1024xbf16>, vector<32x1024xf32> -> vector<32x1024xf32>
    %add3A_1571 = arith.addf %dot_general3A_1564, %dot_general3A_1570 : vector<32x1024xf32>
    %slice3A_1572 = vector.extract_strided_slice %get3A_1558 {offsets = [0, 512], sizes = [32, 256], strides = [1, 1]} : vector<32x1024xf32> to vector<32x256xf32>
    %convert_element_type3A_1573 = arith.truncf %slice3A_1572 : vector<32x256xf32> to vector<32x256xbf16>
    %slice3A_1574 = vector.extract_strided_slice %get3A_1 {offsets = [512, 0], sizes = [256, 1024], strides = [1, 1]} : vector<1024x1024xf32> to vector<256x1024xf32>
    %convert_element_type3A_1575 = arith.truncf %slice3A_1574 : vector<256x1024xf32> to vector<256x1024xbf16>
    %dot_general3A_1576 = arith.constant dense<0.000000e+00> : vector<32x1024xf32>
    %dot_general3A_1577 = tpu.matmul %convert_element_type3A_1573, %convert_element_type3A_1575, %dot_general3A_1576 {dimension_numbers = #tpu.dot_dimension_numbers<[1], [0], [0], [1], [0, 0, 1, 1], [], []>, transpose_lhs_hint = false} : vector<32x256xbf16>, vector<256x1024xbf16>, vector<32x1024xf32> -> vector<32x1024xf32>
    %add3A_1578 = arith.addf %add3A_1571, %dot_general3A_1577 : vector<32x1024xf32>
    %slice3A_1579 = vector.extract_strided_slice %get3A_1558 {offsets = [0, 768], sizes = [32, 256], strides = [1, 1]} : vector<32x1024xf32> to vector<32x256xf32>
    %convert_element_type3A_1580 = arith.truncf %slice3A_1579 : vector<32x256xf32> to vector<32x256xbf16>
    %slice3A_1581 = vector.extract_strided_slice %get3A_1 {offsets = [768, 0], sizes = [256, 1024], strides = [1, 1]} : vector<1024x1024xf32> to vector<256x1024xf32>
    %convert_element_type3A_1582 = arith.truncf %slice3A_1581 : vector<256x1024xf32> to vector<256x1024xbf16>
    %dot_general3A_1583 = arith.constant dense<0.000000e+00> : vector<32x1024xf32>
    %dot_general3A_1584 = tpu.matmul %convert_element_type3A_1580, %convert_element_type3A_1582, %dot_general3A_1583 {dimension_numbers = #tpu.dot_dimension_numbers<[1], [0], [0], [1], [0, 0, 1, 1], [], []>, transpose_lhs_hint = false} : vector<32x256xbf16>, vector<256x1024xbf16>, vector<32x1024xf32> -> vector<32x1024xf32>
    %add3A_1585 = arith.addf %add3A_1578, %dot_general3A_1584 : vector<32x1024xf32>
    %add3A_1586 = vector.broadcast %get3A_4 : vector<1x1024xf32> to vector<32x1024xf32>
    %add3A_1587 = arith.addf %add3A_1585, %add3A_1586 : vector<32x1024xf32>
    %tanh3A_1588 = math.tanh %add3A_1587 : vector<32x1024xf32>
    %get3A_1589 = arith.constant 24 : index
    %get3A_1590 = arith.constant 0 : index
    %get3A_1591 = arith.constant 0 : index
    %get3A_1592 = vector.load %arg3[%get3A_1589, %get3A_1590, %get3A_1591] : memref<32x32x1xf32, #tpu.memory_space<vmem>>, vector<1x32x1xf32>
    %get3A_1593 = vector.shape_cast %get3A_1592 : vector<1x32x1xf32> to vector<32x1xf32>
    %mul3A_1594 = vector.broadcast %get3A_1593 : vector<32x1xf32> to vector<32x1024xf32>
    %mul3A_1595 = arith.mulf %tanh3A_1588, %mul3A_1594 : vector<32x1024xf32>
    %reduce_sum3A_1596 = arith.constant dense<0.000000e+00> : vector<1024xf32>
    %reduce_sum3A_1597 = vector.multi_reduction <add>, %mul3A_1595, %reduce_sum3A_1596 [0] : vector<32x1024xf32> to vector<1024xf32>
    %broadcast_in_dim3A_1598 = vector.shape_cast %reduce_sum3A_1597 : vector<1024xf32> to vector<1x1024xf32>
    %get3A_1599 = arith.constant 24 : index
    %get3A_1600 = arith.constant 0 : index
    %get3A_1601 = arith.constant 0 : index
    %get3A_1602 = vector.load %arg3[%get3A_1599, %get3A_1600, %get3A_1601] : memref<32x32x1xf32, #tpu.memory_space<vmem>>, vector<1x32x1xf32>
    %get3A_1603 = vector.shape_cast %get3A_1602 : vector<1x32x1xf32> to vector<32x1xf32>
    %reduce_sum3A_1604 = vector.shape_cast %get3A_1603 : vector<32x1xf32> to vector<1x32x1xf32>
    %reduce_sum3A_1605 = arith.constant dense<0.000000e+00> : vector<1xf32>
    %reduce_sum3A_1606 = vector.multi_reduction <add>, %reduce_sum3A_1604, %reduce_sum3A_1605 [1, 2] : vector<1x32x1xf32> to vector<1xf32>
    %reduce_sum3A_1607 = vector.shape_cast %reduce_sum3A_1606 : vector<1xf32> to vector<1x1x1xf32>
    %reduce_sum3A_1608 = vector.extract %reduce_sum3A_1607[0, 0, 0] : f32 from vector<1x1x1xf32>
    %max3A_1609 = arith.constant 1.000000e+00 : f32
    %max3A_1610 = arith.maximumf %reduce_sum3A_1608, %max3A_1609 : f32
    %div3A_1611 = vector.broadcast %max3A_1610 : f32 to vector<1x1024xf32>
    %div3A_1612 = arith.divf %broadcast_in_dim3A_1598, %div3A_1611 : vector<1x1024xf32>
    %swap3A_1613 = arith.constant 24 : index
    %swap3A_1614 = arith.constant 0 : index
    %swap3A_1615 = arith.constant 0 : index
    %swap3A_1616 = vector.load %arg4[%swap3A_1613, %swap3A_1614, %swap3A_1615] : memref<32x1x1024xf32, #tpu.memory_space<vmem>>, vector<1x1x1024xf32>
    %swap3A_1617 = vector.shape_cast %swap3A_1616 : vector<1x1x1024xf32> to vector<1x1024xf32>
    %swap3A_1618 = vector.shape_cast %div3A_1612 : vector<1x1024xf32> to vector<1x1x1024xf32>
    tpu.vector_store %arg4[%swap3A_1613, %swap3A_1614, %swap3A_1615], %swap3A_1618 {strides = array<i32>} : memref<32x1x1024xf32, #tpu.memory_space<vmem>>, vector<1x1x1024xf32>,
    %get3A_1619 = arith.constant 25 : index
    %get3A_1620 = arith.constant 0 : index
    %get3A_1621 = arith.constant 0 : index
    %get3A_1622 = vector.load %arg0[%get3A_1619, %get3A_1620, %get3A_1621] : memref<32x32x1024xf32, #tpu.memory_space<vmem>>, vector<1x32x1024xf32>
    %get3A_1623 = vector.shape_cast %get3A_1622 : vector<1x32x1024xf32> to vector<32x1024xf32>
    %slice3A_1624 = vector.extract_strided_slice %get3A_1623 {offsets = [0, 0], sizes = [32, 256], strides = [1, 1]} : vector<32x1024xf32> to vector<32x256xf32>
    %convert_element_type3A_1625 = arith.truncf %slice3A_1624 : vector<32x256xf32> to vector<32x256xbf16>
    %slice3A_1626 = vector.extract_strided_slice %get3A_1 {offsets = [0, 0], sizes = [256, 1024], strides = [1, 1]} : vector<1024x1024xf32> to vector<256x1024xf32>
    %convert_element_type3A_1627 = arith.truncf %slice3A_1626 : vector<256x1024xf32> to vector<256x1024xbf16>
    %dot_general3A_1628 = arith.constant dense<0.000000e+00> : vector<32x1024xf32>
    %dot_general3A_1629 = tpu.matmul %convert_element_type3A_1625, %convert_element_type3A_1627, %dot_general3A_1628 {dimension_numbers = #tpu.dot_dimension_numbers<[1], [0], [0], [1], [0, 0, 1, 1], [], []>, transpose_lhs_hint = false} : vector<32x256xbf16>, vector<256x1024xbf16>, vector<32x1024xf32> -> vector<32x1024xf32>
    %slice3A_1630 = vector.extract_strided_slice %get3A_1623 {offsets = [0, 256], sizes = [32, 256], strides = [1, 1]} : vector<32x1024xf32> to vector<32x256xf32>
    %convert_element_type3A_1631 = arith.truncf %slice3A_1630 : vector<32x256xf32> to vector<32x256xbf16>
    %slice3A_1632 = vector.extract_strided_slice %get3A_1 {offsets = [256, 0], sizes = [256, 1024], strides = [1, 1]} : vector<1024x1024xf32> to vector<256x1024xf32>
    %convert_element_type3A_1633 = arith.truncf %slice3A_1632 : vector<256x1024xf32> to vector<256x1024xbf16>
    %dot_general3A_1634 = arith.constant dense<0.000000e+00> : vector<32x1024xf32>
    %dot_general3A_1635 = tpu.matmul %convert_element_type3A_1631, %convert_element_type3A_1633, %dot_general3A_1634 {dimension_numbers = #tpu.dot_dimension_numbers<[1], [0], [0], [1], [0, 0, 1, 1], [], []>, transpose_lhs_hint = false} : vector<32x256xbf16>, vector<256x1024xbf16>, vector<32x1024xf32> -> vector<32x1024xf32>
    %add3A_1636 = arith.addf %dot_general3A_1629, %dot_general3A_1635 : vector<32x1024xf32>
    %slice3A_1637 = vector.extract_strided_slice %get3A_1623 {offsets = [0, 512], sizes = [32, 256], strides = [1, 1]} : vector<32x1024xf32> to vector<32x256xf32>
    %convert_element_type3A_1638 = arith.truncf %slice3A_1637 : vector<32x256xf32> to vector<32x256xbf16>
    %slice3A_1639 = vector.extract_strided_slice %get3A_1 {offsets = [512, 0], sizes = [256, 1024], strides = [1, 1]} : vector<1024x1024xf32> to vector<256x1024xf32>
    %convert_element_type3A_1640 = arith.truncf %slice3A_1639 : vector<256x1024xf32> to vector<256x1024xbf16>
    %dot_general3A_1641 = arith.constant dense<0.000000e+00> : vector<32x1024xf32>
    %dot_general3A_1642 = tpu.matmul %convert_element_type3A_1638, %convert_element_type3A_1640, %dot_general3A_1641 {dimension_numbers = #tpu.dot_dimension_numbers<[1], [0], [0], [1], [0, 0, 1, 1], [], []>, transpose_lhs_hint = false} : vector<32x256xbf16>, vector<256x1024xbf16>, vector<32x1024xf32> -> vector<32x1024xf32>
    %add3A_1643 = arith.addf %add3A_1636, %dot_general3A_1642 : vector<32x1024xf32>
    %slice3A_1644 = vector.extract_strided_slice %get3A_1623 {offsets = [0, 768], sizes = [32, 256], strides = [1, 1]} : vector<32x1024xf32> to vector<32x256xf32>
    %convert_element_type3A_1645 = arith.truncf %slice3A_1644 : vector<32x256xf32> to vector<32x256xbf16>
    %slice3A_1646 = vector.extract_strided_slice %get3A_1 {offsets = [768, 0], sizes = [256, 1024], strides = [1, 1]} : vector<1024x1024xf32> to vector<256x1024xf32>
    %convert_element_type3A_1647 = arith.truncf %slice3A_1646 : vector<256x1024xf32> to vector<256x1024xbf16>
    %dot_general3A_1648 = arith.constant dense<0.000000e+00> : vector<32x1024xf32>
    %dot_general3A_1649 = tpu.matmul %convert_element_type3A_1645, %convert_element_type3A_1647, %dot_general3A_1648 {dimension_numbers = #tpu.dot_dimension_numbers<[1], [0], [0], [1], [0, 0, 1, 1], [], []>, transpose_lhs_hint = false} : vector<32x256xbf16>, vector<256x1024xbf16>, vector<32x1024xf32> -> vector<32x1024xf32>
    %add3A_1650 = arith.addf %add3A_1643, %dot_general3A_1649 : vector<32x1024xf32>
    %add3A_1651 = vector.broadcast %get3A_4 : vector<1x1024xf32> to vector<32x1024xf32>
    %add3A_1652 = arith.addf %add3A_1650, %add3A_1651 : vector<32x1024xf32>
    %tanh3A_1653 = math.tanh %add3A_1652 : vector<32x1024xf32>
    %get3A_1654 = arith.constant 25 : index
    %get3A_1655 = arith.constant 0 : index
    %get3A_1656 = arith.constant 0 : index
    %get3A_1657 = vector.load %arg3[%get3A_1654, %get3A_1655, %get3A_1656] : memref<32x32x1xf32, #tpu.memory_space<vmem>>, vector<1x32x1xf32>
    %get3A_1658 = vector.shape_cast %get3A_1657 : vector<1x32x1xf32> to vector<32x1xf32>
    %mul3A_1659 = vector.broadcast %get3A_1658 : vector<32x1xf32> to vector<32x1024xf32>
    %mul3A_1660 = arith.mulf %tanh3A_1653, %mul3A_1659 : vector<32x1024xf32>
    %reduce_sum3A_1661 = arith.constant dense<0.000000e+00> : vector<1024xf32>
    %reduce_sum3A_1662 = vector.multi_reduction <add>, %mul3A_1660, %reduce_sum3A_1661 [0] : vector<32x1024xf32> to vector<1024xf32>
    %broadcast_in_dim3A_1663 = vector.shape_cast %reduce_sum3A_1662 : vector<1024xf32> to vector<1x1024xf32>
    %get3A_1664 = arith.constant 25 : index
    %get3A_1665 = arith.constant 0 : index
    %get3A_1666 = arith.constant 0 : index
    %get3A_1667 = vector.load %arg3[%get3A_1664, %get3A_1665, %get3A_1666] : memref<32x32x1xf32, #tpu.memory_space<vmem>>, vector<1x32x1xf32>
    %get3A_1668 = vector.shape_cast %get3A_1667 : vector<1x32x1xf32> to vector<32x1xf32>
    %reduce_sum3A_1669 = vector.shape_cast %get3A_1668 : vector<32x1xf32> to vector<1x32x1xf32>
    %reduce_sum3A_1670 = arith.constant dense<0.000000e+00> : vector<1xf32>
    %reduce_sum3A_1671 = vector.multi_reduction <add>, %reduce_sum3A_1669, %reduce_sum3A_1670 [1, 2] : vector<1x32x1xf32> to vector<1xf32>
    %reduce_sum3A_1672 = vector.shape_cast %reduce_sum3A_1671 : vector<1xf32> to vector<1x1x1xf32>
    %reduce_sum3A_1673 = vector.extract %reduce_sum3A_1672[0, 0, 0] : f32 from vector<1x1x1xf32>
    %max3A_1674 = arith.constant 1.000000e+00 : f32
    %max3A_1675 = arith.maximumf %reduce_sum3A_1673, %max3A_1674 : f32
    %div3A_1676 = vector.broadcast %max3A_1675 : f32 to vector<1x1024xf32>
    %div3A_1677 = arith.divf %broadcast_in_dim3A_1663, %div3A_1676 : vector<1x1024xf32>
    %swap3A_1678 = arith.constant 25 : index
    %swap3A_1679 = arith.constant 0 : index
    %swap3A_1680 = arith.constant 0 : index
    %swap3A_1681 = vector.load %arg4[%swap3A_1678, %swap3A_1679, %swap3A_1680] : memref<32x1x1024xf32, #tpu.memory_space<vmem>>, vector<1x1x1024xf32>
    %swap3A_1682 = vector.shape_cast %swap3A_1681 : vector<1x1x1024xf32> to vector<1x1024xf32>
    %swap3A_1683 = vector.shape_cast %div3A_1677 : vector<1x1024xf32> to vector<1x1x1024xf32>
    tpu.vector_store %arg4[%swap3A_1678, %swap3A_1679, %swap3A_1680], %swap3A_1683 {strides = array<i32>} : memref<32x1x1024xf32, #tpu.memory_space<vmem>>, vector<1x1x1024xf32>,
    %get3A_1684 = arith.constant 26 : index
    %get3A_1685 = arith.constant 0 : index
    %get3A_1686 = arith.constant 0 : index
    %get3A_1687 = vector.load %arg0[%get3A_1684, %get3A_1685, %get3A_1686] : memref<32x32x1024xf32, #tpu.memory_space<vmem>>, vector<1x32x1024xf32>
    %get3A_1688 = vector.shape_cast %get3A_1687 : vector<1x32x1024xf32> to vector<32x1024xf32>
    %slice3A_1689 = vector.extract_strided_slice %get3A_1688 {offsets = [0, 0], sizes = [32, 256], strides = [1, 1]} : vector<32x1024xf32> to vector<32x256xf32>
    %convert_element_type3A_1690 = arith.truncf %slice3A_1689 : vector<32x256xf32> to vector<32x256xbf16>
    %slice3A_1691 = vector.extract_strided_slice %get3A_1 {offsets = [0, 0], sizes = [256, 1024], strides = [1, 1]} : vector<1024x1024xf32> to vector<256x1024xf32>
    %convert_element_type3A_1692 = arith.truncf %slice3A_1691 : vector<256x1024xf32> to vector<256x1024xbf16>
    %dot_general3A_1693 = arith.constant dense<0.000000e+00> : vector<32x1024xf32>
    %dot_general3A_1694 = tpu.matmul %convert_element_type3A_1690, %convert_element_type3A_1692, %dot_general3A_1693 {dimension_numbers = #tpu.dot_dimension_numbers<[1], [0], [0], [1], [0, 0, 1, 1], [], []>, transpose_lhs_hint = false} : vector<32x256xbf16>, vector<256x1024xbf16>, vector<32x1024xf32> -> vector<32x1024xf32>
    %slice3A_1695 = vector.extract_strided_slice %get3A_1688 {offsets = [0, 256], sizes = [32, 256], strides = [1, 1]} : vector<32x1024xf32> to vector<32x256xf32>
    %convert_element_type3A_1696 = arith.truncf %slice3A_1695 : vector<32x256xf32> to vector<32x256xbf16>
    %slice3A_1697 = vector.extract_strided_slice %get3A_1 {offsets = [256, 0], sizes = [256, 1024], strides = [1, 1]} : vector<1024x1024xf32> to vector<256x1024xf32>
    %convert_element_type3A_1698 = arith.truncf %slice3A_1697 : vector<256x1024xf32> to vector<256x1024xbf16>
    %dot_general3A_1699 = arith.constant dense<0.000000e+00> : vector<32x1024xf32>
    %dot_general3A_1700 = tpu.matmul %convert_element_type3A_1696, %convert_element_type3A_1698, %dot_general3A_1699 {dimension_numbers = #tpu.dot_dimension_numbers<[1], [0], [0], [1], [0, 0, 1, 1], [], []>, transpose_lhs_hint = false} : vector<32x256xbf16>, vector<256x1024xbf16>, vector<32x1024xf32> -> vector<32x1024xf32>
    %add3A_1701 = arith.addf %dot_general3A_1694, %dot_general3A_1700 : vector<32x1024xf32>
    %slice3A_1702 = vector.extract_strided_slice %get3A_1688 {offsets = [0, 512], sizes = [32, 256], strides = [1, 1]} : vector<32x1024xf32> to vector<32x256xf32>
    %convert_element_type3A_1703 = arith.truncf %slice3A_1702 : vector<32x256xf32> to vector<32x256xbf16>
    %slice3A_1704 = vector.extract_strided_slice %get3A_1 {offsets = [512, 0], sizes = [256, 1024], strides = [1, 1]} : vector<1024x1024xf32> to vector<256x1024xf32>
    %convert_element_type3A_1705 = arith.truncf %slice3A_1704 : vector<256x1024xf32> to vector<256x1024xbf16>
    %dot_general3A_1706 = arith.constant dense<0.000000e+00> : vector<32x1024xf32>
    %dot_general3A_1707 = tpu.matmul %convert_element_type3A_1703, %convert_element_type3A_1705, %dot_general3A_1706 {dimension_numbers = #tpu.dot_dimension_numbers<[1], [0], [0], [1], [0, 0, 1, 1], [], []>, transpose_lhs_hint = false} : vector<32x256xbf16>, vector<256x1024xbf16>, vector<32x1024xf32> -> vector<32x1024xf32>
    %add3A_1708 = arith.addf %add3A_1701, %dot_general3A_1707 : vector<32x1024xf32>
    %slice3A_1709 = vector.extract_strided_slice %get3A_1688 {offsets = [0, 768], sizes = [32, 256], strides = [1, 1]} : vector<32x1024xf32> to vector<32x256xf32>
    %convert_element_type3A_1710 = arith.truncf %slice3A_1709 : vector<32x256xf32> to vector<32x256xbf16>
    %slice3A_1711 = vector.extract_strided_slice %get3A_1 {offsets = [768, 0], sizes = [256, 1024], strides = [1, 1]} : vector<1024x1024xf32> to vector<256x1024xf32>
    %convert_element_type3A_1712 = arith.truncf %slice3A_1711 : vector<256x1024xf32> to vector<256x1024xbf16>
    %dot_general3A_1713 = arith.constant dense<0.000000e+00> : vector<32x1024xf32>
    %dot_general3A_1714 = tpu.matmul %convert_element_type3A_1710, %convert_element_type3A_1712, %dot_general3A_1713 {dimension_numbers = #tpu.dot_dimension_numbers<[1], [0], [0], [1], [0, 0, 1, 1], [], []>, transpose_lhs_hint = false} : vector<32x256xbf16>, vector<256x1024xbf16>, vector<32x1024xf32> -> vector<32x1024xf32>
    %add3A_1715 = arith.addf %add3A_1708, %dot_general3A_1714 : vector<32x1024xf32>
    %add3A_1716 = vector.broadcast %get3A_4 : vector<1x1024xf32> to vector<32x1024xf32>
    %add3A_1717 = arith.addf %add3A_1715, %add3A_1716 : vector<32x1024xf32>
    %tanh3A_1718 = math.tanh %add3A_1717 : vector<32x1024xf32>
    %get3A_1719 = arith.constant 26 : index
    %get3A_1720 = arith.constant 0 : index
    %get3A_1721 = arith.constant 0 : index
    %get3A_1722 = vector.load %arg3[%get3A_1719, %get3A_1720, %get3A_1721] : memref<32x32x1xf32, #tpu.memory_space<vmem>>, vector<1x32x1xf32>
    %get3A_1723 = vector.shape_cast %get3A_1722 : vector<1x32x1xf32> to vector<32x1xf32>
    %mul3A_1724 = vector.broadcast %get3A_1723 : vector<32x1xf32> to vector<32x1024xf32>
    %mul3A_1725 = arith.mulf %tanh3A_1718, %mul3A_1724 : vector<32x1024xf32>
    %reduce_sum3A_1726 = arith.constant dense<0.000000e+00> : vector<1024xf32>
    %reduce_sum3A_1727 = vector.multi_reduction <add>, %mul3A_1725, %reduce_sum3A_1726 [0] : vector<32x1024xf32> to vector<1024xf32>
    %broadcast_in_dim3A_1728 = vector.shape_cast %reduce_sum3A_1727 : vector<1024xf32> to vector<1x1024xf32>
    %get3A_1729 = arith.constant 26 : index
    %get3A_1730 = arith.constant 0 : index
    %get3A_1731 = arith.constant 0 : index
    %get3A_1732 = vector.load %arg3[%get3A_1729, %get3A_1730, %get3A_1731] : memref<32x32x1xf32, #tpu.memory_space<vmem>>, vector<1x32x1xf32>
    %get3A_1733 = vector.shape_cast %get3A_1732 : vector<1x32x1xf32> to vector<32x1xf32>
    %reduce_sum3A_1734 = vector.shape_cast %get3A_1733 : vector<32x1xf32> to vector<1x32x1xf32>
    %reduce_sum3A_1735 = arith.constant dense<0.000000e+00> : vector<1xf32>
    %reduce_sum3A_1736 = vector.multi_reduction <add>, %reduce_sum3A_1734, %reduce_sum3A_1735 [1, 2] : vector<1x32x1xf32> to vector<1xf32>
    %reduce_sum3A_1737 = vector.shape_cast %reduce_sum3A_1736 : vector<1xf32> to vector<1x1x1xf32>
    %reduce_sum3A_1738 = vector.extract %reduce_sum3A_1737[0, 0, 0] : f32 from vector<1x1x1xf32>
    %max3A_1739 = arith.constant 1.000000e+00 : f32
    %max3A_1740 = arith.maximumf %reduce_sum3A_1738, %max3A_1739 : f32
    %div3A_1741 = vector.broadcast %max3A_1740 : f32 to vector<1x1024xf32>
    %div3A_1742 = arith.divf %broadcast_in_dim3A_1728, %div3A_1741 : vector<1x1024xf32>
    %swap3A_1743 = arith.constant 26 : index
    %swap3A_1744 = arith.constant 0 : index
    %swap3A_1745 = arith.constant 0 : index
    %swap3A_1746 = vector.load %arg4[%swap3A_1743, %swap3A_1744, %swap3A_1745] : memref<32x1x1024xf32, #tpu.memory_space<vmem>>, vector<1x1x1024xf32>
    %swap3A_1747 = vector.shape_cast %swap3A_1746 : vector<1x1x1024xf32> to vector<1x1024xf32>
    %swap3A_1748 = vector.shape_cast %div3A_1742 : vector<1x1024xf32> to vector<1x1x1024xf32>
    tpu.vector_store %arg4[%swap3A_1743, %swap3A_1744, %swap3A_1745], %swap3A_1748 {strides = array<i32>} : memref<32x1x1024xf32, #tpu.memory_space<vmem>>, vector<1x1x1024xf32>,
    %get3A_1749 = arith.constant 27 : index
    %get3A_1750 = arith.constant 0 : index
    %get3A_1751 = arith.constant 0 : index
    %get3A_1752 = vector.load %arg0[%get3A_1749, %get3A_1750, %get3A_1751] : memref<32x32x1024xf32, #tpu.memory_space<vmem>>, vector<1x32x1024xf32>
    %get3A_1753 = vector.shape_cast %get3A_1752 : vector<1x32x1024xf32> to vector<32x1024xf32>
    %slice3A_1754 = vector.extract_strided_slice %get3A_1753 {offsets = [0, 0], sizes = [32, 256], strides = [1, 1]} : vector<32x1024xf32> to vector<32x256xf32>
    %convert_element_type3A_1755 = arith.truncf %slice3A_1754 : vector<32x256xf32> to vector<32x256xbf16>
    %slice3A_1756 = vector.extract_strided_slice %get3A_1 {offsets = [0, 0], sizes = [256, 1024], strides = [1, 1]} : vector<1024x1024xf32> to vector<256x1024xf32>
    %convert_element_type3A_1757 = arith.truncf %slice3A_1756 : vector<256x1024xf32> to vector<256x1024xbf16>
    %dot_general3A_1758 = arith.constant dense<0.000000e+00> : vector<32x1024xf32>
    %dot_general3A_1759 = tpu.matmul %convert_element_type3A_1755, %convert_element_type3A_1757, %dot_general3A_1758 {dimension_numbers = #tpu.dot_dimension_numbers<[1], [0], [0], [1], [0, 0, 1, 1], [], []>, transpose_lhs_hint = false} : vector<32x256xbf16>, vector<256x1024xbf16>, vector<32x1024xf32> -> vector<32x1024xf32>
    %slice3A_1760 = vector.extract_strided_slice %get3A_1753 {offsets = [0, 256], sizes = [32, 256], strides = [1, 1]} : vector<32x1024xf32> to vector<32x256xf32>
    %convert_element_type3A_1761 = arith.truncf %slice3A_1760 : vector<32x256xf32> to vector<32x256xbf16>
    %slice3A_1762 = vector.extract_strided_slice %get3A_1 {offsets = [256, 0], sizes = [256, 1024], strides = [1, 1]} : vector<1024x1024xf32> to vector<256x1024xf32>
    %convert_element_type3A_1763 = arith.truncf %slice3A_1762 : vector<256x1024xf32> to vector<256x1024xbf16>
    %dot_general3A_1764 = arith.constant dense<0.000000e+00> : vector<32x1024xf32>
    %dot_general3A_1765 = tpu.matmul %convert_element_type3A_1761, %convert_element_type3A_1763, %dot_general3A_1764 {dimension_numbers = #tpu.dot_dimension_numbers<[1], [0], [0], [1], [0, 0, 1, 1], [], []>, transpose_lhs_hint = false} : vector<32x256xbf16>, vector<256x1024xbf16>, vector<32x1024xf32> -> vector<32x1024xf32>
    %add3A_1766 = arith.addf %dot_general3A_1759, %dot_general3A_1765 : vector<32x1024xf32>
    %slice3A_1767 = vector.extract_strided_slice %get3A_1753 {offsets = [0, 512], sizes = [32, 256], strides = [1, 1]} : vector<32x1024xf32> to vector<32x256xf32>
    %convert_element_type3A_1768 = arith.truncf %slice3A_1767 : vector<32x256xf32> to vector<32x256xbf16>
    %slice3A_1769 = vector.extract_strided_slice %get3A_1 {offsets = [512, 0], sizes = [256, 1024], strides = [1, 1]} : vector<1024x1024xf32> to vector<256x1024xf32>
    %convert_element_type3A_1770 = arith.truncf %slice3A_1769 : vector<256x1024xf32> to vector<256x1024xbf16>
    %dot_general3A_1771 = arith.constant dense<0.000000e+00> : vector<32x1024xf32>
    %dot_general3A_1772 = tpu.matmul %convert_element_type3A_1768, %convert_element_type3A_1770, %dot_general3A_1771 {dimension_numbers = #tpu.dot_dimension_numbers<[1], [0], [0], [1], [0, 0, 1, 1], [], []>, transpose_lhs_hint = false} : vector<32x256xbf16>, vector<256x1024xbf16>, vector<32x1024xf32> -> vector<32x1024xf32>
    %add3A_1773 = arith.addf %add3A_1766, %dot_general3A_1772 : vector<32x1024xf32>
    %slice3A_1774 = vector.extract_strided_slice %get3A_1753 {offsets = [0, 768], sizes = [32, 256], strides = [1, 1]} : vector<32x1024xf32> to vector<32x256xf32>
    %convert_element_type3A_1775 = arith.truncf %slice3A_1774 : vector<32x256xf32> to vector<32x256xbf16>
    %slice3A_1776 = vector.extract_strided_slice %get3A_1 {offsets = [768, 0], sizes = [256, 1024], strides = [1, 1]} : vector<1024x1024xf32> to vector<256x1024xf32>
    %convert_element_type3A_1777 = arith.truncf %slice3A_1776 : vector<256x1024xf32> to vector<256x1024xbf16>
    %dot_general3A_1778 = arith.constant dense<0.000000e+00> : vector<32x1024xf32>
    %dot_general3A_1779 = tpu.matmul %convert_element_type3A_1775, %convert_element_type3A_1777, %dot_general3A_1778 {dimension_numbers = #tpu.dot_dimension_numbers<[1], [0], [0], [1], [0, 0, 1, 1], [], []>, transpose_lhs_hint = false} : vector<32x256xbf16>, vector<256x1024xbf16>, vector<32x1024xf32> -> vector<32x1024xf32>
    %add3A_1780 = arith.addf %add3A_1773, %dot_general3A_1779 : vector<32x1024xf32>
    %add3A_1781 = vector.broadcast %get3A_4 : vector<1x1024xf32> to vector<32x1024xf32>
    %add3A_1782 = arith.addf %add3A_1780, %add3A_1781 : vector<32x1024xf32>
    %tanh3A_1783 = math.tanh %add3A_1782 : vector<32x1024xf32>
    %get3A_1784 = arith.constant 27 : index
    %get3A_1785 = arith.constant 0 : index
    %get3A_1786 = arith.constant 0 : index
    %get3A_1787 = vector.load %arg3[%get3A_1784, %get3A_1785, %get3A_1786] : memref<32x32x1xf32, #tpu.memory_space<vmem>>, vector<1x32x1xf32>
    %get3A_1788 = vector.shape_cast %get3A_1787 : vector<1x32x1xf32> to vector<32x1xf32>
    %mul3A_1789 = vector.broadcast %get3A_1788 : vector<32x1xf32> to vector<32x1024xf32>
    %mul3A_1790 = arith.mulf %tanh3A_1783, %mul3A_1789 : vector<32x1024xf32>
    %reduce_sum3A_1791 = arith.constant dense<0.000000e+00> : vector<1024xf32>
    %reduce_sum3A_1792 = vector.multi_reduction <add>, %mul3A_1790, %reduce_sum3A_1791 [0] : vector<32x1024xf32> to vector<1024xf32>
    %broadcast_in_dim3A_1793 = vector.shape_cast %reduce_sum3A_1792 : vector<1024xf32> to vector<1x1024xf32>
    %get3A_1794 = arith.constant 27 : index
    %get3A_1795 = arith.constant 0 : index
    %get3A_1796 = arith.constant 0 : index
    %get3A_1797 = vector.load %arg3[%get3A_1794, %get3A_1795, %get3A_1796] : memref<32x32x1xf32, #tpu.memory_space<vmem>>, vector<1x32x1xf32>
    %get3A_1798 = vector.shape_cast %get3A_1797 : vector<1x32x1xf32> to vector<32x1xf32>
    %reduce_sum3A_1799 = vector.shape_cast %get3A_1798 : vector<32x1xf32> to vector<1x32x1xf32>
    %reduce_sum3A_1800 = arith.constant dense<0.000000e+00> : vector<1xf32>
    %reduce_sum3A_1801 = vector.multi_reduction <add>, %reduce_sum3A_1799, %reduce_sum3A_1800 [1, 2] : vector<1x32x1xf32> to vector<1xf32>
    %reduce_sum3A_1802 = vector.shape_cast %reduce_sum3A_1801 : vector<1xf32> to vector<1x1x1xf32>
    %reduce_sum3A_1803 = vector.extract %reduce_sum3A_1802[0, 0, 0] : f32 from vector<1x1x1xf32>
    %max3A_1804 = arith.constant 1.000000e+00 : f32
    %max3A_1805 = arith.maximumf %reduce_sum3A_1803, %max3A_1804 : f32
    %div3A_1806 = vector.broadcast %max3A_1805 : f32 to vector<1x1024xf32>
    %div3A_1807 = arith.divf %broadcast_in_dim3A_1793, %div3A_1806 : vector<1x1024xf32>
    %swap3A_1808 = arith.constant 27 : index
    %swap3A_1809 = arith.constant 0 : index
    %swap3A_1810 = arith.constant 0 : index
    %swap3A_1811 = vector.load %arg4[%swap3A_1808, %swap3A_1809, %swap3A_1810] : memref<32x1x1024xf32, #tpu.memory_space<vmem>>, vector<1x1x1024xf32>
    %swap3A_1812 = vector.shape_cast %swap3A_1811 : vector<1x1x1024xf32> to vector<1x1024xf32>
    %swap3A_1813 = vector.shape_cast %div3A_1807 : vector<1x1024xf32> to vector<1x1x1024xf32>
    tpu.vector_store %arg4[%swap3A_1808, %swap3A_1809, %swap3A_1810], %swap3A_1813 {strides = array<i32>} : memref<32x1x1024xf32, #tpu.memory_space<vmem>>, vector<1x1x1024xf32>,
    %get3A_1814 = arith.constant 28 : index
    %get3A_1815 = arith.constant 0 : index
    %get3A_1816 = arith.constant 0 : index
    %get3A_1817 = vector.load %arg0[%get3A_1814, %get3A_1815, %get3A_1816] : memref<32x32x1024xf32, #tpu.memory_space<vmem>>, vector<1x32x1024xf32>
    %get3A_1818 = vector.shape_cast %get3A_1817 : vector<1x32x1024xf32> to vector<32x1024xf32>
    %slice3A_1819 = vector.extract_strided_slice %get3A_1818 {offsets = [0, 0], sizes = [32, 256], strides = [1, 1]} : vector<32x1024xf32> to vector<32x256xf32>
    %convert_element_type3A_1820 = arith.truncf %slice3A_1819 : vector<32x256xf32> to vector<32x256xbf16>
    %slice3A_1821 = vector.extract_strided_slice %get3A_1 {offsets = [0, 0], sizes = [256, 1024], strides = [1, 1]} : vector<1024x1024xf32> to vector<256x1024xf32>
    %convert_element_type3A_1822 = arith.truncf %slice3A_1821 : vector<256x1024xf32> to vector<256x1024xbf16>
    %dot_general3A_1823 = arith.constant dense<0.000000e+00> : vector<32x1024xf32>
    %dot_general3A_1824 = tpu.matmul %convert_element_type3A_1820, %convert_element_type3A_1822, %dot_general3A_1823 {dimension_numbers = #tpu.dot_dimension_numbers<[1], [0], [0], [1], [0, 0, 1, 1], [], []>, transpose_lhs_hint = false} : vector<32x256xbf16>, vector<256x1024xbf16>, vector<32x1024xf32> -> vector<32x1024xf32>
    %slice3A_1825 = vector.extract_strided_slice %get3A_1818 {offsets = [0, 256], sizes = [32, 256], strides = [1, 1]} : vector<32x1024xf32> to vector<32x256xf32>
    %convert_element_type3A_1826 = arith.truncf %slice3A_1825 : vector<32x256xf32> to vector<32x256xbf16>
    %slice3A_1827 = vector.extract_strided_slice %get3A_1 {offsets = [256, 0], sizes = [256, 1024], strides = [1, 1]} : vector<1024x1024xf32> to vector<256x1024xf32>
    %convert_element_type3A_1828 = arith.truncf %slice3A_1827 : vector<256x1024xf32> to vector<256x1024xbf16>
    %dot_general3A_1829 = arith.constant dense<0.000000e+00> : vector<32x1024xf32>
    %dot_general3A_1830 = tpu.matmul %convert_element_type3A_1826, %convert_element_type3A_1828, %dot_general3A_1829 {dimension_numbers = #tpu.dot_dimension_numbers<[1], [0], [0], [1], [0, 0, 1, 1], [], []>, transpose_lhs_hint = false} : vector<32x256xbf16>, vector<256x1024xbf16>, vector<32x1024xf32> -> vector<32x1024xf32>
    %add3A_1831 = arith.addf %dot_general3A_1824, %dot_general3A_1830 : vector<32x1024xf32>
    %slice3A_1832 = vector.extract_strided_slice %get3A_1818 {offsets = [0, 512], sizes = [32, 256], strides = [1, 1]} : vector<32x1024xf32> to vector<32x256xf32>
    %convert_element_type3A_1833 = arith.truncf %slice3A_1832 : vector<32x256xf32> to vector<32x256xbf16>
    %slice3A_1834 = vector.extract_strided_slice %get3A_1 {offsets = [512, 0], sizes = [256, 1024], strides = [1, 1]} : vector<1024x1024xf32> to vector<256x1024xf32>
    %convert_element_type3A_1835 = arith.truncf %slice3A_1834 : vector<256x1024xf32> to vector<256x1024xbf16>
    %dot_general3A_1836 = arith.constant dense<0.000000e+00> : vector<32x1024xf32>
    %dot_general3A_1837 = tpu.matmul %convert_element_type3A_1833, %convert_element_type3A_1835, %dot_general3A_1836 {dimension_numbers = #tpu.dot_dimension_numbers<[1], [0], [0], [1], [0, 0, 1, 1], [], []>, transpose_lhs_hint = false} : vector<32x256xbf16>, vector<256x1024xbf16>, vector<32x1024xf32> -> vector<32x1024xf32>
    %add3A_1838 = arith.addf %add3A_1831, %dot_general3A_1837 : vector<32x1024xf32>
    %slice3A_1839 = vector.extract_strided_slice %get3A_1818 {offsets = [0, 768], sizes = [32, 256], strides = [1, 1]} : vector<32x1024xf32> to vector<32x256xf32>
    %convert_element_type3A_1840 = arith.truncf %slice3A_1839 : vector<32x256xf32> to vector<32x256xbf16>
    %slice3A_1841 = vector.extract_strided_slice %get3A_1 {offsets = [768, 0], sizes = [256, 1024], strides = [1, 1]} : vector<1024x1024xf32> to vector<256x1024xf32>
    %convert_element_type3A_1842 = arith.truncf %slice3A_1841 : vector<256x1024xf32> to vector<256x1024xbf16>
    %dot_general3A_1843 = arith.constant dense<0.000000e+00> : vector<32x1024xf32>
    %dot_general3A_1844 = tpu.matmul %convert_element_type3A_1840, %convert_element_type3A_1842, %dot_general3A_1843 {dimension_numbers = #tpu.dot_dimension_numbers<[1], [0], [0], [1], [0, 0, 1, 1], [], []>, transpose_lhs_hint = false} : vector<32x256xbf16>, vector<256x1024xbf16>, vector<32x1024xf32> -> vector<32x1024xf32>
    %add3A_1845 = arith.addf %add3A_1838, %dot_general3A_1844 : vector<32x1024xf32>
    %add3A_1846 = vector.broadcast %get3A_4 : vector<1x1024xf32> to vector<32x1024xf32>
    %add3A_1847 = arith.addf %add3A_1845, %add3A_1846 : vector<32x1024xf32>
    %tanh3A_1848 = math.tanh %add3A_1847 : vector<32x1024xf32>
    %get3A_1849 = arith.constant 28 : index
    %get3A_1850 = arith.constant 0 : index
    %get3A_1851 = arith.constant 0 : index
    %get3A_1852 = vector.load %arg3[%get3A_1849, %get3A_1850, %get3A_1851] : memref<32x32x1xf32, #tpu.memory_space<vmem>>, vector<1x32x1xf32>
    %get3A_1853 = vector.shape_cast %get3A_1852 : vector<1x32x1xf32> to vector<32x1xf32>
    %mul3A_1854 = vector.broadcast %get3A_1853 : vector<32x1xf32> to vector<32x1024xf32>
    %mul3A_1855 = arith.mulf %tanh3A_1848, %mul3A_1854 : vector<32x1024xf32>
    %reduce_sum3A_1856 = arith.constant dense<0.000000e+00> : vector<1024xf32>
    %reduce_sum3A_1857 = vector.multi_reduction <add>, %mul3A_1855, %reduce_sum3A_1856 [0] : vector<32x1024xf32> to vector<1024xf32>
    %broadcast_in_dim3A_1858 = vector.shape_cast %reduce_sum3A_1857 : vector<1024xf32> to vector<1x1024xf32>
    %get3A_1859 = arith.constant 28 : index
    %get3A_1860 = arith.constant 0 : index
    %get3A_1861 = arith.constant 0 : index
    %get3A_1862 = vector.load %arg3[%get3A_1859, %get3A_1860, %get3A_1861] : memref<32x32x1xf32, #tpu.memory_space<vmem>>, vector<1x32x1xf32>
    %get3A_1863 = vector.shape_cast %get3A_1862 : vector<1x32x1xf32> to vector<32x1xf32>
    %reduce_sum3A_1864 = vector.shape_cast %get3A_1863 : vector<32x1xf32> to vector<1x32x1xf32>
    %reduce_sum3A_1865 = arith.constant dense<0.000000e+00> : vector<1xf32>
    %reduce_sum3A_1866 = vector.multi_reduction <add>, %reduce_sum3A_1864, %reduce_sum3A_1865 [1, 2] : vector<1x32x1xf32> to vector<1xf32>
    %reduce_sum3A_1867 = vector.shape_cast %reduce_sum3A_1866 : vector<1xf32> to vector<1x1x1xf32>
    %reduce_sum3A_1868 = vector.extract %reduce_sum3A_1867[0, 0, 0] : f32 from vector<1x1x1xf32>
    %max3A_1869 = arith.constant 1.000000e+00 : f32
    %max3A_1870 = arith.maximumf %reduce_sum3A_1868, %max3A_1869 : f32
    %div3A_1871 = vector.broadcast %max3A_1870 : f32 to vector<1x1024xf32>
    %div3A_1872 = arith.divf %broadcast_in_dim3A_1858, %div3A_1871 : vector<1x1024xf32>
    %swap3A_1873 = arith.constant 28 : index
    %swap3A_1874 = arith.constant 0 : index
    %swap3A_1875 = arith.constant 0 : index
    %swap3A_1876 = vector.load %arg4[%swap3A_1873, %swap3A_1874, %swap3A_1875] : memref<32x1x1024xf32, #tpu.memory_space<vmem>>, vector<1x1x1024xf32>
    %swap3A_1877 = vector.shape_cast %swap3A_1876 : vector<1x1x1024xf32> to vector<1x1024xf32>
    %swap3A_1878 = vector.shape_cast %div3A_1872 : vector<1x1024xf32> to vector<1x1x1024xf32>
    tpu.vector_store %arg4[%swap3A_1873, %swap3A_1874, %swap3A_1875], %swap3A_1878 {strides = array<i32>} : memref<32x1x1024xf32, #tpu.memory_space<vmem>>, vector<1x1x1024xf32>,
    %get3A_1879 = arith.constant 29 : index
    %get3A_1880 = arith.constant 0 : index
    %get3A_1881 = arith.constant 0 : index
    %get3A_1882 = vector.load %arg0[%get3A_1879, %get3A_1880, %get3A_1881] : memref<32x32x1024xf32, #tpu.memory_space<vmem>>, vector<1x32x1024xf32>
    %get3A_1883 = vector.shape_cast %get3A_1882 : vector<1x32x1024xf32> to vector<32x1024xf32>
    %slice3A_1884 = vector.extract_strided_slice %get3A_1883 {offsets = [0, 0], sizes = [32, 256], strides = [1, 1]} : vector<32x1024xf32> to vector<32x256xf32>
    %convert_element_type3A_1885 = arith.truncf %slice3A_1884 : vector<32x256xf32> to vector<32x256xbf16>
    %slice3A_1886 = vector.extract_strided_slice %get3A_1 {offsets = [0, 0], sizes = [256, 1024], strides = [1, 1]} : vector<1024x1024xf32> to vector<256x1024xf32>
    %convert_element_type3A_1887 = arith.truncf %slice3A_1886 : vector<256x1024xf32> to vector<256x1024xbf16>
    %dot_general3A_1888 = arith.constant dense<0.000000e+00> : vector<32x1024xf32>
    %dot_general3A_1889 = tpu.matmul %convert_element_type3A_1885, %convert_element_type3A_1887, %dot_general3A_1888 {dimension_numbers = #tpu.dot_dimension_numbers<[1], [0], [0], [1], [0, 0, 1, 1], [], []>, transpose_lhs_hint = false} : vector<32x256xbf16>, vector<256x1024xbf16>, vector<32x1024xf32> -> vector<32x1024xf32>
    %slice3A_1890 = vector.extract_strided_slice %get3A_1883 {offsets = [0, 256], sizes = [32, 256], strides = [1, 1]} : vector<32x1024xf32> to vector<32x256xf32>
    %convert_element_type3A_1891 = arith.truncf %slice3A_1890 : vector<32x256xf32> to vector<32x256xbf16>
    %slice3A_1892 = vector.extract_strided_slice %get3A_1 {offsets = [256, 0], sizes = [256, 1024], strides = [1, 1]} : vector<1024x1024xf32> to vector<256x1024xf32>
    %convert_element_type3A_1893 = arith.truncf %slice3A_1892 : vector<256x1024xf32> to vector<256x1024xbf16>
    %dot_general3A_1894 = arith.constant dense<0.000000e+00> : vector<32x1024xf32>
    %dot_general3A_1895 = tpu.matmul %convert_element_type3A_1891, %convert_element_type3A_1893, %dot_general3A_1894 {dimension_numbers = #tpu.dot_dimension_numbers<[1], [0], [0], [1], [0, 0, 1, 1], [], []>, transpose_lhs_hint = false} : vector<32x256xbf16>, vector<256x1024xbf16>, vector<32x1024xf32> -> vector<32x1024xf32>
    %add3A_1896 = arith.addf %dot_general3A_1889, %dot_general3A_1895 : vector<32x1024xf32>
    %slice3A_1897 = vector.extract_strided_slice %get3A_1883 {offsets = [0, 512], sizes = [32, 256], strides = [1, 1]} : vector<32x1024xf32> to vector<32x256xf32>
    %convert_element_type3A_1898 = arith.truncf %slice3A_1897 : vector<32x256xf32> to vector<32x256xbf16>
    %slice3A_1899 = vector.extract_strided_slice %get3A_1 {offsets = [512, 0], sizes = [256, 1024], strides = [1, 1]} : vector<1024x1024xf32> to vector<256x1024xf32>
    %convert_element_type3A_1900 = arith.truncf %slice3A_1899 : vector<256x1024xf32> to vector<256x1024xbf16>
    %dot_general3A_1901 = arith.constant dense<0.000000e+00> : vector<32x1024xf32>
    %dot_general3A_1902 = tpu.matmul %convert_element_type3A_1898, %convert_element_type3A_1900, %dot_general3A_1901 {dimension_numbers = #tpu.dot_dimension_numbers<[1], [0], [0], [1], [0, 0, 1, 1], [], []>, transpose_lhs_hint = false} : vector<32x256xbf16>, vector<256x1024xbf16>, vector<32x1024xf32> -> vector<32x1024xf32>
    %add3A_1903 = arith.addf %add3A_1896, %dot_general3A_1902 : vector<32x1024xf32>
    %slice3A_1904 = vector.extract_strided_slice %get3A_1883 {offsets = [0, 768], sizes = [32, 256], strides = [1, 1]} : vector<32x1024xf32> to vector<32x256xf32>
    %convert_element_type3A_1905 = arith.truncf %slice3A_1904 : vector<32x256xf32> to vector<32x256xbf16>
    %slice3A_1906 = vector.extract_strided_slice %get3A_1 {offsets = [768, 0], sizes = [256, 1024], strides = [1, 1]} : vector<1024x1024xf32> to vector<256x1024xf32>
    %convert_element_type3A_1907 = arith.truncf %slice3A_1906 : vector<256x1024xf32> to vector<256x1024xbf16>
    %dot_general3A_1908 = arith.constant dense<0.000000e+00> : vector<32x1024xf32>
    %dot_general3A_1909 = tpu.matmul %convert_element_type3A_1905, %convert_element_type3A_1907, %dot_general3A_1908 {dimension_numbers = #tpu.dot_dimension_numbers<[1], [0], [0], [1], [0, 0, 1, 1], [], []>, transpose_lhs_hint = false} : vector<32x256xbf16>, vector<256x1024xbf16>, vector<32x1024xf32> -> vector<32x1024xf32>
    %add3A_1910 = arith.addf %add3A_1903, %dot_general3A_1909 : vector<32x1024xf32>
    %add3A_1911 = vector.broadcast %get3A_4 : vector<1x1024xf32> to vector<32x1024xf32>
    %add3A_1912 = arith.addf %add3A_1910, %add3A_1911 : vector<32x1024xf32>
    %tanh3A_1913 = math.tanh %add3A_1912 : vector<32x1024xf32>
    %get3A_1914 = arith.constant 29 : index
    %get3A_1915 = arith.constant 0 : index
    %get3A_1916 = arith.constant 0 : index
    %get3A_1917 = vector.load %arg3[%get3A_1914, %get3A_1915, %get3A_1916] : memref<32x32x1xf32, #tpu.memory_space<vmem>>, vector<1x32x1xf32>
    %get3A_1918 = vector.shape_cast %get3A_1917 : vector<1x32x1xf32> to vector<32x1xf32>
    %mul3A_1919 = vector.broadcast %get3A_1918 : vector<32x1xf32> to vector<32x1024xf32>
    %mul3A_1920 = arith.mulf %tanh3A_1913, %mul3A_1919 : vector<32x1024xf32>
    %reduce_sum3A_1921 = arith.constant dense<0.000000e+00> : vector<1024xf32>
    %reduce_sum3A_1922 = vector.multi_reduction <add>, %mul3A_1920, %reduce_sum3A_1921 [0] : vector<32x1024xf32> to vector<1024xf32>
    %broadcast_in_dim3A_1923 = vector.shape_cast %reduce_sum3A_1922 : vector<1024xf32> to vector<1x1024xf32>
    %get3A_1924 = arith.constant 29 : index
    %get3A_1925 = arith.constant 0 : index
    %get3A_1926 = arith.constant 0 : index
    %get3A_1927 = vector.load %arg3[%get3A_1924, %get3A_1925, %get3A_1926] : memref<32x32x1xf32, #tpu.memory_space<vmem>>, vector<1x32x1xf32>
    %get3A_1928 = vector.shape_cast %get3A_1927 : vector<1x32x1xf32> to vector<32x1xf32>
    %reduce_sum3A_1929 = vector.shape_cast %get3A_1928 : vector<32x1xf32> to vector<1x32x1xf32>
    %reduce_sum3A_1930 = arith.constant dense<0.000000e+00> : vector<1xf32>
    %reduce_sum3A_1931 = vector.multi_reduction <add>, %reduce_sum3A_1929, %reduce_sum3A_1930 [1, 2] : vector<1x32x1xf32> to vector<1xf32>
    %reduce_sum3A_1932 = vector.shape_cast %reduce_sum3A_1931 : vector<1xf32> to vector<1x1x1xf32>
    %reduce_sum3A_1933 = vector.extract %reduce_sum3A_1932[0, 0, 0] : f32 from vector<1x1x1xf32>
    %max3A_1934 = arith.constant 1.000000e+00 : f32
    %max3A_1935 = arith.maximumf %reduce_sum3A_1933, %max3A_1934 : f32
    %div3A_1936 = vector.broadcast %max3A_1935 : f32 to vector<1x1024xf32>
    %div3A_1937 = arith.divf %broadcast_in_dim3A_1923, %div3A_1936 : vector<1x1024xf32>
    %swap3A_1938 = arith.constant 29 : index
    %swap3A_1939 = arith.constant 0 : index
    %swap3A_1940 = arith.constant 0 : index
    %swap3A_1941 = vector.load %arg4[%swap3A_1938, %swap3A_1939, %swap3A_1940] : memref<32x1x1024xf32, #tpu.memory_space<vmem>>, vector<1x1x1024xf32>
    %swap3A_1942 = vector.shape_cast %swap3A_1941 : vector<1x1x1024xf32> to vector<1x1024xf32>
    %swap3A_1943 = vector.shape_cast %div3A_1937 : vector<1x1024xf32> to vector<1x1x1024xf32>
    tpu.vector_store %arg4[%swap3A_1938, %swap3A_1939, %swap3A_1940], %swap3A_1943 {strides = array<i32>} : memref<32x1x1024xf32, #tpu.memory_space<vmem>>, vector<1x1x1024xf32>,
    %get3A_1944 = arith.constant 30 : index
    %get3A_1945 = arith.constant 0 : index
    %get3A_1946 = arith.constant 0 : index
    %get3A_1947 = vector.load %arg0[%get3A_1944, %get3A_1945, %get3A_1946] : memref<32x32x1024xf32, #tpu.memory_space<vmem>>, vector<1x32x1024xf32>
    %get3A_1948 = vector.shape_cast %get3A_1947 : vector<1x32x1024xf32> to vector<32x1024xf32>
    %slice3A_1949 = vector.extract_strided_slice %get3A_1948 {offsets = [0, 0], sizes = [32, 256], strides = [1, 1]} : vector<32x1024xf32> to vector<32x256xf32>
    %convert_element_type3A_1950 = arith.truncf %slice3A_1949 : vector<32x256xf32> to vector<32x256xbf16>
    %slice3A_1951 = vector.extract_strided_slice %get3A_1 {offsets = [0, 0], sizes = [256, 1024], strides = [1, 1]} : vector<1024x1024xf32> to vector<256x1024xf32>
    %convert_element_type3A_1952 = arith.truncf %slice3A_1951 : vector<256x1024xf32> to vector<256x1024xbf16>
    %dot_general3A_1953 = arith.constant dense<0.000000e+00> : vector<32x1024xf32>
    %dot_general3A_1954 = tpu.matmul %convert_element_type3A_1950, %convert_element_type3A_1952, %dot_general3A_1953 {dimension_numbers = #tpu.dot_dimension_numbers<[1], [0], [0], [1], [0, 0, 1, 1], [], []>, transpose_lhs_hint = false} : vector<32x256xbf16>, vector<256x1024xbf16>, vector<32x1024xf32> -> vector<32x1024xf32>
    %slice3A_1955 = vector.extract_strided_slice %get3A_1948 {offsets = [0, 256], sizes = [32, 256], strides = [1, 1]} : vector<32x1024xf32> to vector<32x256xf32>
    %convert_element_type3A_1956 = arith.truncf %slice3A_1955 : vector<32x256xf32> to vector<32x256xbf16>
    %slice3A_1957 = vector.extract_strided_slice %get3A_1 {offsets = [256, 0], sizes = [256, 1024], strides = [1, 1]} : vector<1024x1024xf32> to vector<256x1024xf32>
    %convert_element_type3A_1958 = arith.truncf %slice3A_1957 : vector<256x1024xf32> to vector<256x1024xbf16>
    %dot_general3A_1959 = arith.constant dense<0.000000e+00> : vector<32x1024xf32>
    %dot_general3A_1960 = tpu.matmul %convert_element_type3A_1956, %convert_element_type3A_1958, %dot_general3A_1959 {dimension_numbers = #tpu.dot_dimension_numbers<[1], [0], [0], [1], [0, 0, 1, 1], [], []>, transpose_lhs_hint = false} : vector<32x256xbf16>, vector<256x1024xbf16>, vector<32x1024xf32> -> vector<32x1024xf32>
    %add3A_1961 = arith.addf %dot_general3A_1954, %dot_general3A_1960 : vector<32x1024xf32>
    %slice3A_1962 = vector.extract_strided_slice %get3A_1948 {offsets = [0, 512], sizes = [32, 256], strides = [1, 1]} : vector<32x1024xf32> to vector<32x256xf32>
    %convert_element_type3A_1963 = arith.truncf %slice3A_1962 : vector<32x256xf32> to vector<32x256xbf16>
    %slice3A_1964 = vector.extract_strided_slice %get3A_1 {offsets = [512, 0], sizes = [256, 1024], strides = [1, 1]} : vector<1024x1024xf32> to vector<256x1024xf32>
    %convert_element_type3A_1965 = arith.truncf %slice3A_1964 : vector<256x1024xf32> to vector<256x1024xbf16>
    %dot_general3A_1966 = arith.constant dense<0.000000e+00> : vector<32x1024xf32>
    %dot_general3A_1967 = tpu.matmul %convert_element_type3A_1963, %convert_element_type3A_1965, %dot_general3A_1966 {dimension_numbers = #tpu.dot_dimension_numbers<[1], [0], [0], [1], [0, 0, 1, 1], [], []>, transpose_lhs_hint = false} : vector<32x256xbf16>, vector<256x1024xbf16>, vector<32x1024xf32> -> vector<32x1024xf32>
    %add3A_1968 = arith.addf %add3A_1961, %dot_general3A_1967 : vector<32x1024xf32>
    %slice3A_1969 = vector.extract_strided_slice %get3A_1948 {offsets = [0, 768], sizes = [32, 256], strides = [1, 1]} : vector<32x1024xf32> to vector<32x256xf32>
    %convert_element_type3A_1970 = arith.truncf %slice3A_1969 : vector<32x256xf32> to vector<32x256xbf16>
    %slice3A_1971 = vector.extract_strided_slice %get3A_1 {offsets = [768, 0], sizes = [256, 1024], strides = [1, 1]} : vector<1024x1024xf32> to vector<256x1024xf32>
    %convert_element_type3A_1972 = arith.truncf %slice3A_1971 : vector<256x1024xf32> to vector<256x1024xbf16>
    %dot_general3A_1973 = arith.constant dense<0.000000e+00> : vector<32x1024xf32>
    %dot_general3A_1974 = tpu.matmul %convert_element_type3A_1970, %convert_element_type3A_1972, %dot_general3A_1973 {dimension_numbers = #tpu.dot_dimension_numbers<[1], [0], [0], [1], [0, 0, 1, 1], [], []>, transpose_lhs_hint = false} : vector<32x256xbf16>, vector<256x1024xbf16>, vector<32x1024xf32> -> vector<32x1024xf32>
    %add3A_1975 = arith.addf %add3A_1968, %dot_general3A_1974 : vector<32x1024xf32>
    %add3A_1976 = vector.broadcast %get3A_4 : vector<1x1024xf32> to vector<32x1024xf32>
    %add3A_1977 = arith.addf %add3A_1975, %add3A_1976 : vector<32x1024xf32>
    %tanh3A_1978 = math.tanh %add3A_1977 : vector<32x1024xf32>
    %get3A_1979 = arith.constant 30 : index
    %get3A_1980 = arith.constant 0 : index
    %get3A_1981 = arith.constant 0 : index
    %get3A_1982 = vector.load %arg3[%get3A_1979, %get3A_1980, %get3A_1981] : memref<32x32x1xf32, #tpu.memory_space<vmem>>, vector<1x32x1xf32>
    %get3A_1983 = vector.shape_cast %get3A_1982 : vector<1x32x1xf32> to vector<32x1xf32>
    %mul3A_1984 = vector.broadcast %get3A_1983 : vector<32x1xf32> to vector<32x1024xf32>
    %mul3A_1985 = arith.mulf %tanh3A_1978, %mul3A_1984 : vector<32x1024xf32>
    %reduce_sum3A_1986 = arith.constant dense<0.000000e+00> : vector<1024xf32>
    %reduce_sum3A_1987 = vector.multi_reduction <add>, %mul3A_1985, %reduce_sum3A_1986 [0] : vector<32x1024xf32> to vector<1024xf32>
    %broadcast_in_dim3A_1988 = vector.shape_cast %reduce_sum3A_1987 : vector<1024xf32> to vector<1x1024xf32>
    %get3A_1989 = arith.constant 30 : index
    %get3A_1990 = arith.constant 0 : index
    %get3A_1991 = arith.constant 0 : index
    %get3A_1992 = vector.load %arg3[%get3A_1989, %get3A_1990, %get3A_1991] : memref<32x32x1xf32, #tpu.memory_space<vmem>>, vector<1x32x1xf32>
    %get3A_1993 = vector.shape_cast %get3A_1992 : vector<1x32x1xf32> to vector<32x1xf32>
    %reduce_sum3A_1994 = vector.shape_cast %get3A_1993 : vector<32x1xf32> to vector<1x32x1xf32>
    %reduce_sum3A_1995 = arith.constant dense<0.000000e+00> : vector<1xf32>
    %reduce_sum3A_1996 = vector.multi_reduction <add>, %reduce_sum3A_1994, %reduce_sum3A_1995 [1, 2] : vector<1x32x1xf32> to vector<1xf32>
    %reduce_sum3A_1997 = vector.shape_cast %reduce_sum3A_1996 : vector<1xf32> to vector<1x1x1xf32>
    %reduce_sum3A_1998 = vector.extract %reduce_sum3A_1997[0, 0, 0] : f32 from vector<1x1x1xf32>
    %max3A_1999 = arith.constant 1.000000e+00 : f32
    %max3A_2000 = arith.maximumf %reduce_sum3A_1998, %max3A_1999 : f32
    %div3A_2001 = vector.broadcast %max3A_2000 : f32 to vector<1x1024xf32>
    %div3A_2002 = arith.divf %broadcast_in_dim3A_1988, %div3A_2001 : vector<1x1024xf32>
    %swap3A_2003 = arith.constant 30 : index
    %swap3A_2004 = arith.constant 0 : index
    %swap3A_2005 = arith.constant 0 : index
    %swap3A_2006 = vector.load %arg4[%swap3A_2003, %swap3A_2004, %swap3A_2005] : memref<32x1x1024xf32, #tpu.memory_space<vmem>>, vector<1x1x1024xf32>
    %swap3A_2007 = vector.shape_cast %swap3A_2006 : vector<1x1x1024xf32> to vector<1x1024xf32>
    %swap3A_2008 = vector.shape_cast %div3A_2002 : vector<1x1024xf32> to vector<1x1x1024xf32>
    tpu.vector_store %arg4[%swap3A_2003, %swap3A_2004, %swap3A_2005], %swap3A_2008 {strides = array<i32>} : memref<32x1x1024xf32, #tpu.memory_space<vmem>>, vector<1x1x1024xf32>,
    %get3A_2009 = arith.constant 31 : index
    %get3A_2010 = arith.constant 0 : index
    %get3A_2011 = arith.constant 0 : index
    %get3A_2012 = vector.load %arg0[%get3A_2009, %get3A_2010, %get3A_2011] : memref<32x32x1024xf32, #tpu.memory_space<vmem>>, vector<1x32x1024xf32>
    %get3A_2013 = vector.shape_cast %get3A_2012 : vector<1x32x1024xf32> to vector<32x1024xf32>
    %slice3A_2014 = vector.extract_strided_slice %get3A_2013 {offsets = [0, 0], sizes = [32, 256], strides = [1, 1]} : vector<32x1024xf32> to vector<32x256xf32>
    %convert_element_type3A_2015 = arith.truncf %slice3A_2014 : vector<32x256xf32> to vector<32x256xbf16>
    %slice3A_2016 = vector.extract_strided_slice %get3A_1 {offsets = [0, 0], sizes = [256, 1024], strides = [1, 1]} : vector<1024x1024xf32> to vector<256x1024xf32>
    %convert_element_type3A_2017 = arith.truncf %slice3A_2016 : vector<256x1024xf32> to vector<256x1024xbf16>
    %dot_general3A_2018 = arith.constant dense<0.000000e+00> : vector<32x1024xf32>
    %dot_general3A_2019 = tpu.matmul %convert_element_type3A_2015, %convert_element_type3A_2017, %dot_general3A_2018 {dimension_numbers = #tpu.dot_dimension_numbers<[1], [0], [0], [1], [0, 0, 1, 1], [], []>, transpose_lhs_hint = false} : vector<32x256xbf16>, vector<256x1024xbf16>, vector<32x1024xf32> -> vector<32x1024xf32>
    %slice3A_2020 = vector.extract_strided_slice %get3A_2013 {offsets = [0, 256], sizes = [32, 256], strides = [1, 1]} : vector<32x1024xf32> to vector<32x256xf32>
    %convert_element_type3A_2021 = arith.truncf %slice3A_2020 : vector<32x256xf32> to vector<32x256xbf16>
    %slice3A_2022 = vector.extract_strided_slice %get3A_1 {offsets = [256, 0], sizes = [256, 1024], strides = [1, 1]} : vector<1024x1024xf32> to vector<256x1024xf32>
    %convert_element_type3A_2023 = arith.truncf %slice3A_2022 : vector<256x1024xf32> to vector<256x1024xbf16>
    %dot_general3A_2024 = arith.constant dense<0.000000e+00> : vector<32x1024xf32>
    %dot_general3A_2025 = tpu.matmul %convert_element_type3A_2021, %convert_element_type3A_2023, %dot_general3A_2024 {dimension_numbers = #tpu.dot_dimension_numbers<[1], [0], [0], [1], [0, 0, 1, 1], [], []>, transpose_lhs_hint = false} : vector<32x256xbf16>, vector<256x1024xbf16>, vector<32x1024xf32> -> vector<32x1024xf32>
    %add3A_2026 = arith.addf %dot_general3A_2019, %dot_general3A_2025 : vector<32x1024xf32>
    %slice3A_2027 = vector.extract_strided_slice %get3A_2013 {offsets = [0, 512], sizes = [32, 256], strides = [1, 1]} : vector<32x1024xf32> to vector<32x256xf32>
    %convert_element_type3A_2028 = arith.truncf %slice3A_2027 : vector<32x256xf32> to vector<32x256xbf16>
    %slice3A_2029 = vector.extract_strided_slice %get3A_1 {offsets = [512, 0], sizes = [256, 1024], strides = [1, 1]} : vector<1024x1024xf32> to vector<256x1024xf32>
    %convert_element_type3A_2030 = arith.truncf %slice3A_2029 : vector<256x1024xf32> to vector<256x1024xbf16>
    %dot_general3A_2031 = arith.constant dense<0.000000e+00> : vector<32x1024xf32>
    %dot_general3A_2032 = tpu.matmul %convert_element_type3A_2028, %convert_element_type3A_2030, %dot_general3A_2031 {dimension_numbers = #tpu.dot_dimension_numbers<[1], [0], [0], [1], [0, 0, 1, 1], [], []>, transpose_lhs_hint = false} : vector<32x256xbf16>, vector<256x1024xbf16>, vector<32x1024xf32> -> vector<32x1024xf32>
    %add3A_2033 = arith.addf %add3A_2026, %dot_general3A_2032 : vector<32x1024xf32>
    %slice3A_2034 = vector.extract_strided_slice %get3A_2013 {offsets = [0, 768], sizes = [32, 256], strides = [1, 1]} : vector<32x1024xf32> to vector<32x256xf32>
    %convert_element_type3A_2035 = arith.truncf %slice3A_2034 : vector<32x256xf32> to vector<32x256xbf16>
    %slice3A_2036 = vector.extract_strided_slice %get3A_1 {offsets = [768, 0], sizes = [256, 1024], strides = [1, 1]} : vector<1024x1024xf32> to vector<256x1024xf32>
    %convert_element_type3A_2037 = arith.truncf %slice3A_2036 : vector<256x1024xf32> to vector<256x1024xbf16>
    %dot_general3A_2038 = arith.constant dense<0.000000e+00> : vector<32x1024xf32>
    %dot_general3A_2039 = tpu.matmul %convert_element_type3A_2035, %convert_element_type3A_2037, %dot_general3A_2038 {dimension_numbers = #tpu.dot_dimension_numbers<[1], [0], [0], [1], [0, 0, 1, 1], [], []>, transpose_lhs_hint = false} : vector<32x256xbf16>, vector<256x1024xbf16>, vector<32x1024xf32> -> vector<32x1024xf32>
    %add3A_2040 = arith.addf %add3A_2033, %dot_general3A_2039 : vector<32x1024xf32>
    %add3A_2041 = vector.broadcast %get3A_4 : vector<1x1024xf32> to vector<32x1024xf32>
    %add3A_2042 = arith.addf %add3A_2040, %add3A_2041 : vector<32x1024xf32>
    %tanh3A_2043 = math.tanh %add3A_2042 : vector<32x1024xf32>
    %get3A_2044 = arith.constant 31 : index
    %get3A_2045 = arith.constant 0 : index
    %get3A_2046 = arith.constant 0 : index
    %get3A_2047 = vector.load %arg3[%get3A_2044, %get3A_2045, %get3A_2046] : memref<32x32x1xf32, #tpu.memory_space<vmem>>, vector<1x32x1xf32>
    %get3A_2048 = vector.shape_cast %get3A_2047 : vector<1x32x1xf32> to vector<32x1xf32>
    %mul3A_2049 = vector.broadcast %get3A_2048 : vector<32x1xf32> to vector<32x1024xf32>
    %mul3A_2050 = arith.mulf %tanh3A_2043, %mul3A_2049 : vector<32x1024xf32>
    %reduce_sum3A_2051 = arith.constant dense<0.000000e+00> : vector<1024xf32>
    %reduce_sum3A_2052 = vector.multi_reduction <add>, %mul3A_2050, %reduce_sum3A_2051 [0] : vector<32x1024xf32> to vector<1024xf32>
    %broadcast_in_dim3A_2053 = vector.shape_cast %reduce_sum3A_2052 : vector<1024xf32> to vector<1x1024xf32>
    %get3A_2054 = arith.constant 31 : index
    %get3A_2055 = arith.constant 0 : index
    %get3A_2056 = arith.constant 0 : index
    %get3A_2057 = vector.load %arg3[%get3A_2054, %get3A_2055, %get3A_2056] : memref<32x32x1xf32, #tpu.memory_space<vmem>>, vector<1x32x1xf32>
    %get3A_2058 = vector.shape_cast %get3A_2057 : vector<1x32x1xf32> to vector<32x1xf32>
    %reduce_sum3A_2059 = vector.shape_cast %get3A_2058 : vector<32x1xf32> to vector<1x32x1xf32>
    %reduce_sum3A_2060 = arith.constant dense<0.000000e+00> : vector<1xf32>
    %reduce_sum3A_2061 = vector.multi_reduction <add>, %reduce_sum3A_2059, %reduce_sum3A_2060 [1, 2] : vector<1x32x1xf32> to vector<1xf32>
    %reduce_sum3A_2062 = vector.shape_cast %reduce_sum3A_2061 : vector<1xf32> to vector<1x1x1xf32>
    %reduce_sum3A_2063 = vector.extract %reduce_sum3A_2062[0, 0, 0] : f32 from vector<1x1x1xf32>
    %max3A_2064 = arith.constant 1.000000e+00 : f32
    %max3A_2065 = arith.maximumf %reduce_sum3A_2063, %max3A_2064 : f32
    %div3A_2066 = vector.broadcast %max3A_2065 : f32 to vector<1x1024xf32>
    %div3A_2067 = arith.divf %broadcast_in_dim3A_2053, %div3A_2066 : vector<1x1024xf32>
    %swap3A_2068 = arith.constant 31 : index
    %swap3A_2069 = arith.constant 0 : index
    %swap3A_2070 = arith.constant 0 : index
    %swap3A_2071 = vector.load %arg4[%swap3A_2068, %swap3A_2069, %swap3A_2070] : memref<32x1x1024xf32, #tpu.memory_space<vmem>>, vector<1x1x1024xf32>
    %swap3A_2072 = vector.shape_cast %swap3A_2071 : vector<1x1x1024xf32> to vector<1x1024xf32>
    %swap3A_2073 = vector.shape_cast %div3A_2067 : vector<1x1024xf32> to vector<1x1x1024xf32>
    tpu.vector_store %arg4[%swap3A_2068, %swap3A_2069, %swap3A_2070], %swap3A_2073 {strides = array<i32>} : memref<32x1x1024xf32, #tpu.memory_space<vmem>>, vector<1x1x1024xf32>,
    return
  }
}

module attributes {stable_mosaic.version = 14 : i64} {
  func.func @_head_body(%arg0: memref<1024x1024xf32, #tpu.memory_space<vmem>>, %arg1: memref<1024x1xf32, #tpu.memory_space<vmem>>, %arg2: memref<1024x128xf32, #tpu.memory_space<vmem>>, %arg3: memref<1x128xf32, #tpu.memory_space<vmem>>, %arg4: memref<1024x1xf32, #tpu.memory_space<vmem>>, %arg5: memref<1024x1xf32, #tpu.memory_space<vmem>>, %arg6: memref<1024x1xf32, #tpu.memory_space<vmem>>) attributes {dimension_semantics = [], scalar_prefetch = 0 : i64, scratch_operands = 0 : i64, tpu.core_type = #tpu.core_type<tc>} {
    %get3A = arith.constant 0 : index
    %get3A_0 = arith.constant 0 : index
    %get3A_1 = vector.load %arg0[%get3A, %get3A_0] : memref<1024x1024xf32, #tpu.memory_space<vmem>>, vector<1024x1024xf32>
    %get3A_2 = arith.constant 0 : index
    %get3A_3 = arith.constant 0 : index
    %get3A_4 = vector.load %arg2[%get3A_2, %get3A_3] : memref<1024x128xf32, #tpu.memory_space<vmem>>, vector<1024x128xf32>
    %slice3A = vector.extract_strided_slice %get3A_1 {offsets = [0, 0], sizes = [1024, 256], strides = [1, 1]} : vector<1024x1024xf32> to vector<1024x256xf32>
    %convert_element_type3A = arith.truncf %slice3A : vector<1024x256xf32> to vector<1024x256xbf16>
    %slice3A_5 = vector.extract_strided_slice %get3A_4 {offsets = [0, 0], sizes = [256, 128], strides = [1, 1]} : vector<1024x128xf32> to vector<256x128xf32>
    %convert_element_type3A_6 = arith.truncf %slice3A_5 : vector<256x128xf32> to vector<256x128xbf16>
    %dot_general3A = arith.constant dense<0.000000e+00> : vector<1024x128xf32>
    %dot_general3A_7 = tpu.matmul %convert_element_type3A, %convert_element_type3A_6, %dot_general3A {dimension_numbers = #tpu.dot_dimension_numbers<[1], [0], [0], [1], [0, 0, 1, 1], [], []>, transpose_lhs_hint = false} : vector<1024x256xbf16>, vector<256x128xbf16>, vector<1024x128xf32> -> vector<1024x128xf32>
    %slice3A_8 = vector.extract_strided_slice %get3A_1 {offsets = [0, 256], sizes = [1024, 256], strides = [1, 1]} : vector<1024x1024xf32> to vector<1024x256xf32>
    %convert_element_type3A_9 = arith.truncf %slice3A_8 : vector<1024x256xf32> to vector<1024x256xbf16>
    %slice3A_10 = vector.extract_strided_slice %get3A_4 {offsets = [256, 0], sizes = [256, 128], strides = [1, 1]} : vector<1024x128xf32> to vector<256x128xf32>
    %convert_element_type3A_11 = arith.truncf %slice3A_10 : vector<256x128xf32> to vector<256x128xbf16>
    %dot_general3A_12 = arith.constant dense<0.000000e+00> : vector<1024x128xf32>
    %dot_general3A_13 = tpu.matmul %convert_element_type3A_9, %convert_element_type3A_11, %dot_general3A_12 {dimension_numbers = #tpu.dot_dimension_numbers<[1], [0], [0], [1], [0, 0, 1, 1], [], []>, transpose_lhs_hint = false} : vector<1024x256xbf16>, vector<256x128xbf16>, vector<1024x128xf32> -> vector<1024x128xf32>
    %add3A = arith.addf %dot_general3A_7, %dot_general3A_13 : vector<1024x128xf32>
    %slice3A_14 = vector.extract_strided_slice %get3A_1 {offsets = [0, 512], sizes = [1024, 256], strides = [1, 1]} : vector<1024x1024xf32> to vector<1024x256xf32>
    %convert_element_type3A_15 = arith.truncf %slice3A_14 : vector<1024x256xf32> to vector<1024x256xbf16>
    %slice3A_16 = vector.extract_strided_slice %get3A_4 {offsets = [512, 0], sizes = [256, 128], strides = [1, 1]} : vector<1024x128xf32> to vector<256x128xf32>
    %convert_element_type3A_17 = arith.truncf %slice3A_16 : vector<256x128xf32> to vector<256x128xbf16>
    %dot_general3A_18 = arith.constant dense<0.000000e+00> : vector<1024x128xf32>
    %dot_general3A_19 = tpu.matmul %convert_element_type3A_15, %convert_element_type3A_17, %dot_general3A_18 {dimension_numbers = #tpu.dot_dimension_numbers<[1], [0], [0], [1], [0, 0, 1, 1], [], []>, transpose_lhs_hint = false} : vector<1024x256xbf16>, vector<256x128xbf16>, vector<1024x128xf32> -> vector<1024x128xf32>
    %add3A_20 = arith.addf %add3A, %dot_general3A_19 : vector<1024x128xf32>
    %slice3A_21 = vector.extract_strided_slice %get3A_1 {offsets = [0, 768], sizes = [1024, 256], strides = [1, 1]} : vector<1024x1024xf32> to vector<1024x256xf32>
    %convert_element_type3A_22 = arith.truncf %slice3A_21 : vector<1024x256xf32> to vector<1024x256xbf16>
    %slice3A_23 = vector.extract_strided_slice %get3A_4 {offsets = [768, 0], sizes = [256, 128], strides = [1, 1]} : vector<1024x128xf32> to vector<256x128xf32>
    %convert_element_type3A_24 = arith.truncf %slice3A_23 : vector<256x128xf32> to vector<256x128xbf16>
    %dot_general3A_25 = arith.constant dense<0.000000e+00> : vector<1024x128xf32>
    %dot_general3A_26 = tpu.matmul %convert_element_type3A_22, %convert_element_type3A_24, %dot_general3A_25 {dimension_numbers = #tpu.dot_dimension_numbers<[1], [0], [0], [1], [0, 0, 1, 1], [], []>, transpose_lhs_hint = false} : vector<1024x256xbf16>, vector<256x128xbf16>, vector<1024x128xf32> -> vector<1024x128xf32>
    %add3A_27 = arith.addf %add3A_20, %dot_general3A_26 : vector<1024x128xf32>
    %get3A_28 = arith.constant 0 : index
    %get3A_29 = arith.constant 0 : index
    %get3A_30 = vector.load %arg3[%get3A_28, %get3A_29] : memref<1x128xf32, #tpu.memory_space<vmem>>, vector<1x128xf32>
    %add3A_31 = vector.broadcast %get3A_30 : vector<1x128xf32> to vector<1024x128xf32>
    %add3A_32 = arith.addf %add3A_27, %add3A_31 : vector<1024x128xf32>
    %slice3A_33 = vector.extract_strided_slice %add3A_32 {offsets = [0, 0], sizes = [1024, 2], strides = [1, 1]} : vector<1024x128xf32> to vector<1024x2xf32>
    %tanh3A = math.tanh %slice3A_33 : vector<1024x2xf32>
    %mul3A = arith.constant 5.000000e-01 : f32
    %mul3A_34 = vector.broadcast %mul3A : f32 to vector<1024x2xf32>
    %mul3A_35 = arith.mulf %tanh3A, %mul3A_34 : vector<1024x2xf32>
    %get3A_36 = arith.constant 0 : index
    %get3A_37 = arith.constant 0 : index
    %get3A_38 = vector.load %arg1[%get3A_36, %get3A_37] : memref<1024x1xf32, #tpu.memory_space<vmem>>, vector<1024x1xf32>
    %sub3A = arith.constant 5.000000e-02 : f32
    %sub3A_39 = vector.broadcast %sub3A : f32 to vector<1024x1xf32>
    %sub3A_40 = arith.subf %get3A_38, %sub3A_39 : vector<1024x1xf32>
    %slice3A_41 = vector.extract_strided_slice %mul3A_35 {offsets = [0, 0], sizes = [1024, 1], strides = [1, 1]} : vector<1024x2xf32> to vector<1024x1xf32>
    %add3A_42 = arith.addf %sub3A_40, %slice3A_41 : vector<1024x1xf32>
    %jit3A = arith.constant 0.000000e+00 : f32
    %jit3A_43 = arith.constant 1.000000e+00 : f32
    %max3A = vector.broadcast %jit3A : f32 to vector<1024x1xf32>
    %max3A_44 = arith.maximumf %max3A, %add3A_42 : vector<1024x1xf32>
    %min3A = vector.broadcast %jit3A_43 : f32 to vector<1024x1xf32>
    %min3A_45 = arith.minimumf %min3A, %max3A_44 : vector<1024x1xf32>
    %swap3A = arith.constant 0 : index
    %swap3A_46 = arith.constant 0 : index
    %swap3A_47 = vector.load %arg4[%swap3A, %swap3A_46] : memref<1024x1xf32, #tpu.memory_space<vmem>>, vector<1024x1xf32>
    tpu.vector_store %arg4[%swap3A, %swap3A_46], %min3A_45 {strides = array<i32>} : memref<1024x1xf32, #tpu.memory_space<vmem>>, vector<1024x1xf32>,
    %add3A_48 = arith.constant 5.000000e-02 : f32
    %add3A_49 = vector.broadcast %add3A_48 : f32 to vector<1024x1xf32>
    %add3A_50 = arith.addf %get3A_38, %add3A_49 : vector<1024x1xf32>
    %slice3A_51 = vector.extract_strided_slice %mul3A_35 {offsets = [0, 1], sizes = [1024, 1], strides = [1, 1]} : vector<1024x2xf32> to vector<1024x1xf32>
    %add3A_52 = arith.addf %add3A_50, %slice3A_51 : vector<1024x1xf32>
    %jit3A_53 = arith.constant 0.000000e+00 : f32
    %jit3A_54 = arith.constant 1.000000e+00 : f32
    %max3A_55 = vector.broadcast %jit3A_53 : f32 to vector<1024x1xf32>
    %max3A_56 = arith.maximumf %max3A_55, %add3A_52 : vector<1024x1xf32>
    %min3A_57 = vector.broadcast %jit3A_54 : f32 to vector<1024x1xf32>
    %min3A_58 = arith.minimumf %min3A_57, %max3A_56 : vector<1024x1xf32>
    %swap3A_59 = arith.constant 0 : index
    %swap3A_60 = arith.constant 0 : index
    %swap3A_61 = vector.load %arg5[%swap3A_59, %swap3A_60] : memref<1024x1xf32, #tpu.memory_space<vmem>>, vector<1024x1xf32>
    tpu.vector_store %arg5[%swap3A_59, %swap3A_60], %min3A_58 {strides = array<i32>} : memref<1024x1xf32, #tpu.memory_space<vmem>>, vector<1024x1xf32>,
    %slice3A_62 = vector.extract_strided_slice %add3A_32 {offsets = [0, 2], sizes = [1024, 1], strides = [1, 1]} : vector<1024x128xf32> to vector<1024x1xf32>
    %swap3A_63 = arith.constant 0 : index
    %swap3A_64 = arith.constant 0 : index
    %swap3A_65 = vector.load %arg6[%swap3A_63, %swap3A_64] : memref<1024x1xf32, #tpu.memory_space<vmem>>, vector<1024x1xf32>
    tpu.vector_store %arg6[%swap3A_63, %swap3A_64], %slice3A_62 {strides = array<i32>} : memref<1024x1xf32, #tpu.memory_space<vmem>>, vector<1024x1xf32>,
    return
  }
}

</mosaic_0001>

<sc_bundles>
// kernel: kernel.5.cloned.1.call-start
scs
__scs_entry_jumppad:
0x0: {  	(pc) =	sbr.rel $0x88, $3  }
0x1: {  	(tag) =	ssettag $0x0;
	lr =	simm.s32 $0x1  }
0x2: {  	[smem:$0x3F90] =	sst lr;
	_ =	strace $0xD0000000  }
0x3: {  	_ = 	snop  }
0x4: {  	_ = 	snop  }
0x5: {  	_ = 	snop  }
0x6: {  	_ = 	snop  }
0x7: {  	_ = 	snop  }
__scs_overlays_trampoline_lowered:
0x8: {  	[smem:$0x3F9F] =	sst s0  }
0x9: {  	[smem:$0x3FA0] =	sst s1  }
0xa: {  	[smem:$0x3FA1] =	sst s2  }
0xb: {  	[smem:$0x3FA2] =	sst s3  }
0xc: {  	[smem:$0x3FA3] =	sst s4  }
0xd: {  	[smem:$0x3FA4] =	sst s5  }
0xe: {  	[smem:$0x3FA5] =	sst s6  }
0xf: {  	[smem:$0x3FA6] =	sst s7  }
0x10: {  	[smem:$0x3FA7] =	sst s8  }
0x11: {  	[smem:$0x3FA8] =	sst s9;
	s0 =	simm.s32 @!p0 $0x0  }
0x12: {  	s1 =	sld [smem:$0x3F8E];
	s0 =	simm.s32 @p0 $0x1  }
0x13: {  	[smem:$0x3FA9] =	sst s0;
	s0 =	simm.s32 @!p1 $0x0  }
0x14: {  	s2 =	sld [smem:$0x3F8D];
	s0 =	simm.s32 @p1 $0x1  }
0x15: {  	[smem:$0x3FAA] =	sst s0;
	s0 =	simm.s32 @!p2 $0x0  }
0x16: {  	s3 =	sld [smem:$0x3FDB];
	s0 =	simm.s32 @p2 $0x1  }
0x17: {  	s4 =	simm.s32 $0x1BF5;
	[smem:$0x3FAC] =	sst s0  }
0x18: {  	s0 =	sld [smem:$0x3F8F];
	_ =	swait.ge [sflag:s4], $0x0  }
0x19: {  	s7 =	sld [smem:$0x3F90]  }
0x1a: {  	s8 =	sadd.s32 $0xFFFFE003, lr  }
0x1b: {  	s9 =	sadd.s32 $0xFFFFFEF7, lr;
	s5 =	simm.s32 $0xFFFFFFFF;
	p2 =	slt.u32 s8, $0xFFFFF086  }
0x1c: {  	p1 =	slt.u32 s9, $0xF7A;
	s5 =	simm.s32 @!p2 $0x0  }
0x1d: {  	s5 =	simm.s32 @p1 $0x1;
	p0 =	seq.s32 s7, s2  }
0x1e: {  	s7 =	smul.u32 @!p0 $0xF7A, s2;
	p2 =	seq.s32 @!p0 s5, $0x0  }
0x1f: {  	s9 =	smul.u32 $0xF7A, s1;
	s8 =	simm.s32 @!p0 $0x1BF5;
	p2 =	por !p2, p0  }
0x20: {  	[sflag:s8] =	ssyncset.s32 @!p0 $0xFFFFF086;
	s6 =	sadd.s32 @!p0 s3, s7;
	s7 =	simm.s32 @!p0 $0x108  }
0x21: {  	s3 =	sadd.s32 s3, s9;
	s6 =	sadd.s32 @!p0 $0x88, s6;
	s7 =	simm.s32 @p2 $0x1082  }
0x22: {  	[simem:s7], [sflag:s8] =	dma.local @!p0 [hbm:s6], $0xF7A  }
0x23: {  	s9 =	sor.u32 $0xD0000000, s2;
	s6 =	simm.s32 $0x108;
	_ =	swait.ge @!p0 [sflag:s8], $0x0  }
0x24: {  	s3 =	sadd.s32 $0x88, s3;
	s6 =	simm.s32 @!p1 $0x1082;
	[sflag:s4] =	ssyncset.s32 $0xFFFFF086  }
0x25: {  	[simem:s6], [sflag:s4] =	dma.local [hbm:s3], $0xF7A  }
0x26: {  	[smem:$0x3F90] =	sst s1;
	(tag) =	ssettag s2;
	_ =	strace s9  }
0x27: {  	s1 =	sld [smem:$0x3FA0]  }
0x28: {  	s2 =	sld [smem:$0x3FA1]  }
0x29: {  	s4 =	sld [smem:$0x3FA3]  }
0x2a: {  	p0 =	seq.s32 s5, $0x0;
	s5 =	sld [smem:$0x3FA4]  }
0x2b: {  	s6 =	sld [smem:$0x3FA5]  }
0x2c: {  	s7 =	sld [smem:$0x3FA6]  }
0x2d: {  	s3 =	simm.s32 $0x108;
	s8 =	sld [smem:$0x3FA7]  }
0x2e: {  	s3 =	simm.s32 @!p0 $0x1082;
	s9 =	sld [smem:$0x3FA8]  }
0x2f: {  	lr =	sadd.s32 s0, s3;
	s0 =	sld [smem:$0x3F9F]  }
0x30: {  	s3 =	sld [smem:$0x3FA2]  }
0x31: {  	[smem:$0x3FAB] =	sst s10  }
0x32: {  	s10 =	sld [smem:$0x3FA9];
	_ =	sdelay $0x3  }
0x33: {  	p0 =	seq.s32 s10, $0x1;
	s10 =	sld [smem:$0x3FAB];
	_ =	sdelay $0x3  }
0x34: {  	[smem:$0x3FAB] =	sst s10  }
0x35: {  	s10 =	sld [smem:$0x3FAA];
	_ =	sdelay $0x3  }
0x36: {  	p1 =	seq.s32 s10, $0x1;
	s10 =	sld [smem:$0x3FAB];
	_ =	sdelay $0x3  }
0x37: {  	[smem:$0x3FAB] =	sst s10  }
0x38: {  	s10 =	sld [smem:$0x3FAC]  }
0x39: {  	_ = 	snop;
	(pc) =	sbr.ind lr, $3  }
0x3a: {  	_ = 	snop  }
0x3b: {  	_ = 	snop  }
0x3c: {  	p2 =	seq.s32 s10, $0x1;
	s10 =	sld [smem:$0x3FAB]  }
0x3d: {  	_ =	shalt  }
0x3e: {  	_ =	shalt  }
0x3f: {  	_ =	shalt  }
0x40: {  	_ =	shalt  }
0x41: {  	_ =	shalt  }
0x42: {  	_ =	shalt  }
0x43: {  	_ =	shalt  }
0x44: {  	_ =	shalt  }
0x45: {  	_ =	shalt  }
0x46: {  	_ =	shalt  }
0x47: {  	_ =	shalt  }
0x48: {  	_ =	shalt  }
0x49: {  	_ =	shalt  }
0x4a: {  	_ =	shalt  }
0x4b: {  	_ =	shalt  }
0x4c: {  	_ =	shalt  }
0x4d: {  	_ =	shalt  }
0x4e: {  	_ =	shalt  }
0x4f: {  	_ =	shalt  }
0x50: {  	_ =	shalt  }
0x51: {  	_ =	shalt  }
0x52: {  	_ =	shalt  }
0x53: {  	_ =	shalt  }
0x54: {  	_ =	shalt  }
0x55: {  	_ =	shalt  }
0x56: {  	_ =	shalt  }
0x57: {  	_ =	shalt  }
0x58: {  	_ =	shalt  }
0x59: {  	_ =	shalt  }
0x5a: {  	_ =	shalt  }
0x5b: {  	_ =	shalt  }
0x5c: {  	_ =	shalt  }
0x5d: {  	_ =	shalt  }
0x5e: {  	_ =	shalt  }
0x5f: {  	_ =	shalt  }
0x60: {  	_ =	shalt  }
0x61: {  	_ =	shalt  }
0x62: {  	_ =	shalt  }
0x63: {  	_ =	shalt  }
0x64: {  	_ =	shalt  }
0x65: {  	_ =	shalt  }
0x66: {  	_ =	shalt  }
0x67: {  	_ =	shalt  }
0x68: {  	_ =	shalt  }
0x69: {  	_ =	shalt  }
0x6a: {  	_ =	shalt  }
0x6b: {  	_ =	shalt  }
0x6c: {  	_ =	shalt  }
0x6d: {  	_ =	shalt  }
0x6e: {  	_ =	shalt  }
0x6f: {  	_ =	shalt  }
0x70: {  	_ =	shalt  }
0x71: {  	_ =	shalt  }
0x72: {  	_ =	shalt  }
0x73: {  	_ =	shalt  }
0x74: {  	_ =	shalt  }
0x75: {  	_ =	shalt  }
0x76: {  	_ =	shalt  }
0x77: {  	_ =	shalt  }
0x78: {  	_ =	shalt  }
0x79: {  	_ =	shalt  }
0x7a: {  	_ =	shalt  }
0x7b: {  	_ =	shalt  }
0x7c: {  	_ =	shalt  }
0x7d: {  	_ =	shalt  }
0x7e: {  	_ =	shalt  }
0x7f: {  	_ =	shalt  }
0x80: {  	_ =	shalt  }
0x81: {  	_ =	shalt  }
0x82: {  	_ =	shalt  }
0x83: {  	_ =	shalt  }
0x84: {  	_ =	shalt  }
0x85: {  	_ =	shalt  }
0x86: {  	_ =	shalt  }
0x87: {  	_ =	shalt  }
.Lfunc_end0:
.L_simem_size_0:
called_computation_lowered:
.L_overlay_start_0:
0x88: {  	s2 =	sld [smem:$0x3FD9]  }
0x89: {  	s3 =	sld [smem:$0x3FFE];
	_ =	sdelay $0x1  }
0x8a: {  	s1 =	srdreg.scid  }
0x8b: {  	s0 =	sand.u32 $0x1, s1  }
0x8c: {  	s17 =	sshll.u32 s0, $0xA;
	s2 =	sadd.s32 s3, s2  }
0x8d: {  	s2 =	sadd.s32 s2, s17  }
0x8e: {  	[smem:$0x3FB7] =	sst s2  }
0x8f: {  	_ = 	snop  }
0x90: {  	s2 =	sld [smem:$0x3FD0];
	(tm) =	ssettm $0x1  }
0x91: {  	s18 =	sld [smem:$0x3FFB];
	_ =	sdelay $0x3  }
0x92: {  	_ =	strace s18  }
0x93: {  	s3 =	sld [smem:$0x3FFC];
	_ =	sdelay $0x3  }
0x94: {  	_ =	strace s3  }
0x95: {  	s3 =	sld [smem:$0x3FFD];
	_ =	sdelay $0x3  }
0x96: {  	_ =	strace s3  }
0x97: {  	_ =	strace $0x8FFFFFFF  }
0x98: {  	s19 =	sld [smem:$0x3FDB];
	_ =	sdelay $0x1  }
0x99: {  	s4 =	simm.s32 $_scs_section_size  }
0x9a: {  	s5 =	simm.s32 $_size__tile_overlayer_lowered;
	s6 =	simm.s32 $_tile_overlayer_lowered  }
0x9b: {  	s22 =	simm.s32 $0x1BFF;
	s21 =	sshll.u32 s6, $0x1;
	s3 =	sadd.s32 s4, s19  }
0x9c: {  	s7 =	simm.s32 $0x0;
	s20 =	sshll.u32 s5, $0x1;
	s5 =	sadd.s32 s21, s3  }
0x9d: {  	[timem:s7], [sflag:s22] =	dma.local [hbm:s5], s20  }
0x9e: {  	_ =	swait.ge [sflag:s22], s20  }
0x9f: {  	s4 =	ssub.s32 $0x0, s20;
	[sflag:s22] =	ssyncset.done $0x0  }
0xa0: {  	[sflag:s22] =	ssyncadd.s32 s4;
	_ =	sdelay $0x1  }
0xa1: {  	s23 =	simm.s32 $0x1B8B  }
0xa2: {  	_ =	swait.ge [sflag:s23], $0x1  }
0xa3: {  	[sflag:s23] =	ssyncset.done $0x0  }
0xa4: {  	s25 =	simm.s32 $0x1B8E;
	s24 =	sld [smem:$0x3FFE];
	[sflag:s23] =	ssyncadd.s32 $0xFFFFFFFF  }
0xa5: {  	s26 =	simm.s32 $execute0_lowered;
	[smem:$0x3FD2] =	sst s25  }
0xa6: {  	s5 =	sshll.u32 s26, $0x1;
	_ =	strace $0x80000046;
	[dreg:$0x1] =	wrdreg $0xFFFFFFFF  }
0xa7: {  	s28 =	simm.s32 $_size_execute0_lowered;
	s3 =	sadd.s32 s3, s5;
	[dreg:$0x0] =	wrdreg $0x0  }
0xa8: {  	s5 =	sshll.u32 s28, $0x1;
	[dreg:$0x2] =	wrdreg s3  }
0xa9: {  	[dreg:$0x3] =	wrdreg s5  }
0xaa: {  	[dreg:$0x4] =	wrdreg $0xC0  }
0xab: {  	_ =	task [dreg:s7], $0x5FFFF  }
0xac: {  	[dreg:$0x1] =	wrdreg $0xFFFFFFFF  }
0xad: {  	[dreg:$0x0] =	wrdreg $0x60  }
0xae: {  	[dreg:$0x2] =	wrdreg s24  }
0xaf: {  	[dreg:$0x3] =	wrdreg s2  }
0xb0: {  	[dreg:$0x4] =	wrdreg $0x9  }
0xb1: {  	_ =	task.clear_ibuf [dreg:s7], $0x5FFFF;
	_ =	strace $0x90000046  }
0xb2: {  	s29 =	simm.s32 $0x9;
	_ =	strace $0x80000048  }
0xb3: {  	_ =	swait.ge [sflag:s29], $0x1  }
0xb4: {  	[sflag:s29] =	ssyncadd.s32 $0xFFFFFFFF  }
0xb5: {  	_ =	strace $0x90000048  }
0xb6: {  	_ =	sfence  }
0xb7: {  	s30 =	sld [smem:$0x0];
	_ =	sdelay $0x2  }
0xb8: {  	s31 =	sshll.u32 s1, $0xD;
	s1 =	sshrl.u32 s1, $0x2  }
0xb9: {  	s3 =	sand.u32 $0x4000, s31;
	s1 =	sadd.s32 s1, s30  }
0xba: {  	s0 =	sor.u32 s3, s0;
	s1 =	sshll.u32 s1, $0x11  }
0xbb: {  	s0 =	sor.u32 s1, s0  }
0xbc: {  	s0 =	sadd.s32 $0x8F2B, s0  }
0xbd: {  	[sflag:s0] =	ssyncadd.remote.s32 $0x1  }
0xbe: {  	_ =	sfence.sel $0xFFFF  }
0xbf: {  	[dreg:$0x0] =	wrdreg $0xFFFFFFFF;
	(pc) =	sbr.abs _section_cstart, $3  }
0xc0: {  	[dreg:$0x1] =	wrdreg $0xFFFFFFFF  }
0xc1: {  	_ =	task.clear_ibuf [dreg:s7], $0x2FFFF;
	_ =	strace $0x9FFFFFFF  }
0xc2: {  	(tm) =	ssettm $0x7FFFFFFF  }
0xc3: {  	_ =	shalt  }
tec
execute0_lowered:
.L_overlay_start_1:
0x0: {  	(tag) =	ssettag $0x1  }
0x1: {  	s0 =	srdreg.scid;
	s1 =	rddreg [dreg:$0x0]  }
0x2: {  	s3 =	stileid.u32;
	s5 =	rddreg [dreg:$0x1]  }
0x3: {  	v1 =	vimm.s32 $0x76543210;
	s12 =	simm.s32 $0x400;
	s13 =	simm.s32 $0x2;
	s14 =	simm.s32 $0x500  }
0x4: {  	v2 =	vimm.s32 $0xFEDCBA98;
	s17 =	simm.s32 $0x1D00;
	s18 =	simm.s32 $0x2500;
	s19 =	simm.s32 $0x2D00  }
0x5: {  	v3 =	vimm.s32 $0xBA98FEDC;
	s20 =	simm.s32 $0x3500;
	s21 =	simm.s32 $0x3D00;
	s22 =	simm.s32 $0x4500  }
0x6: {  	v4 =	vimm.s32 $0x32107654;
	s23 =	simm.s32 $0x4D00;
	s28 =	simm.s32 $0x6D00;
	s29 =	simm.s32 $0x7500  }
0x7: {  	v5 =	vimm.s32 $0xDCFE98BA;
	v6 =	vimm.s32 $0x54761032;
	s30 =	simm.s32 $0x7D00;
	s0 =	sand.u32 $0x1, s0;
	s2 =	sshll.u32 s3, $0x1  }
0x8: {  	v7 =	vimm.s32 $0xEFCDAB89;
	v8 =	vimm.s32 $0x67452301;
	vm0 =	vmmov $0xffff;
	s31 =	simm.s32 $0x1;
	s6 =	sshrl.u32 s3, $0x2;
	s4 =	sor.u32 s0, s2  }
0x9: {  	v1 =	vunpack.c.l.s4.s8 v1;
	v2 =	vunpack.c.l.s4.s8 v2;
	v3 =	vunpack.c.l.s4.s8 v3;
	s2 =	simm.s32 $0x0;
	s25 =	sshll.u32 s6, $0xD;
	s0 =	ssub.s32 $0x2, s0  }
0xa: {  	v4 =	vunpack.c.l.s4.s8 v4;
	v5 =	vunpack.c.l.s4.s8 v5;
	v6 =	vunpack.c.l.s4.s8 v6;
	s6 =	sshll.u32 s6, $0xA;
	s24 =	sshll.u32 s4, $0x7;
	[smem:$0x7FF] =	sst s2  }
0xb: {  	v7 =	vunpack.c.l.s4.s8 v7;
	v8 =	vunpack.c.l.s4.s8 v8;
	s8 =	sshll.u32 s4, $0xA;
	s4 =	sshll.u32 s4, $0xC;
	s26 =	sshrl.u32 s0, $0x1;
	v3 =	vunpack.c.0.s8.s32 v3  }
0xc: {  	v4 =	vunpack.c.0.s8.s32 v4;
	v5 =	vunpack.c.0.s8.s32 v5;
	v6 =	vunpack.c.0.s8.s32 v6;
	s7 =	sand.u32 $0x380, s24;
	_ =	strace $0x80000047;
	s10 =	sadd.s32 s4, s1  }
0xd: {  	v2 =	vunpack.c.0.s8.s32 v2;
	v7 =	vunpack.c.0.s8.s32 v7;
	v0 =	vmov s8;
	s0 =	ssub.s32 s0, s26;
	s8 =	sadd.s32 $0x1700, s1;
	s24 =	simm.s32 $0x5500  }
0xe: {  	v8 =	vunpack.c.0.s8.s32 v8;
	v9 =	vunpack.c.0.s8.s32 v1;
	v1 =	vlaneseq.u32;
	s26 =	simm.s32 $0x6500;
	s3 =	sor.u32 s25, s7;
	s6 =	sor.u32 s6, s7  }
0xf: {  	s7 =	sadd.s32 $0x1600, s1;
	v3 =	vcombine.low v4, v3;
	v4 =	vcombine.low v6, v5;
	v2 =	vand.u32 $0xF, v2;
	s25 =	simm.s32 $0x5D00;
	s3 =	sshrl.u32 s3, $0x3  }
0x10: {  	v5 =	vcombine.low v8, v7;
	v6 =	vand.u32 $0x7, v1;
	v7 =	vshrl.u32 v1, $0x3;
	s6 =	sshrl.u32 s6, $0x3;
	s9 =	sadd.s32 s3, s1;
	s3 =	sadd.s32 $0x1400, s1  }
0x11: {  	v8 =	vor.u32 $0x8, v1;
	v2 =	vcombine.low v2, v9;
	v7 =	vmul.u32 $0x8, v7;
	s5 =	sadd.s32 s5, s6;
	s6 =	sadd.s32 $0x1500, s1;
	s1 =	simm.s32 $0x0  }
0x12: {  	v3 =	vand.u32 $0xF, v3;
	v4 =	vand.u32 $0xF, v4;
	v5 =	vand.u32 $0xF, v5;
	s4 =	sadd.s32 $0x401400, s9;
	s9 =	sadd.s32 $0x402400, s10;
	s10 =	smax.u32 s0, $0x1  }
.LBB2_1:
0x13: {  	s0 =	simm.s32 $0x80  }
0x14: {  	[tilespmem:s2], [sflag:$0x2] =	stream.strided.gather [hbm4b:s4+s0], $0x400, s12, s0, $0x38;
	[tilespmem:$0x8500] =	vst v63  }
0x15: {  	_ =	swait.ge [sflag:s13], $0x400  }
0x16: {  	v10 =	vimm.f32 $0.0e+00;
	v9 =	vimm.s32 $0x0;
	[sflag:s13] =	ssyncset.done $0x0  }
0x17: {  	v13 =	vimm.s32 $0xFFFFFFFF;
	v11 =	vimm.s32 $0x0;
	v12 =	vimm.f32 $0.0e+00;
	s0 =	simm.s32 $0x0;
	[sflag:s13] =	ssyncadd.s32 $0xFFFFFC00  }
.LBB2_2:
0x18: {  	s16 =	simm.s32 $0x0  }
0x19: {  	v15 =	vld [tilespmem:s16+$0x0];
	_ =	sdelay $0x2  }
0x1a: {  	v14 =	vor.u32 s16, v1  }
0x1b: {  	vm1 =	veq.s32 v14, v13  }
0x1c: {  	v16 =	vimm.f32 $-3.000000010e+38;
	v17 =	vsel vm1, $0xFF61B1E6, v15  }
0x1d: {  	s11 =	simm.s32 $0x10;
	s15 =	simm.s32 $0x20;
	v15 =	vimm.s32 $0x0;
	[tilespmem:s16+$0x0] =	vst v17;
	vm1 =	vgt.f32 v17, v16;
	s16 =	simm.s32 $0x10  }
.LBB2_3:
0x1e: {  	p0 =	sne.s32 s15, $0x3F0;
	v18 =	vld [tilespmem:s11+$0x0];
	v16 =	vsel vm1, v17, v16;
	v15 =	vsel vm1, v14, v15;
	_ =	sdelay $0x1  }
.Ltmp0:
0x1f: {  	(pc) =	sbr.rel @p0 .LBB2_3-.Ltmp0, $4  }
0x20: {  	v14 =	vor.u32 s16, v1;
	s16 =	smov.u32 s15  }
0x21: {  	vm1 =	veq.s32 v14, v13  }
0x22: {  	v17 =	vsel vm1, $0xFF61B1E6, v18  }
0x23: {  	s15 =	sadd.s32 $0x10, s15;
	[tilespmem:s11+$0x0] =	vst v17;
	vm1 =	vgt.f32 v17, v16;
	s11 =	sadd.s32 $0x10, s11  }
0x24: {  	v18 =	vld [tilespmem:s11+$0x0];
	_ =	sdelay $0x2  }
0x25: {  	v19 =	vor.u32 s16, v1  }
0x26: {  	vm2 =	veq.s32 v19, v13  }
0x27: {  	v13 =	vsel vm1, v17, v16;
	v59 =	vsel vm2, $0xFF61B1E6, v18  }
0x28: {  	vm2 =	vgt.f32 v59, v13  }
0x29: {  	v13 =	vsel vm2, v59, v13  }
0x2a: {  	v60 =	vperm.xlane v13, v2;
	_ =	sdelay $0x1  }
0x2b: {  	v17 =	vmax.f32 v13, v60  }
0x2c: {  	v61 =	vperm.xlane v17, v3;
	_ =	sdelay $0x1  }
0x2d: {  	v17 =	vmax.f32 v17, v61  }
0x2e: {  	v18 =	vperm.xlane v17, v4;
	_ =	sdelay $0x1  }
0x2f: {  	v17 =	vmax.f32 v17, v18  }
0x30: {  	v18 =	vperm.xlane v17, v5;
	_ =	sdelay $0x1  }
0x31: {  	v14 =	vsel vm1, v14, v15;
	v15 =	vmax.f32 v17, v18  }
0x32: {  	v14 =	vsel vm2, v19, v14;
	vm1 =	veq.f32 v13, v15  }
0x33: {  	v13 =	vnsel vm1, $0x40000000, v14  }
0x34: {  	v14 =	vperm.xlane v13, v2;
	_ =	sdelay $0x1  }
0x35: {  	vm1 =	vlt.s32 v13, v14  }
0x36: {  	v13 =	vsel vm1, v13, v14  }
0x37: {  	v14 =	vperm.xlane v13, v3;
	_ =	sdelay $0x1  }
0x38: {  	vm1 =	vlt.s32 v13, v14  }
0x39: {  	v13 =	vsel vm1, v13, v14  }
0x3a: {  	v14 =	vperm.xlane v13, v4;
	_ =	sdelay $0x1  }
0x3b: {  	vm1 =	vlt.s32 v13, v14  }
0x3c: {  	v13 =	vsel vm1, v13, v14  }
0x3d: {  	v14 =	vperm.xlane v13, v5;
	_ =	sdelay $0x1  }
0x3e: {  	vm1 =	vlt.s32 v13, v14  }
0x3f: {  	v13 =	vsel vm1, v13, v14  }
0x40: {  	v14 =	vcvt.s32.f32 v13;
	_ =	sdelay $0x1  }
0x41: {  	v14 =	vmul.f32 $9.765625000e-04, v14;
	_ =	sdelay $0x1  }
0x42: {  	v15 =	vmul.f32 $1.023000000e+03, v14  }
0x43: {  	p0 =	slt.u32 s0, $0x10;
	s15 =	smov.u32 s0;
	s16 =	sadd.s32 $0xFFFFFFF0, s0  }
0x44: {  	s15 =	simm.s32 @!p0 $0x3E7;
	p0 =	sgt.u32 s0, $0xF;
	s0 =	sadd.s32 $0x1, s0;
	v15 =	vadd.f32 $5.000000000e-01, v15  }
0x45: {  	s16 =	simm.s32 @!p0 $0x3E7;
	p0 =	sne.s32 s0, $0x20  }
.Ltmp1:
0x46: {  	v15 =	vtrunc.f32 v15;
	(pc) =	sbr.rel @p0 .LBB2_2-.Ltmp1, $4  }
0x47: {  	v62 =	vmov s15;
	v15 =	vcvt.f32.s32 v15  }
0x48: {  	v63 =	vmov s16;
	vm1 =	veq.s32 v62, v1  }
0x49: {  	vm2 =	veq.s32 v63, v1;
	v12 =	vsel vm1, v14, v12;
	v15 =	vadd.s32 v15, v0  }
0x4a: {  	[tilespmem:s11+$0x0] =	vst v59;
	v10 =	vsel vm2, v14, v10;
	v11 =	vsel vm1, v15, v11;
	v9 =	vsel vm2, v15, v9  }
0x4b: {  	[tilespmem:$0x400] =	vst v12  }
0x4c: {  	[tilespmem:$0x410] =	vst v10  }
0x4d: {  	[tilespmem:$0x480] =	vst v11  }
0x4e: {  	[tilespmem:$0x490] =	vst v9  }
0x4f: {  	[hbm4b:s5+s2] =	stream.linear.scatter [tilespmem:s12], [sflag:$0x2], $0x80, $0x38;
	[tilespmem:$0x8500] =	vst v63  }
0x50: {  	_ =	swait.ge [sflag:s13], $0x80  }
0x51: {  	[sflag:s13] =	ssyncset.done $0x0  }
0x52: {  	[sflag:s13] =	ssyncadd.s32 $0xFFFFFF80  }
0x53: {  	v9 =	vld [tilespmem:$0x480];
	_ =	sdelay $0x4  }
0x54: {  	v10 =	vshll.u32 v9, $0x3  }
0x55: {  	v9 =	vand.u32 $0x7, v9;
	v10 =	vand.u32 $0xFFFFFFC0, v10  }
0x56: {  	v9 =	vor.u32 v9, v10  }
0x57: {  	v10 =	vperm.xlane v9, v6;
	_ =	sdelay $0x1  }
0x58: {  	v10 =	vadd.s32 v7, v10;
	_ =	sdelay $0x4  }
0x59: {  	[tilespmem:s14], [sflag:$0x1] =	stream.indirect_vreg.gather [hbm4b:s3+s2], $0x80, v10, vm0, $0xb8;
	[tilespmem:$0x8500] =	vst v63  }
0x5a: {  	s0 =	simm.s32 $0xD00;
	v9 =	vperm.xlane v9, v8  }
0x5b: {  	[tilespmem:s0], [sflag:$0x1] =	stream.indirect_vreg.gather [hbm4b:s6+s2], $0x80, v10, vm0, $0xb8;
	[tilespmem:$0x8500] =	vst v63  }
0x5c: {  	s16 =	simm.s32 $0x1500;
	v9 =	vadd.s32 v7, v9  }
0x5d: {  	[tilespmem:s16], [sflag:$0x1] =	stream.indirect_vreg.gather [hbm4b:s7+s2], $0x80, v10, vm0, $0xb8;
	[tilespmem:$0x8500] =	vst v63  }
0x5e: {  	_ = 	snop  }
0x5f: {  	[tilespmem:s17], [sflag:$0x1] =	stream.indirect_vreg.gather [hbm4b:s8+s2], $0x80, v10, vm0, $0xb8;
	[tilespmem:$0x8500] =	vst v63  }
0x60: {  	_ = 	snop  }
0x61: {  	[tilespmem:s18], [sflag:$0x1] =	stream.indirect_vreg.gather [hbm4b:s3+s2], $0x80, v9, vm0, $0xb8;
	[tilespmem:$0x8500] =	vst v63  }
0x62: {  	_ = 	snop  }
0x63: {  	[tilespmem:s19], [sflag:$0x1] =	stream.indirect_vreg.gather [hbm4b:s6+s2], $0x80, v9, vm0, $0xb8;
	[tilespmem:$0x8500] =	vst v63  }
0x64: {  	_ = 	snop  }
0x65: {  	[tilespmem:s20], [sflag:$0x1] =	stream.indirect_vreg.gather [hbm4b:s7+s2], $0x80, v9, vm0, $0xb8;
	[tilespmem:$0x8500] =	vst v63  }
0x66: {  	_ = 	snop  }
0x67: {  	[tilespmem:s21], [sflag:$0x1] =	stream.indirect_vreg.gather [hbm4b:s8+s2], $0x80, v9, vm0, $0xb8;
	[tilespmem:$0x8500] =	vst v63  }
0x68: {  	v9 =	vld [tilespmem:$0x490];
	_ =	sdelay $0x4  }
0x69: {  	v10 =	vshll.u32 v9, $0x3  }
0x6a: {  	v9 =	vand.u32 $0x7, v9;
	v10 =	vand.u32 $0xFFFFFFC0, v10  }
0x6b: {  	v9 =	vor.u32 v9, v10  }
0x6c: {  	v10 =	vperm.xlane v9, v6;
	_ =	sdelay $0x1  }
0x6d: {  	v10 =	vadd.s32 v7, v10;
	_ =	sdelay $0x4  }
0x6e: {  	[tilespmem:s22], [sflag:$0x1] =	stream.indirect_vreg.gather [hbm4b:s3+s2], $0x80, v10, vm0, $0xb8;
	[tilespmem:$0x8500] =	vst v63  }
0x6f: {  	v9 =	vperm.xlane v9, v8  }
0x70: {  	[tilespmem:s23], [sflag:$0x1] =	stream.indirect_vreg.gather [hbm4b:s6+s2], $0x80, v10, vm0, $0xb8;
	[tilespmem:$0x8500] =	vst v63  }
0x71: {  	v9 =	vadd.s32 v7, v9  }
0x72: {  	[tilespmem:s24], [sflag:$0x1] =	stream.indirect_vreg.gather [hbm4b:s7+s2], $0x80, v10, vm0, $0xb8;
	[tilespmem:$0x8500] =	vst v63  }
0x73: {  	_ = 	snop  }
0x74: {  	[tilespmem:s25], [sflag:$0x1] =	stream.indirect_vreg.gather [hbm4b:s8+s2], $0x80, v10, vm0, $0xb8;
	[tilespmem:$0x8500] =	vst v63  }
0x75: {  	_ = 	snop  }
0x76: {  	[tilespmem:s26], [sflag:$0x1] =	stream.indirect_vreg.gather [hbm4b:s3+s2], $0x80, v9, vm0, $0xb8;
	[tilespmem:$0x8500] =	vst v63  }
0x77: {  	_ = 	snop  }
0x78: {  	[tilespmem:s28], [sflag:$0x1] =	stream.indirect_vreg.gather [hbm4b:s6+s2], $0x80, v9, vm0, $0xb8;
	[tilespmem:$0x8500] =	vst v63  }
0x79: {  	_ = 	snop  }
0x7a: {  	[tilespmem:s29], [sflag:$0x1] =	stream.indirect_vreg.gather [hbm4b:s7+s2], $0x80, v9, vm0, $0xb8;
	[tilespmem:$0x8500] =	vst v63  }
0x7b: {  	_ = 	snop  }
0x7c: {  	[tilespmem:s30], [sflag:$0x1] =	stream.indirect_vreg.gather [hbm4b:s8+s2], $0x80, v9, vm0, $0xb8;
	[tilespmem:$0x8500] =	vst v63  }
0x7d: {  	s1 =	sadd.s32 $0x1, s1;
	_ =	swait.ge [sflag:s31], $0x8000  }
0x7e: {  	p0 =	sne.s32 s1, s10;
	[sflag:s31] =	ssyncset.done $0x0  }
.Ltmp2:
0x7f: {  	[sflag:s31] =	ssyncadd.s32 $0xFFFF8000;
	(pc) =	sbr.rel @p0 .LBB2_1-.Ltmp2, $4  }
0x80: {  	[hbm4b:s9+s2] =	stream.linear.scatter [tilespmem:s14], [sflag:$0x2], $0x8000, $0x38;
	[tilespmem:$0x8500] =	vst v63  }
0x81: {  	_ =	swait.ge [sflag:s13], $0x8000  }
0x82: {  	[sflag:s13] =	ssyncset.done $0x0  }
0x83: {  	[sflag:s13] =	ssyncadd.s32 $0xFFFF8000  }
0x84: {  	_ =	sfence.sel $0x180000  }
0x85: {  	[bflag:$0x0] =	sbarrier.arrive $0xFFFF  }
0x86: {  	_ =	strace $0x90000047  }
0x87: {  	s0 =	stileid.u32;
	[bflag:$0x2] =	sbarrier.arrive $0xFFFF  }
0x88: {  	p0 =	sne.s32 s0, $0x0;
	s0 =	rddreg [dreg:$0x2]  }
0x89: {  	s0 =	sadd.s32 @!p0 $0x100000, s0  }
0x8a: {  	[sflag:s0] =	ssyncadd.tile.s32 @!p0 $0x1;
	_ =	shalt  }
.Lfunc_end2:
_tile_overlayer_lowered:
.L_overlay_start_2:
0x8b: {  	(tag) =	ssettag $0x2  }
0x8c: {  	s0 =	rddreg [dreg:$0x0];
	s2 =	stileid.u32  }
0x8d: {  	s1 =	rddreg [dreg:$0x1];
	p0 =	sne.s32 s2, $0x0  }
0x8e: {  	s3 =	rddreg [dreg:$0x2];
	[bflag:$0x3] =	sbarrier.arrive $0xFFFF;
	s2 =	simm.s32 @!p0 $0x1C02  }
0x8f: {  	[timem:s3], [sflag:s2] =	dma.local @!p0 [hbm:s0], s1  }
0x90: {  	s0 =	simm.s32 @!p0 $0x2  }
0x91: {  	_ =	swait.ge @!p0 [sflag:s0], s1  }
0x92: {  	s1 =	ssub.s32 @!p0 $0x0, s1;
	[sflag:s0] =	ssyncset.done @!p0 $0x0  }
0x93: {  	[sflag:s0] =	ssyncadd.s32 @!p0 s1  }
0x94: {  	[bflag:$0x3] =	sbarrier.arrive $0xFFFF  }
0x95: {  	_ =	shalt  }

</sc_bundles>
